<compile_context>
chip_gen: v7x
topology: tpu7x:2x2x1
jax: 0.10.2.dev20260603
libtpu: 0.0.44.dev20260713+nightly
codegen_flags: <defaults>
</compile_context>

<pallas_src>
import functools

import jax
import jax.numpy as jnp
from jax import lax
from jax.experimental import pallas as pl
from jax.experimental.pallas import tpu as pltpu
from jax.experimental.pallas import tpu_sc as plsc

N = 10000
E = 320000
D1 = 128
D3 = 640
G = 16

NCORES = 2
NSUB = 16
NTILES = NCORES * NSUB
K = 128
CHUNKS = E // K
NP = 10240

EB = 6400
NB = 2000


def _prep_body(x_ref, w1e_ref, w1n_ref, w2e_ref, b2e_ref, b1n_ref,
               pa_ref, pbc_ref, wf_ref, bf_ref):
    x = x_ref[...]
    pa_ref[...] = jnp.dot(x, w1e_ref[:D1, :], preferred_element_type=jnp.float32)
    pbc_ref[:, :D1] = jnp.dot(x, w1e_ref[D1:2 * D1, :],
                              preferred_element_type=jnp.float32)
    pbc_ref[:, D1:] = jnp.dot(x, w1n_ref[:D1, :],
                              preferred_element_type=jnp.float32)
    w1nb = w1n_ref[D1:, :]
    wf_ref[...] = jnp.dot(w2e_ref[...], w1nb, preferred_element_type=jnp.float32)
    bf_ref[...] = (jnp.dot(b2e_ref[...], w1nb, preferred_element_type=jnp.float32)
                   + b1n_ref[...])


def _prep(x, w1e, w1n, w2e, b2e_2d, b1n_2d):
    grid = N // NB
    return pl.pallas_call(
        _prep_body,
        grid=(grid,),
        in_specs=[
            pl.BlockSpec((NB, D1), lambda i: (i, 0)),
            pl.BlockSpec((3 * D1, D1), lambda i: (0, 0)),
            pl.BlockSpec((6 * D1, D1), lambda i: (0, 0)),
            pl.BlockSpec((D1, D3), lambda i: (0, 0)),
            pl.BlockSpec((1, D3), lambda i: (0, 0)),
            pl.BlockSpec((1, D1), lambda i: (0, 0)),
        ],
        out_specs=[
            pl.BlockSpec((NB, D1), lambda i: (i, 0)),
            pl.BlockSpec((NB, 2 * D1), lambda i: (i, 0)),
            pl.BlockSpec((D1, D1), lambda i: (0, 0)),
            pl.BlockSpec((1, D1), lambda i: (0, 0)),
        ],
        out_shape=[
            jax.ShapeDtypeStruct((N, D1), jnp.float32),
            jax.ShapeDtypeStruct((N, 2 * D1), jnp.float32),
            jax.ShapeDtypeStruct((D1, D1), jnp.float32),
            jax.ShapeDtypeStruct((1, D1), jnp.float32),
        ],
    )(x, w1e, w1n, w2e, b2e_2d, b1n_2d)


def _gather_mesh():
    return plsc.VectorSubcoreMesh(core_axis_name="c", subcore_axis_name="s",
                                  num_cores=NCORES, num_subcores=NSUB)


def _gather(pa, pbc, row, col):
    @functools.partial(
        pl.kernel,
        out_type=jax.ShapeDtypeStruct((E, 2 * D1), jnp.float32),
        mesh=_gather_mesh(),
        scratch_types=[
            pltpu.VMEM(((CHUNKS // NTILES + 1) * K,), jnp.int32),
            pltpu.VMEM(((CHUNKS // NTILES + 1) * K,), jnp.int32),
            pltpu.VMEM((K, D1), jnp.float32),
            pltpu.VMEM((K, D1), jnp.float32),
            pltpu.VMEM((K, 2 * D1), jnp.float32),
            pltpu.VMEM((K, 2 * D1), jnp.float32),
            pltpu.SemaphoreType.DMA,
        ],
    )
    def k(pa_hbm, pbc_hbm, row_hbm, col_hbm, gab_hbm,
          ridx_all, cidx_all, abuf0, abuf1, bcbuf0, bcbuf1, gsem):
        cid = lax.axis_index("c")
        sid = lax.axis_index("s")
        wid = sid * NCORES + cid
        base_t = CHUNKS // NTILES
        rem = CHUNKS % NTILES
        trips = base_t + jnp.where(wid < rem, 1, 0)
        base = wid * base_t + jnp.minimum(wid, rem)

        abuf = (abuf0, abuf1)
        bcbuf = (bcbuf0, bcbuf1)

        pltpu.sync_copy(row_hbm.at[pl.ds(base * K, base_t * K)],
                        ridx_all.at[pl.ds(0, base_t * K)])
        pltpu.sync_copy(col_hbm.at[pl.ds(base * K, base_t * K)],
                        cidx_all.at[pl.ds(0, base_t * K)])

        @pl.when(trips > base_t)
        def _():
            pltpu.sync_copy(row_hbm.at[pl.ds((base + base_t) * K, K)],
                            ridx_all.at[pl.ds(base_t * K, K)])
            pltpu.sync_copy(col_hbm.at[pl.ds((base + base_t) * K, K)],
                            cidx_all.at[pl.ds(base_t * K, K)])

        def issue(t, b):
            loff = t * K
            pltpu.async_copy(pa_hbm.at[ridx_all.at[pl.ds(loff, K)]],
                             abuf[b], gsem)
            pltpu.async_copy(pbc_hbm.at[cidx_all.at[pl.ds(loff, K)]],
                             bcbuf[b], gsem)

        def wait(t, b):
            loff = t * K
            pltpu.make_async_copy(pa_hbm.at[ridx_all.at[pl.ds(loff, K)]],
                                  abuf[b], gsem).wait()
            pltpu.make_async_copy(pbc_hbm.at[cidx_all.at[pl.ds(loff, K)]],
                                  bcbuf[b], gsem).wait()

        issue(0, 0)

        @pl.loop(0, trips, step=2)
        def _t(t):
            for b in range(2):
                tt = t + b

                @pl.when(tt < trips)
                def _():
                    @pl.when(tt + 1 < trips)
                    def _():
                        issue(tt + 1, 1 - b)

                    wait(tt, b)

                    @pl.loop(0, K)
                    def _k(kk):
                        for j in range(D1 // 16):
                            sl = pl.ds(j * 16, 16)
                            bcbuf[b][kk, sl] = (bcbuf[b][kk, sl]
                                                + abuf[b][kk, sl])

                    eoff = (base + tt) * K
                    pltpu.sync_copy(bcbuf[b], gab_hbm.at[pl.ds(eoff, K), :])

    return k(pa, pbc, row, col)


def _edge_body(ea_ref, gab_ref, w1ec_ref, wf_ref, b1e_ref, bf_ref, nh_ref):
    c = jnp.dot(ea_ref[...], w1ec_ref[...], preferred_element_type=jnp.float32)
    e_h = jnp.maximum(gab_ref[:, :D1] + c + b1e_ref[...], 0.0)
    nh_ref[...] = jnp.maximum(
        gab_ref[:, D1:]
        + jnp.dot(e_h, wf_ref[...], preferred_element_type=jnp.float32)
        + bf_ref[...], 0.0)


def _edge(edge_attr, gab, w1ec, wf, b1e_2d, bf_2d):
    grid = E // EB
    return pl.pallas_call(
        _edge_body,
        grid=(grid,),
        in_specs=[
            pl.BlockSpec((EB, D1), lambda i: (i, 0)),
            pl.BlockSpec((EB, 2 * D1), lambda i: (i, 0)),
            pl.BlockSpec((D1, D1), lambda i: (0, 0)),
            pl.BlockSpec((D1, D1), lambda i: (0, 0)),
            pl.BlockSpec((1, D1), lambda i: (0, 0)),
            pl.BlockSpec((1, D1), lambda i: (0, 0)),
        ],
        out_specs=pl.BlockSpec((EB, D1), lambda i: (i, 0)),
        out_shape=jax.ShapeDtypeStruct((E, D1), jnp.float32),
    )(edge_attr, gab, w1ec, wf, b1e_2d, bf_2d)


def _cnt_body(row_ref, m_ref):
    i = pl.program_id(0)
    r = row_ref[0]
    hi = r // D1
    lo = lax.rem(r, D1)
    riota = lax.broadcasted_iota(jnp.int32, (D1, EB), 0)
    ohhi = jnp.where(hi == riota, 1.0, 0.0)
    ohlo = jnp.where(lo == riota, 1.0, 0.0)
    part = lax.dot_general(ohhi, ohlo, (((1,), (1,)), ((), ())),
                           preferred_element_type=jnp.float32)

    @pl.when(i == 0)
    def _():
        m_ref[...] = part

    @pl.when(i > 0)
    def _():
        m_ref[...] = m_ref[...] + part


def _cntmat(row3):
    grid = E // EB
    return pl.pallas_call(
        _cnt_body,
        grid=(grid,),
        in_specs=[pl.BlockSpec((1, 1, EB), lambda i: (i, 0, 0))],
        out_specs=pl.BlockSpec((D1, D1), lambda i: (0, 0)),
        out_shape=jax.ShapeDtypeStruct((D1, D1), jnp.float32),
    )(row3)


def _nodew_body(cp_ref, cnt_ref, nw_ref):
    c = cp_ref[...]
    cnt_ref[...] = c
    nw_ref[...] = 1.0 / jnp.maximum(c, 1.0)


def _nodew(cparts):
    return pl.pallas_call(
        _nodew_body,
        out_shape=[jax.ShapeDtypeStruct((1, NP), jnp.float32),
                   jax.ShapeDtypeStruct((1, NP), jnp.float32)],
    )(cparts)


def _gather2(nw_tab, bat_tab, row):
    @functools.partial(
        pl.kernel,
        out_type=(jax.ShapeDtypeStruct((E,), jnp.float32),
                  jax.ShapeDtypeStruct((E,), jnp.int32)),
        mesh=_gather_mesh(),
        scratch_types=[
            pltpu.VMEM(((CHUNKS // NTILES + 1) * K,), jnp.int32),
            pltpu.VMEM((K,), jnp.float32),
            pltpu.VMEM((K,), jnp.float32),
            pltpu.VMEM((K,), jnp.int32),
            pltpu.VMEM((K,), jnp.int32),
            pltpu.SemaphoreType.DMA,
        ],
    )
    def k(nw_hbm, bat_hbm, row_hbm, wout_hbm, gout_hbm,
          ridx_all, nwbuf0, nwbuf1, gbbuf0, gbbuf1, sem):
        cid = lax.axis_index("c")
        sid = lax.axis_index("s")
        wid = sid * NCORES + cid
        base_t = CHUNKS // NTILES
        rem = CHUNKS % NTILES
        trips = base_t + jnp.where(wid < rem, 1, 0)
        base = wid * base_t + jnp.minimum(wid, rem)

        nwbuf = (nwbuf0, nwbuf1)
        gbbuf = (gbbuf0, gbbuf1)

        pltpu.sync_copy(row_hbm.at[pl.ds(base * K, base_t * K)],
                        ridx_all.at[pl.ds(0, base_t * K)])

        @pl.when(trips > base_t)
        def _():
            pltpu.sync_copy(row_hbm.at[pl.ds((base + base_t) * K, K)],
                            ridx_all.at[pl.ds(base_t * K, K)])

        def issue(t, b):
            loff = t * K
            pltpu.async_copy(nw_hbm.at[ridx_all.at[pl.ds(loff, K)]],
                             nwbuf[b], sem)
            pltpu.async_copy(bat_hbm.at[ridx_all.at[pl.ds(loff, K)]],
                             gbbuf[b], sem)

        def wait(t, b):
            loff = t * K
            pltpu.make_async_copy(nw_hbm.at[ridx_all.at[pl.ds(loff, K)]],
                                  nwbuf[b], sem).wait()
            pltpu.make_async_copy(bat_hbm.at[ridx_all.at[pl.ds(loff, K)]],
                                  gbbuf[b], sem).wait()

        issue(0, 0)

        @pl.loop(0, trips, step=2)
        def _t(t):
            for b in range(2):
                tt = t + b

                @pl.when(tt < trips)
                def _():
                    @pl.when(tt + 1 < trips)
                    def _():
                        issue(tt + 1, 1 - b)

                    wait(tt, b)
                    eoff = (base + tt) * K
                    pltpu.sync_copy(nwbuf[b], wout_hbm.at[pl.ds(eoff, K)])
                    pltpu.sync_copy(gbbuf[b], gout_hbm.at[pl.ds(eoff, K)])

    return k(nw_tab, bat_tab, row)


def _wred_body(nw_ref, gb_ref, nh_ref, t_ref):
    i = pl.program_id(0)
    nw = nw_ref[0]
    gb = gb_ref[0]
    gi = lax.broadcasted_iota(jnp.int32, (G, EB), 0)
    wt = jnp.where(gb == gi, 1.0, 0.0) * nw
    part = jnp.dot(wt, nh_ref[...], preferred_element_type=jnp.float32)

    @pl.when(i == 0)
    def _():
        t_ref[...] = part

    @pl.when(i > 0)
    def _():
        t_ref[...] = t_ref[...] + part


def _wreduce(nw3, gb3, nh):
    grid = E // EB
    return pl.pallas_call(
        _wred_body,
        grid=(grid,),
        in_specs=[
            pl.BlockSpec((1, 1, EB), lambda i: (i, 0, 0)),
            pl.BlockSpec((1, 1, EB), lambda i: (i, 0, 0)),
            pl.BlockSpec((EB, D1), lambda i: (i, 0)),
        ],
        out_specs=pl.BlockSpec((G, D1), lambda i: (0, 0)),
        out_shape=jax.ShapeDtypeStruct((G, D1), jnp.float32),
    )(nw3, gb3, nh)


def _final_body(t_ref, cnt_ref, batch_ref, u_ref, w2n_ref, b2n_ref,
                w1gu_ref, w1gp_ref, b1g_ref, w2g_ref, b2g_ref,
                wfc1_ref, bfc1_ref, wfc2_ref, bfc2_ref, bng_ref, bnb_ref,
                out_ref):
    cnt = cnt_ref[...]
    nz = jnp.where(cnt > 0, 1.0, 0.0)
    gidx = lax.broadcasted_iota(jnp.int32, (G, NP), 0)
    oh = jnp.where(batch_ref[...] == gidx, 1.0, 0.0)
    t = t_ref[...]
    m = jnp.sum(oh * nz, axis=1, keepdims=True)
    pcnt = jnp.sum(oh, axis=1, keepdims=True)
    psum = (jnp.dot(t, w2n_ref[...], preferred_element_type=jnp.float32)
            + m * b2n_ref[...])
    pooled = psum / jnp.maximum(pcnt, 1.0)
    gh = jnp.maximum(
        jnp.dot(u_ref[...], w1gu_ref[...], preferred_element_type=jnp.float32)
        + jnp.dot(pooled, w1gp_ref[...], preferred_element_type=jnp.float32)
        + b1g_ref[...], 0.0)
    u2 = jnp.dot(gh, w2g_ref[...], preferred_element_type=jnp.float32) + b2g_ref[...]
    h = jnp.dot(u2, wfc1_ref[...], preferred_element_type=jnp.float32) + bfc1_ref[...]
    h = h * (1.0 / jnp.sqrt(jnp.float32(1.0 + 1e-5))) * bng_ref[...] + bnb_ref[...]
    h = jnp.maximum(h, 0.0)
    logits = jnp.dot(h, wfc2_ref[...], preferred_element_type=jnp.float32) + bfc2_ref[...]
    mx = jnp.max(logits, axis=1, keepdims=True)
    ex = jnp.exp(logits - mx)
    out_ref[...] = (logits - mx) - jnp.log(jnp.sum(ex, axis=1, keepdims=True))


def _final(t, cnt, batch_2d, u, w2n, b2n_2d, w1gu, w1gp, b1g_2d,
           w2g, b2g_2d, wfc1, bfc1_2d, wfc2, bfc2_2d, bng_2d, bnb_2d):
    return pl.pallas_call(
        _final_body,
        out_shape=jax.ShapeDtypeStruct((G, 16), jnp.float32),
    )(t, cnt, batch_2d, u, w2n, b2n_2d, w1gu, w1gp, b1g_2d,
      w2g, b2g_2d, wfc1, bfc1_2d, wfc2, bfc2_2d, bng_2d, bnb_2d)


def kernel(x, edge_index, edge_attr, u, batch,
           W1e, b1e, W2e, b2e, W1n, b1n, W2n, b2n,
           W1g, b1g, W2g, b2g, Wfc1, bfc1, Wfc2, bfc2, bn1_g, bn1_b):
    row = edge_index[0]
    col = edge_index[1]
    pa, pbc, wf, bf = _prep(x, W1e, W1n, W2e,
                            b2e.reshape(1, D3), b1n.reshape(1, D1))
    gab = _gather(pa, pbc, row, col)
    nh = _edge(edge_attr, gab, W1e[2 * D1:], wf, b1e.reshape(1, D1), bf)
    row32 = row.astype(jnp.int32)
    m = _cntmat(row32.reshape(E // EB, 1, EB))
    cnt, nw = _nodew(m.reshape(1, D1 * D1)[:, :NP])
    batch_pad = jnp.concatenate(
        [batch.astype(jnp.int32), jnp.full((NP - N,), G, jnp.int32)])
    nwe, gbe = _gather2(nw.reshape(NP), batch_pad, row)
    t = _wreduce(nwe.reshape(E // EB, 1, EB), gbe.reshape(E // EB, 1, EB), nh)
    return _final(t, cnt, batch_pad.reshape(1, NP), u,
                  W2n, b2n.reshape(1, D3), W1g[:1], W1g[1:],
                  b1g.reshape(1, D1), W2g, b2g.reshape(1, D3),
                  Wfc1, bfc1.reshape(1, -1), Wfc2, bfc2.reshape(1, -1),
                  bn1_g.reshape(1, -1), bn1_b.reshape(1, -1))

# --- scband reference (transcript-rebuilt; emitter-appended) ---
"""Pipeline reference for scband-meta1-74569222193913 (READ-ONLY COPY).

The authoritative reference and input builder live on the scoring server;
editing this copy changes nothing except your own understanding.
"""

import jax, jax.numpy as jnp
import numpy as np

N = 10000
E = 320000
D1 = 128
D2 = 128
D3 = 640
D5 = 64
NC = 16
G = 16

def setup_inputs(seed: int = 0) -> dict:
    key = jax.random.key(seed)
    ks = jax.random.split(key, 16)
    def nrm(k, shape, scale=0.05):
        return jax.random.normal(k, shape, dtype=jnp.float32) * scale
    inp = {}
    inp["x"] = jax.random.normal(ks[0], (N, D1), dtype=jnp.float32)
    inp["edge_index"] = jax.random.randint(ks[1], (2, E), 0, N)
    inp["edge_attr"] = jax.random.normal(ks[2], (E, D1), dtype=jnp.float32)
    inp["u"] = jax.random.normal(ks[3], (G, 1), dtype=jnp.float32)
    inp["batch"] = jnp.sort(jax.random.randint(ks[4], (N,), 0, G))
    inp["W1e"] = nrm(ks[5], (3 * D1, D2)); inp["b1e"] = jnp.zeros((D2,), jnp.float32)
    inp["W2e"] = nrm(ks[6], (D2, D3)); inp["b2e"] = jnp.zeros((D3,), jnp.float32)
    inp["W1n"] = nrm(ks[7], (6 * D1, D2)); inp["b1n"] = jnp.zeros((D2,), jnp.float32)
    inp["W2n"] = nrm(ks[8], (D2, D3)); inp["b2n"] = jnp.zeros((D3,), jnp.float32)
    inp["W1g"] = nrm(ks[9], (D3 + 1, D2)); inp["b1g"] = jnp.zeros((D2,), jnp.float32)
    inp["W2g"] = nrm(ks[10], (D2, D3)); inp["b2g"] = jnp.zeros((D3,), jnp.float32)
    inp["Wfc1"] = nrm(ks[11], (D3, D5)); inp["bfc1"] = jnp.zeros((D5,), jnp.float32)
    inp["Wfc2"] = nrm(ks[12], (D5, NC)); inp["bfc2"] = jnp.zeros((NC,), jnp.float32)
    inp["bn1_g"] = jnp.ones((D5,), jnp.float32); inp["bn1_b"] = jnp.zeros((D5,), jnp.float32)
    return inp

def reference(x, edge_index, edge_attr, u, batch, W1e, b1e, W2e, b2e, W1n, b1n, W2n, b2n, W1g, b1g, W2g, b2g, Wfc1, bfc1, Wfc2, bfc2, bn1_g, bn1_b):
    row = edge_index[0]
    col = edge_index[1]
    # edge model: cat([source, target, edge_attr]) -> MLP
    e_in = jnp.concatenate([x[row], x[col], edge_attr], axis=1)
    e_h = jax.nn.relu(e_in @ W1e + b1e)
    edge_attr2 = e_h @ W2e + b2e
    # node model: cat([x[col], new_edge_attr]) -> MLP -> scatter_mean over row
    n_in = jnp.concatenate([x[col], edge_attr2], axis=1)
    n_h = jax.nn.relu(n_in @ W1n + b1n)
    n_out = n_h @ W2n + b2n
    sums = jax.ops.segment_sum(n_out, row, num_segments=N)
    cnt = jax.ops.segment_sum(jnp.ones((E,), jnp.float32), row, num_segments=N)
    x2 = sums / jnp.maximum(cnt, 1.0)[:, None]
    # global model: cat([u, scatter_mean(x2, batch)]) -> MLP
    psum = jax.ops.segment_sum(x2, batch, num_segments=G)
    pcnt = jax.ops.segment_sum(jnp.ones((N,), jnp.float32), batch, num_segments=G)
    pooled = psum / jnp.maximum(pcnt, 1.0)[:, None]
    g_in = jnp.concatenate([u, pooled], axis=1)
    g_h = jax.nn.relu(g_in @ W1g + b1g)
    u2 = g_h @ W2g + b2g
    # readout head: fc1 -> BN(eval: running mean 0 / var 1) -> relu -> dropout(eval: identity) -> fc2 -> log_softmax
    h = u2 @ Wfc1 + bfc1
    h = (h / jnp.sqrt(jnp.float32(1.0 + 1e-5))) * bn1_g + bn1_b
    h = jax.nn.relu(h)
    logits = h @ Wfc2 + bfc2
    return jax.nn.log_softmax(logits, axis=1)

if __name__ == "__main__":
    import jax
    _d = setup_inputs()
    print(jax.jit(kernel)(*tuple(_d.values())))

</pallas_src>

<mosaic_0001>
#map = affine_map<(d0, d1) -> (0, 0)>
#map1 = affine_map<(d0, d1) -> (0)>
module attributes {stable_mosaic.version = 14 : i64} {
  func.func @k(%arg0: i32, %arg1: i32, %arg2: memref<10000x128xf32, #tpu.memory_space<hbm>>, %arg3: memref<10000x256xf32, #tpu.memory_space<hbm>>, %arg4: memref<320000xi32, #tpu.memory_space<hbm>>, %arg5: memref<320000xi32, #tpu.memory_space<hbm>>, %arg6: memref<320000x256xf32, #tpu.memory_space<hbm>>, %arg7: memref<10112xi32, #tpu.memory_space<vmem>>, %arg8: memref<10112xi32, #tpu.memory_space<vmem>>, %arg9: memref<128x128xf32, #tpu.memory_space<vmem>>, %arg10: memref<128x128xf32, #tpu.memory_space<vmem>>, %arg11: memref<128x256xf32, #tpu.memory_space<vmem>>, %arg12: memref<128x256xf32, #tpu.memory_space<vmem>>, %arg13: memref<!tpu.dma_semaphore, #tpu.memory_space<semaphore_mem>>) attributes {dimension_semantics = [#tpu.dimension_semantics<core_parallel>, #tpu.dimension_semantics<subcore_parallel>], iteration_bounds = array<i64: 2, 16>, scalar_prefetch = 0 : i64, scratch_operands = 7 : i64, tpu.core_type = #tpu.core_type<sc_vector_subcore>, window_params = [{transform_indices = #map}, {transform_indices = #map}, {transform_indices = #map1}, {transform_indices = #map1}, {transform_indices = #map}]} {
    %mul3A = arith.constant 2 : i32
    %mul3A_0 = arith.muli %arg1, %mul3A : i32
    %add3A = arith.addi %mul3A_0, %arg0 : i32
    %lt3A = arith.constant 4 : i32
    %lt3A_1 = arith.cmpi slt, %add3A, %lt3A : i32
    %jit3A = arith.constant 1 : i32
    %jit3A_2 = arith.constant 0 : i32
    %select_n3A = arith.select %lt3A_1, %jit3A, %jit3A_2 : i32
    %add3A_3 = arith.constant 78 : i32
    %add3A_4 = arith.addi %add3A_3, %select_n3A : i32
    %mul3A_5 = arith.constant 78 : i32
    %mul3A_6 = arith.muli %add3A, %mul3A_5 : i32
    %min3A = arith.constant 4 : i32
    %min3A_7 = arith.minsi %add3A, %min3A : i32
    %add3A_8 = arith.addi %mul3A_6, %min3A_7 : i32
    %mul3A_9 = arith.constant 128 : i32
    %mul3A_10 = arith.muli %add3A_8, %mul3A_9 : i32
    "tpu.region"() ({
      %run_scoped3A = tpu.sem_alloc : memref<!tpu.dma_semaphore, #tpu.memory_space<semaphore_mem>>
      %dma_start3A_40 = arith.constant 0 : i32
      %dma_start3A_41 = tpu.memref_slice %arg7[%dma_start3A_40] : memref<10112xi32, #tpu.memory_space<vmem>> -> memref<9984xi32, #tpu.memory_space<vmem>>
      %dma_start3A_42 = tpu.memref_slice %arg4[%mul3A_10] : memref<320000xi32, #tpu.memory_space<hbm>> -> memref<9984xi32, #tpu.memory_space<hbm>>
      %dma_start3A_43 = arith.constant 0 : i32
      %dma_start3A_44 = tpu.memref_slice %arg7[%dma_start3A_43] : memref<10112xi32, #tpu.memory_space<vmem>> -> memref<9984xi32, #tpu.memory_space<vmem>>
      %dma_start3A_45 = tpu.memref_slice %arg4[%mul3A_10] : memref<320000xi32, #tpu.memory_space<hbm>> -> memref<9984xi32, #tpu.memory_space<hbm>>
      tpu.enqueue_dma source(%dma_start3A_45 : memref<9984xi32, #tpu.memory_space<hbm>>) target(%dma_start3A_44 : memref<9984xi32, #tpu.memory_space<vmem>>) target_semaphore(%run_scoped3A : memref<!tpu.dma_semaphore, #tpu.memory_space<semaphore_mem>>)
      %dma_wait3A = arith.constant 0 : i32
      %dma_wait3A_46 = tpu.memref_slice %arg7[%dma_wait3A] : memref<10112xi32, #tpu.memory_space<vmem>> -> memref<9984xi32, #tpu.memory_space<vmem>>
      %dma_wait3A_47 = tpu.memref_slice %arg4[%mul3A_10] : memref<320000xi32, #tpu.memory_space<hbm>> -> memref<9984xi32, #tpu.memory_space<hbm>>
      %dma_wait3A_48 = arith.constant 0 : i32
      %dma_wait3A_49 = tpu.memref_slice %arg7[%dma_wait3A_48] : memref<10112xi32, #tpu.memory_space<vmem>> -> memref<9984xi32, #tpu.memory_space<vmem>>
      %dma_wait3A_50 = tpu.memref_slice %arg4[%mul3A_10] : memref<320000xi32, #tpu.memory_space<hbm>> -> memref<9984xi32, #tpu.memory_space<hbm>>
      tpu.wait_dma2 semaphore(%run_scoped3A : memref<!tpu.dma_semaphore, #tpu.memory_space<semaphore_mem>>) src(%dma_wait3A_50 : memref<9984xi32, #tpu.memory_space<hbm>>) dst(%dma_wait3A_49 : memref<9984xi32, #tpu.memory_space<vmem>>)
      tpu.yield
    }) : () -> ()
    %mul3A_11 = arith.constant 128 : i32
    %mul3A_12 = arith.muli %add3A_8, %mul3A_11 : i32
    "tpu.region"() ({
      %run_scoped3A = tpu.sem_alloc : memref<!tpu.dma_semaphore, #tpu.memory_space<semaphore_mem>>
      %dma_start3A_40 = arith.constant 0 : i32
      %dma_start3A_41 = tpu.memref_slice %arg8[%dma_start3A_40] : memref<10112xi32, #tpu.memory_space<vmem>> -> memref<9984xi32, #tpu.memory_space<vmem>>
      %dma_start3A_42 = tpu.memref_slice %arg5[%mul3A_12] : memref<320000xi32, #tpu.memory_space<hbm>> -> memref<9984xi32, #tpu.memory_space<hbm>>
      %dma_start3A_43 = arith.constant 0 : i32
      %dma_start3A_44 = tpu.memref_slice %arg8[%dma_start3A_43] : memref<10112xi32, #tpu.memory_space<vmem>> -> memref<9984xi32, #tpu.memory_space<vmem>>
      %dma_start3A_45 = tpu.memref_slice %arg5[%mul3A_12] : memref<320000xi32, #tpu.memory_space<hbm>> -> memref<9984xi32, #tpu.memory_space<hbm>>
      tpu.enqueue_dma source(%dma_start3A_45 : memref<9984xi32, #tpu.memory_space<hbm>>) target(%dma_start3A_44 : memref<9984xi32, #tpu.memory_space<vmem>>) target_semaphore(%run_scoped3A : memref<!tpu.dma_semaphore, #tpu.memory_space<semaphore_mem>>)
      %dma_wait3A = arith.constant 0 : i32
      %dma_wait3A_46 = tpu.memref_slice %arg8[%dma_wait3A] : memref<10112xi32, #tpu.memory_space<vmem>> -> memref<9984xi32, #tpu.memory_space<vmem>>
      %dma_wait3A_47 = tpu.memref_slice %arg5[%mul3A_12] : memref<320000xi32, #tpu.memory_space<hbm>> -> memref<9984xi32, #tpu.memory_space<hbm>>
      %dma_wait3A_48 = arith.constant 0 : i32
      %dma_wait3A_49 = tpu.memref_slice %arg8[%dma_wait3A_48] : memref<10112xi32, #tpu.memory_space<vmem>> -> memref<9984xi32, #tpu.memory_space<vmem>>
      %dma_wait3A_50 = tpu.memref_slice %arg5[%mul3A_12] : memref<320000xi32, #tpu.memory_space<hbm>> -> memref<9984xi32, #tpu.memory_space<hbm>>
      tpu.wait_dma2 semaphore(%run_scoped3A : memref<!tpu.dma_semaphore, #tpu.memory_space<semaphore_mem>>) src(%dma_wait3A_50 : memref<9984xi32, #tpu.memory_space<hbm>>) dst(%dma_wait3A_49 : memref<9984xi32, #tpu.memory_space<vmem>>)
      tpu.yield
    }) : () -> ()
    %gt3A = arith.constant 78 : i32
    %gt3A_13 = arith.cmpi sgt, %add3A_4, %gt3A : i32
    %convert_element_type3A = arith.extui %gt3A_13 : i1 to i32
    %cond3A = arith.constant 0 : i32
    %cond3A_14 = arith.cmpi ne, %convert_element_type3A, %cond3A : i32
    scf.if %cond3A_14 {
      %add3A_40 = arith.constant 78 : i32
      %add3A_41 = arith.addi %add3A_8, %add3A_40 : i32
      %mul3A_42 = arith.constant 128 : i32
      %mul3A_43 = arith.muli %add3A_41, %mul3A_42 : i32
      "tpu.region"() ({
        %run_scoped3A = tpu.sem_alloc : memref<!tpu.dma_semaphore, #tpu.memory_space<semaphore_mem>>
        %dma_start3A_48 = arith.constant 9984 : i32
        %dma_start3A_49 = tpu.memref_slice %arg7[%dma_start3A_48] : memref<10112xi32, #tpu.memory_space<vmem>> -> memref<128xi32, #tpu.memory_space<vmem>>
        %dma_start3A_50 = tpu.memref_slice %arg4[%mul3A_43] : memref<320000xi32, #tpu.memory_space<hbm>> -> memref<128xi32, #tpu.memory_space<hbm>>
        %dma_start3A_51 = arith.constant 9984 : i32
        %dma_start3A_52 = tpu.memref_slice %arg7[%dma_start3A_51] : memref<10112xi32, #tpu.memory_space<vmem>> -> memref<128xi32, #tpu.memory_space<vmem>>
        %dma_start3A_53 = tpu.memref_slice %arg4[%mul3A_43] : memref<320000xi32, #tpu.memory_space<hbm>> -> memref<128xi32, #tpu.memory_space<hbm>>
        tpu.enqueue_dma source(%dma_start3A_53 : memref<128xi32, #tpu.memory_space<hbm>>) target(%dma_start3A_52 : memref<128xi32, #tpu.memory_space<vmem>>) target_semaphore(%run_scoped3A : memref<!tpu.dma_semaphore, #tpu.memory_space<semaphore_mem>>)
        %dma_wait3A = arith.constant 9984 : i32
        %dma_wait3A_54 = tpu.memref_slice %arg7[%dma_wait3A] : memref<10112xi32, #tpu.memory_space<vmem>> -> memref<128xi32, #tpu.memory_space<vmem>>
        %dma_wait3A_55 = tpu.memref_slice %arg4[%mul3A_43] : memref<320000xi32, #tpu.memory_space<hbm>> -> memref<128xi32, #tpu.memory_space<hbm>>
        %dma_wait3A_56 = arith.constant 9984 : i32
        %dma_wait3A_57 = tpu.memref_slice %arg7[%dma_wait3A_56] : memref<10112xi32, #tpu.memory_space<vmem>> -> memref<128xi32, #tpu.memory_space<vmem>>
        %dma_wait3A_58 = tpu.memref_slice %arg4[%mul3A_43] : memref<320000xi32, #tpu.memory_space<hbm>> -> memref<128xi32, #tpu.memory_space<hbm>>
        tpu.wait_dma2 semaphore(%run_scoped3A : memref<!tpu.dma_semaphore, #tpu.memory_space<semaphore_mem>>) src(%dma_wait3A_58 : memref<128xi32, #tpu.memory_space<hbm>>) dst(%dma_wait3A_57 : memref<128xi32, #tpu.memory_space<vmem>>)
        tpu.yield
      }) : () -> ()
      %add3A_44 = arith.constant 78 : i32
      %add3A_45 = arith.addi %add3A_8, %add3A_44 : i32
      %mul3A_46 = arith.constant 128 : i32
      %mul3A_47 = arith.muli %add3A_45, %mul3A_46 : i32
      "tpu.region"() ({
        %run_scoped3A = tpu.sem_alloc : memref<!tpu.dma_semaphore, #tpu.memory_space<semaphore_mem>>
        %dma_start3A_48 = arith.constant 9984 : i32
        %dma_start3A_49 = tpu.memref_slice %arg8[%dma_start3A_48] : memref<10112xi32, #tpu.memory_space<vmem>> -> memref<128xi32, #tpu.memory_space<vmem>>
        %dma_start3A_50 = tpu.memref_slice %arg5[%mul3A_47] : memref<320000xi32, #tpu.memory_space<hbm>> -> memref<128xi32, #tpu.memory_space<hbm>>
        %dma_start3A_51 = arith.constant 9984 : i32
        %dma_start3A_52 = tpu.memref_slice %arg8[%dma_start3A_51] : memref<10112xi32, #tpu.memory_space<vmem>> -> memref<128xi32, #tpu.memory_space<vmem>>
        %dma_start3A_53 = tpu.memref_slice %arg5[%mul3A_47] : memref<320000xi32, #tpu.memory_space<hbm>> -> memref<128xi32, #tpu.memory_space<hbm>>
        tpu.enqueue_dma source(%dma_start3A_53 : memref<128xi32, #tpu.memory_space<hbm>>) target(%dma_start3A_52 : memref<128xi32, #tpu.memory_space<vmem>>) target_semaphore(%run_scoped3A : memref<!tpu.dma_semaphore, #tpu.memory_space<semaphore_mem>>)
        %dma_wait3A = arith.constant 9984 : i32
        %dma_wait3A_54 = tpu.memref_slice %arg8[%dma_wait3A] : memref<10112xi32, #tpu.memory_space<vmem>> -> memref<128xi32, #tpu.memory_space<vmem>>
        %dma_wait3A_55 = tpu.memref_slice %arg5[%mul3A_47] : memref<320000xi32, #tpu.memory_space<hbm>> -> memref<128xi32, #tpu.memory_space<hbm>>
        %dma_wait3A_56 = arith.constant 9984 : i32
        %dma_wait3A_57 = tpu.memref_slice %arg8[%dma_wait3A_56] : memref<10112xi32, #tpu.memory_space<vmem>> -> memref<128xi32, #tpu.memory_space<vmem>>
        %dma_wait3A_58 = tpu.memref_slice %arg5[%mul3A_47] : memref<320000xi32, #tpu.memory_space<hbm>> -> memref<128xi32, #tpu.memory_space<hbm>>
        tpu.wait_dma2 semaphore(%run_scoped3A : memref<!tpu.dma_semaphore, #tpu.memory_space<semaphore_mem>>) src(%dma_wait3A_58 : memref<128xi32, #tpu.memory_space<hbm>>) dst(%dma_wait3A_57 : memref<128xi32, #tpu.memory_space<vmem>>)
        tpu.yield
      }) : () -> ()
    } else {
    }
    %dma_start3A = arith.constant 0 : i32
    %dma_start3A_15 = tpu.memref_slice %arg7[%dma_start3A] : memref<10112xi32, #tpu.memory_space<vmem>> -> memref<128xi32, #tpu.memory_space<vmem>>
    %dma_start3A_16 = arith.constant 0 : i32
    %dma_start3A_17 = arith.constant 0 : i32
    %dma_start3A_18 = tpu.memref_slice %arg2[%dma_start3A_16, %dma_start3A_17] : memref<10000x128xf32, #tpu.memory_space<hbm>> -> memref<10000x128xf32, #tpu.memory_space<hbm>>
    tpu.enqueue_indirect_dma source(%dma_start3A_18 : memref<10000x128xf32, #tpu.memory_space<hbm>>) target(%arg9 : memref<128x128xf32, #tpu.memory_space<vmem>>) offsets(%dma_start3A_15 : memref<128xi32, #tpu.memory_space<vmem>>) semaphore(%arg13 : memref<!tpu.dma_semaphore, #tpu.memory_space<semaphore_mem>>)
    %dma_start3A_19 = arith.constant 0 : i32
    %dma_start3A_20 = tpu.memref_slice %arg8[%dma_start3A_19] : memref<10112xi32, #tpu.memory_space<vmem>> -> memref<128xi32, #tpu.memory_space<vmem>>
    %dma_start3A_21 = arith.constant 0 : i32
    %dma_start3A_22 = arith.constant 0 : i32
    %dma_start3A_23 = tpu.memref_slice %arg3[%dma_start3A_21, %dma_start3A_22] : memref<10000x256xf32, #tpu.memory_space<hbm>> -> memref<10000x256xf32, #tpu.memory_space<hbm>>
    tpu.enqueue_indirect_dma source(%dma_start3A_23 : memref<10000x256xf32, #tpu.memory_space<hbm>>) target(%arg11 : memref<128x256xf32, #tpu.memory_space<vmem>>) offsets(%dma_start3A_20 : memref<128xi32, #tpu.memory_space<vmem>>) semaphore(%arg13 : memref<!tpu.dma_semaphore, #tpu.memory_space<semaphore_mem>>)
    %sub3A = arith.constant 0 : i32
    %sub3A_24 = arith.subi %add3A_4, %sub3A : i32
    %sub3A_25 = arith.constant 2 : i32
    %sub3A_26 = arith.constant 1 : i32
    %sub3A_27 = arith.subi %sub3A_25, %sub3A_26 : i32
    %add3A_28 = arith.addi %sub3A_24, %sub3A_27 : i32
    %div3A = arith.constant 2 : i32
    %div3A_29 = arith.divsi %add3A_28, %div3A : i32
    %while3A = arith.constant 2 : i32
    %while3A_30 = arith.constant 0 : i32
    %while3A_31 = arith.constant 0 : i32
    %while3A_32 = arith.subi %div3A_29, %while3A_31 : i32
    %while3A_33 = arith.addi %while3A_31, %while3A_32 : i32
    %while3A_34 = arith.constant 1 : i32
    %while3A_35 = arith.divsi %while3A_32, %while3A_34 : i32
    %while3A_36 = arith.muli %while3A_35, %while3A_34 : i32
    %while3A_37 = arith.addi %while3A_31, %while3A_36 : i32
    %while3A_38 = arith.constant 1 : i32
    scf.for %while3A_40 = %while3A_31 to %while3A_37 step %while3A_38  : i32 {
      %mul3A_41 = arith.muli %while3A_40, %while3A : i32
      %add3A_42 = arith.addi %while3A_30, %mul3A_41 : i32
      %add3A_43 = arith.constant 0 : i32
      %add3A_44 = arith.addi %add3A_42, %add3A_43 : i32
      %lt3A_45 = arith.cmpi slt, %add3A_44, %add3A_4 : i32
      %convert_element_type3A_46 = arith.extui %lt3A_45 : i1 to i32
      %cond3A_47 = arith.constant 0 : i32
      %cond3A_48 = arith.cmpi ne, %convert_element_type3A_46, %cond3A_47 : i32
      scf.if %cond3A_48 {
        %add3A_55 = arith.constant 1 : i32
        %add3A_56 = arith.addi %add3A_44, %add3A_55 : i32
        %lt3A_57 = arith.cmpi slt, %add3A_56, %add3A_4 : i32
        %convert_element_type3A_58 = arith.extui %lt3A_57 : i1 to i32
        %cond3A_59 = arith.constant 0 : i32
        %cond3A_60 = arith.cmpi ne, %convert_element_type3A_58, %cond3A_59 : i32
        scf.if %cond3A_60 {
          %add3A_77 = arith.constant 1 : i32
          %add3A_78 = arith.addi %add3A_44, %add3A_77 : i32
          %mul3A_79 = arith.constant 128 : i32
          %mul3A_80 = arith.muli %add3A_78, %mul3A_79 : i32
          %dma_start3A_81 = tpu.memref_slice %arg7[%mul3A_80] : memref<10112xi32, #tpu.memory_space<vmem>> -> memref<128xi32, #tpu.memory_space<vmem>>
          %dma_start3A_82 = arith.constant 0 : i32
          %dma_start3A_83 = arith.constant 0 : i32
          %dma_start3A_84 = tpu.memref_slice %arg2[%dma_start3A_82, %dma_start3A_83] : memref<10000x128xf32, #tpu.memory_space<hbm>> -> memref<10000x128xf32, #tpu.memory_space<hbm>>
          tpu.enqueue_indirect_dma source(%dma_start3A_84 : memref<10000x128xf32, #tpu.memory_space<hbm>>) target(%arg10 : memref<128x128xf32, #tpu.memory_space<vmem>>) offsets(%dma_start3A_81 : memref<128xi32, #tpu.memory_space<vmem>>) semaphore(%arg13 : memref<!tpu.dma_semaphore, #tpu.memory_space<semaphore_mem>>)
          %dma_start3A_85 = tpu.memref_slice %arg8[%mul3A_80] : memref<10112xi32, #tpu.memory_space<vmem>> -> memref<128xi32, #tpu.memory_space<vmem>>
          %dma_start3A_86 = arith.constant 0 : i32
          %dma_start3A_87 = arith.constant 0 : i32
          %dma_start3A_88 = tpu.memref_slice %arg3[%dma_start3A_86, %dma_start3A_87] : memref<10000x256xf32, #tpu.memory_space<hbm>> -> memref<10000x256xf32, #tpu.memory_space<hbm>>
          tpu.enqueue_indirect_dma source(%dma_start3A_88 : memref<10000x256xf32, #tpu.memory_space<hbm>>) target(%arg12 : memref<128x256xf32, #tpu.memory_space<vmem>>) offsets(%dma_start3A_85 : memref<128xi32, #tpu.memory_space<vmem>>) semaphore(%arg13 : memref<!tpu.dma_semaphore, #tpu.memory_space<semaphore_mem>>)
        } else {
        }
        %mul3A_61 = arith.constant 128 : i32
        %mul3A_62 = arith.muli %add3A_44, %mul3A_61 : i32
        %dma_wait3A = tpu.memref_slice %arg7[%mul3A_62] : memref<10112xi32, #tpu.memory_space<vmem>> -> memref<128xi32, #tpu.memory_space<vmem>>
        %dma_wait3A_63 = arith.constant 0 : i32
        %dma_wait3A_64 = arith.constant 0 : i32
        %dma_wait3A_65 = tpu.memref_slice %arg2[%dma_wait3A_63, %dma_wait3A_64] : memref<10000x128xf32, #tpu.memory_space<hbm>> -> memref<10000x128xf32, #tpu.memory_space<hbm>>
        tpu.wait_indirect_dma semaphore(%arg13 : memref<!tpu.dma_semaphore, #tpu.memory_space<semaphore_mem>>) src(%dma_wait3A_65 : memref<10000x128xf32, #tpu.memory_space<hbm>>) dst(%arg9 : memref<128x128xf32, #tpu.memory_space<vmem>>)
        %dma_wait3A_66 = tpu.memref_slice %arg8[%mul3A_62] : memref<10112xi32, #tpu.memory_space<vmem>> -> memref<128xi32, #tpu.memory_space<vmem>>
        %dma_wait3A_67 = arith.constant 0 : i32
        %dma_wait3A_68 = arith.constant 0 : i32
        %dma_wait3A_69 = tpu.memref_slice %arg3[%dma_wait3A_67, %dma_wait3A_68] : memref<10000x256xf32, #tpu.memory_space<hbm>> -> memref<10000x256xf32, #tpu.memory_space<hbm>>
        tpu.wait_indirect_dma semaphore(%arg13 : memref<!tpu.dma_semaphore, #tpu.memory_space<semaphore_mem>>) src(%dma_wait3A_69 : memref<10000x256xf32, #tpu.memory_space<hbm>>) dst(%arg11 : memref<128x256xf32, #tpu.memory_space<vmem>>)
        %scan3A = arith.constant 0 : i32
        %scan3A_70 = arith.constant 128 : i32
        %scan3A_71 = arith.addi %scan3A, %scan3A_70 : i32
        %scan3A_72 = arith.constant 1 : i32
        scf.for %scan3A_77 = %scan3A to %scan3A_71 step %scan3A_72  : i32 {
          %mul3A_78 = arith.constant 1 : i32
          %mul3A_79 = arith.muli %scan3A_77, %mul3A_78 : i32
          %add3A_80 = arith.constant 0 : i32
          %add3A_81 = arith.addi %add3A_80, %mul3A_79 : i32
          %get3A = arith.index_cast %add3A_81 : i32 to index
          %get3A_82 = arith.constant 0 : index
          %get3A_83 = tpu.vector_load %arg11[%get3A, %get3A_82] {strides = array<i32>} : memref<128x256xf32, #tpu.memory_space<vmem>>, vector<1x16xf32>,
          %get3A_84 = vector.shape_cast %get3A_83 : vector<1x16xf32> to vector<16xf32>
          %get3A_85 = arith.index_cast %add3A_81 : i32 to index
          %get3A_86 = arith.constant 0 : index
          %get3A_87 = tpu.vector_load %arg9[%get3A_85, %get3A_86] {strides = array<i32>} : memref<128x128xf32, #tpu.memory_space<vmem>>, vector<1x16xf32>,
          %get3A_88 = vector.shape_cast %get3A_87 : vector<1x16xf32> to vector<16xf32>
          %add3A_89 = arith.addf %get3A_84, %get3A_88 : vector<16xf32>
          %swap3A = arith.index_cast %add3A_81 : i32 to index
          %swap3A_90 = arith.constant 0 : index
          %swap3A_91 = tpu.vector_load %arg11[%swap3A, %swap3A_90] {strides = array<i32>} : memref<128x256xf32, #tpu.memory_space<vmem>>, vector<1x16xf32>,
          %swap3A_92 = vector.shape_cast %swap3A_91 : vector<1x16xf32> to vector<16xf32>
          %swap3A_93 = vector.shape_cast %add3A_89 : vector<16xf32> to vector<1x16xf32>
          tpu.vector_store %arg11[%swap3A, %swap3A_90], %swap3A_93 {strides = array<i32>} : memref<128x256xf32, #tpu.memory_space<vmem>>, vector<1x16xf32>,
          %get3A_94 = arith.index_cast %add3A_81 : i32 to index
          %get3A_95 = arith.constant 16 : index
          %get3A_96 = tpu.vector_load %arg11[%get3A_94, %get3A_95] {strides = array<i32>} : memref<128x256xf32, #tpu.memory_space<vmem>>, vector<1x16xf32>,
          %get3A_97 = vector.shape_cast %get3A_96 : vector<1x16xf32> to vector<16xf32>
          %get3A_98 = arith.index_cast %add3A_81 : i32 to index
          %get3A_99 = arith.constant 16 : index
          %get3A_100 = tpu.vector_load %arg9[%get3A_98, %get3A_99] {strides = array<i32>} : memref<128x128xf32, #tpu.memory_space<vmem>>, vector<1x16xf32>,
          %get3A_101 = vector.shape_cast %get3A_100 : vector<1x16xf32> to vector<16xf32>
          %add3A_102 = arith.addf %get3A_97, %get3A_101 : vector<16xf32>
          %swap3A_103 = arith.index_cast %add3A_81 : i32 to index
          %swap3A_104 = arith.constant 16 : index
          %swap3A_105 = tpu.vector_load %arg11[%swap3A_103, %swap3A_104] {strides = array<i32>} : memref<128x256xf32, #tpu.memory_space<vmem>>, vector<1x16xf32>,
          %swap3A_106 = vector.shape_cast %swap3A_105 : vector<1x16xf32> to vector<16xf32>
          %swap3A_107 = vector.shape_cast %add3A_102 : vector<16xf32> to vector<1x16xf32>
          tpu.vector_store %arg11[%swap3A_103, %swap3A_104], %swap3A_107 {strides = array<i32>} : memref<128x256xf32, #tpu.memory_space<vmem>>, vector<1x16xf32>,
          %get3A_108 = arith.index_cast %add3A_81 : i32 to index
          %get3A_109 = arith.constant 32 : index
          %get3A_110 = tpu.vector_load %arg11[%get3A_108, %get3A_109] {strides = array<i32>} : memref<128x256xf32, #tpu.memory_space<vmem>>, vector<1x16xf32>,
          %get3A_111 = vector.shape_cast %get3A_110 : vector<1x16xf32> to vector<16xf32>
          %get3A_112 = arith.index_cast %add3A_81 : i32 to index
          %get3A_113 = arith.constant 32 : index
          %get3A_114 = tpu.vector_load %arg9[%get3A_112, %get3A_113] {strides = array<i32>} : memref<128x128xf32, #tpu.memory_space<vmem>>, vector<1x16xf32>,
          %get3A_115 = vector.shape_cast %get3A_114 : vector<1x16xf32> to vector<16xf32>
          %add3A_116 = arith.addf %get3A_111, %get3A_115 : vector<16xf32>
          %swap3A_117 = arith.index_cast %add3A_81 : i32 to index
          %swap3A_118 = arith.constant 32 : index
          %swap3A_119 = tpu.vector_load %arg11[%swap3A_117, %swap3A_118] {strides = array<i32>} : memref<128x256xf32, #tpu.memory_space<vmem>>, vector<1x16xf32>,
          %swap3A_120 = vector.shape_cast %swap3A_119 : vector<1x16xf32> to vector<16xf32>
          %swap3A_121 = vector.shape_cast %add3A_116 : vector<16xf32> to vector<1x16xf32>
          tpu.vector_store %arg11[%swap3A_117, %swap3A_118], %swap3A_121 {strides = array<i32>} : memref<128x256xf32, #tpu.memory_space<vmem>>, vector<1x16xf32>,
          %get3A_122 = arith.index_cast %add3A_81 : i32 to index
          %get3A_123 = arith.constant 48 : index
          %get3A_124 = tpu.vector_load %arg11[%get3A_122, %get3A_123] {strides = array<i32>} : memref<128x256xf32, #tpu.memory_space<vmem>>, vector<1x16xf32>,
          %get3A_125 = vector.shape_cast %get3A_124 : vector<1x16xf32> to vector<16xf32>
          %get3A_126 = arith.index_cast %add3A_81 : i32 to index
          %get3A_127 = arith.constant 48 : index
          %get3A_128 = tpu.vector_load %arg9[%get3A_126, %get3A_127] {strides = array<i32>} : memref<128x128xf32, #tpu.memory_space<vmem>>, vector<1x16xf32>,
          %get3A_129 = vector.shape_cast %get3A_128 : vector<1x16xf32> to vector<16xf32>
          %add3A_130 = arith.addf %get3A_125, %get3A_129 : vector<16xf32>
          %swap3A_131 = arith.index_cast %add3A_81 : i32 to index
          %swap3A_132 = arith.constant 48 : index
          %swap3A_133 = tpu.vector_load %arg11[%swap3A_131, %swap3A_132] {strides = array<i32>} : memref<128x256xf32, #tpu.memory_space<vmem>>, vector<1x16xf32>,
          %swap3A_134 = vector.shape_cast %swap3A_133 : vector<1x16xf32> to vector<16xf32>
          %swap3A_135 = vector.shape_cast %add3A_130 : vector<16xf32> to vector<1x16xf32>
          tpu.vector_store %arg11[%swap3A_131, %swap3A_132], %swap3A_135 {strides = array<i32>} : memref<128x256xf32, #tpu.memory_space<vmem>>, vector<1x16xf32>,
          %get3A_136 = arith.index_cast %add3A_81 : i32 to index
          %get3A_137 = arith.constant 64 : index
          %get3A_138 = tpu.vector_load %arg11[%get3A_136, %get3A_137] {strides = array<i32>} : memref<128x256xf32, #tpu.memory_space<vmem>>, vector<1x16xf32>,
          %get3A_139 = vector.shape_cast %get3A_138 : vector<1x16xf32> to vector<16xf32>
          %get3A_140 = arith.index_cast %add3A_81 : i32 to index
          %get3A_141 = arith.constant 64 : index
          %get3A_142 = tpu.vector_load %arg9[%get3A_140, %get3A_141] {strides = array<i32>} : memref<128x128xf32, #tpu.memory_space<vmem>>, vector<1x16xf32>,
          %get3A_143 = vector.shape_cast %get3A_142 : vector<1x16xf32> to vector<16xf32>
          %add3A_144 = arith.addf %get3A_139, %get3A_143 : vector<16xf32>
          %swap3A_145 = arith.index_cast %add3A_81 : i32 to index
          %swap3A_146 = arith.constant 64 : index
          %swap3A_147 = tpu.vector_load %arg11[%swap3A_145, %swap3A_146] {strides = array<i32>} : memref<128x256xf32, #tpu.memory_space<vmem>>, vector<1x16xf32>,
          %swap3A_148 = vector.shape_cast %swap3A_147 : vector<1x16xf32> to vector<16xf32>
          %swap3A_149 = vector.shape_cast %add3A_144 : vector<16xf32> to vector<1x16xf32>
          tpu.vector_store %arg11[%swap3A_145, %swap3A_146], %swap3A_149 {strides = array<i32>} : memref<128x256xf32, #tpu.memory_space<vmem>>, vector<1x16xf32>,
          %get3A_150 = arith.index_cast %add3A_81 : i32 to index
          %get3A_151 = arith.constant 80 : index
          %get3A_152 = tpu.vector_load %arg11[%get3A_150, %get3A_151] {strides = array<i32>} : memref<128x256xf32, #tpu.memory_space<vmem>>, vector<1x16xf32>,
          %get3A_153 = vector.shape_cast %get3A_152 : vector<1x16xf32> to vector<16xf32>
          %get3A_154 = arith.index_cast %add3A_81 : i32 to index
          %get3A_155 = arith.constant 80 : index
          %get3A_156 = tpu.vector_load %arg9[%get3A_154, %get3A_155] {strides = array<i32>} : memref<128x128xf32, #tpu.memory_space<vmem>>, vector<1x16xf32>,
          %get3A_157 = vector.shape_cast %get3A_156 : vector<1x16xf32> to vector<16xf32>
          %add3A_158 = arith.addf %get3A_153, %get3A_157 : vector<16xf32>
          %swap3A_159 = arith.index_cast %add3A_81 : i32 to index
          %swap3A_160 = arith.constant 80 : index
          %swap3A_161 = tpu.vector_load %arg11[%swap3A_159, %swap3A_160] {strides = array<i32>} : memref<128x256xf32, #tpu.memory_space<vmem>>, vector<1x16xf32>,
          %swap3A_162 = vector.shape_cast %swap3A_161 : vector<1x16xf32> to vector<16xf32>
          %swap3A_163 = vector.shape_cast %add3A_158 : vector<16xf32> to vector<1x16xf32>
          tpu.vector_store %arg11[%swap3A_159, %swap3A_160], %swap3A_163 {strides = array<i32>} : memref<128x256xf32, #tpu.memory_space<vmem>>, vector<1x16xf32>,
          %get3A_164 = arith.index_cast %add3A_81 : i32 to index
          %get3A_165 = arith.constant 96 : index
          %get3A_166 = tpu.vector_load %arg11[%get3A_164, %get3A_165] {strides = array<i32>} : memref<128x256xf32, #tpu.memory_space<vmem>>, vector<1x16xf32>,
          %get3A_167 = vector.shape_cast %get3A_166 : vector<1x16xf32> to vector<16xf32>
          %get3A_168 = arith.index_cast %add3A_81 : i32 to index
          %get3A_169 = arith.constant 96 : index
          %get3A_170 = tpu.vector_load %arg9[%get3A_168, %get3A_169] {strides = array<i32>} : memref<128x128xf32, #tpu.memory_space<vmem>>, vector<1x16xf32>,
          %get3A_171 = vector.shape_cast %get3A_170 : vector<1x16xf32> to vector<16xf32>
          %add3A_172 = arith.addf %get3A_167, %get3A_171 : vector<16xf32>
          %swap3A_173 = arith.index_cast %add3A_81 : i32 to index
          %swap3A_174 = arith.constant 96 : index
          %swap3A_175 = tpu.vector_load %arg11[%swap3A_173, %swap3A_174] {strides = array<i32>} : memref<128x256xf32, #tpu.memory_space<vmem>>, vector<1x16xf32>,
          %swap3A_176 = vector.shape_cast %swap3A_175 : vector<1x16xf32> to vector<16xf32>
          %swap3A_177 = vector.shape_cast %add3A_172 : vector<16xf32> to vector<1x16xf32>
          tpu.vector_store %arg11[%swap3A_173, %swap3A_174], %swap3A_177 {strides = array<i32>} : memref<128x256xf32, #tpu.memory_space<vmem>>, vector<1x16xf32>,
          %get3A_178 = arith.index_cast %add3A_81 : i32 to index
          %get3A_179 = arith.constant 112 : index
          %get3A_180 = tpu.vector_load %arg11[%get3A_178, %get3A_179] {strides = array<i32>} : memref<128x256xf32, #tpu.memory_space<vmem>>, vector<1x16xf32>,
          %get3A_181 = vector.shape_cast %get3A_180 : vector<1x16xf32> to vector<16xf32>
          %get3A_182 = arith.index_cast %add3A_81 : i32 to index
          %get3A_183 = arith.constant 112 : index
          %get3A_184 = tpu.vector_load %arg9[%get3A_182, %get3A_183] {strides = array<i32>} : memref<128x128xf32, #tpu.memory_space<vmem>>, vector<1x16xf32>,
          %get3A_185 = vector.shape_cast %get3A_184 : vector<1x16xf32> to vector<16xf32>
          %add3A_186 = arith.addf %get3A_181, %get3A_185 : vector<16xf32>
          %swap3A_187 = arith.index_cast %add3A_81 : i32 to index
          %swap3A_188 = arith.constant 112 : index
          %swap3A_189 = tpu.vector_load %arg11[%swap3A_187, %swap3A_188] {strides = array<i32>} : memref<128x256xf32, #tpu.memory_space<vmem>>, vector<1x16xf32>,
          %swap3A_190 = vector.shape_cast %swap3A_189 : vector<1x16xf32> to vector<16xf32>
          %swap3A_191 = vector.shape_cast %add3A_186 : vector<16xf32> to vector<1x16xf32>
          tpu.vector_store %arg11[%swap3A_187, %swap3A_188], %swap3A_191 {strides = array<i32>} : memref<128x256xf32, #tpu.memory_space<vmem>>, vector<1x16xf32>,
        }
        %scan3A_73 = arith.constant 128 : i32
        %add3A_74 = arith.addi %add3A_8, %add3A_44 : i32
        %mul3A_75 = arith.constant 128 : i32
        %mul3A_76 = arith.muli %add3A_74, %mul3A_75 : i32
        "tpu.region"() ({
          %run_scoped3A = tpu.sem_alloc : memref<!tpu.dma_semaphore, #tpu.memory_space<semaphore_mem>>
          %dma_start3A_77 = arith.constant 0 : i32
          %dma_start3A_78 = tpu.memref_slice %arg6[%mul3A_76, %dma_start3A_77] : memref<320000x256xf32, #tpu.memory_space<hbm>> -> memref<128x256xf32, #tpu.memory_space<hbm>>
          %dma_start3A_79 = arith.constant 0 : i32
          %dma_start3A_80 = tpu.memref_slice %arg6[%mul3A_76, %dma_start3A_79] : memref<320000x256xf32, #tpu.memory_space<hbm>> -> memref<128x256xf32, #tpu.memory_space<hbm>>
          tpu.enqueue_dma source(%arg11 : memref<128x256xf32, #tpu.memory_space<vmem>>) target(%dma_start3A_80 : memref<128x256xf32, #tpu.memory_space<hbm>>) target_semaphore(%run_scoped3A : memref<!tpu.dma_semaphore, #tpu.memory_space<semaphore_mem>>)
          %dma_wait3A_81 = arith.constant 0 : i32
          %dma_wait3A_82 = tpu.memref_slice %arg6[%mul3A_76, %dma_wait3A_81] : memref<320000x256xf32, #tpu.memory_space<hbm>> -> memref<128x256xf32, #tpu.memory_space<hbm>>
          %dma_wait3A_83 = arith.constant 0 : i32
          %dma_wait3A_84 = tpu.memref_slice %arg6[%mul3A_76, %dma_wait3A_83] : memref<320000x256xf32, #tpu.memory_space<hbm>> -> memref<128x256xf32, #tpu.memory_space<hbm>>
          tpu.wait_dma2 semaphore(%run_scoped3A : memref<!tpu.dma_semaphore, #tpu.memory_space<semaphore_mem>>) src(%arg11 : memref<128x256xf32, #tpu.memory_space<vmem>>) dst(%dma_wait3A_84 : memref<128x256xf32, #tpu.memory_space<hbm>>)
          tpu.yield
        }) : () -> ()
      } else {
      }
      %add3A_49 = arith.constant 1 : i32
      %add3A_50 = arith.addi %add3A_42, %add3A_49 : i32
      %lt3A_51 = arith.cmpi slt, %add3A_50, %add3A_4 : i32
      %convert_element_type3A_52 = arith.extui %lt3A_51 : i1 to i32
      %cond3A_53 = arith.constant 0 : i32
      %cond3A_54 = arith.cmpi ne, %convert_element_type3A_52, %cond3A_53 : i32
      scf.if %cond3A_54 {
        %add3A_55 = arith.constant 1 : i32
        %add3A_56 = arith.addi %add3A_50, %add3A_55 : i32
        %lt3A_57 = arith.cmpi slt, %add3A_56, %add3A_4 : i32
        %convert_element_type3A_58 = arith.extui %lt3A_57 : i1 to i32
        %cond3A_59 = arith.constant 0 : i32
        %cond3A_60 = arith.cmpi ne, %convert_element_type3A_58, %cond3A_59 : i32
        scf.if %cond3A_60 {
          %add3A_77 = arith.constant 1 : i32
          %add3A_78 = arith.addi %add3A_50, %add3A_77 : i32
          %mul3A_79 = arith.constant 128 : i32
          %mul3A_80 = arith.muli %add3A_78, %mul3A_79 : i32
          %dma_start3A_81 = tpu.memref_slice %arg7[%mul3A_80] : memref<10112xi32, #tpu.memory_space<vmem>> -> memref<128xi32, #tpu.memory_space<vmem>>
          %dma_start3A_82 = arith.constant 0 : i32
          %dma_start3A_83 = arith.constant 0 : i32
          %dma_start3A_84 = tpu.memref_slice %arg2[%dma_start3A_82, %dma_start3A_83] : memref<10000x128xf32, #tpu.memory_space<hbm>> -> memref<10000x128xf32, #tpu.memory_space<hbm>>
          tpu.enqueue_indirect_dma source(%dma_start3A_84 : memref<10000x128xf32, #tpu.memory_space<hbm>>) target(%arg9 : memref<128x128xf32, #tpu.memory_space<vmem>>) offsets(%dma_start3A_81 : memref<128xi32, #tpu.memory_space<vmem>>) semaphore(%arg13 : memref<!tpu.dma_semaphore, #tpu.memory_space<semaphore_mem>>)
          %dma_start3A_85 = tpu.memref_slice %arg8[%mul3A_80] : memref<10112xi32, #tpu.memory_space<vmem>> -> memref<128xi32, #tpu.memory_space<vmem>>
          %dma_start3A_86 = arith.constant 0 : i32
          %dma_start3A_87 = arith.constant 0 : i32
          %dma_start3A_88 = tpu.memref_slice %arg3[%dma_start3A_86, %dma_start3A_87] : memref<10000x256xf32, #tpu.memory_space<hbm>> -> memref<10000x256xf32, #tpu.memory_space<hbm>>
          tpu.enqueue_indirect_dma source(%dma_start3A_88 : memref<10000x256xf32, #tpu.memory_space<hbm>>) target(%arg11 : memref<128x256xf32, #tpu.memory_space<vmem>>) offsets(%dma_start3A_85 : memref<128xi32, #tpu.memory_space<vmem>>) semaphore(%arg13 : memref<!tpu.dma_semaphore, #tpu.memory_space<semaphore_mem>>)
        } else {
        }
        %mul3A_61 = arith.constant 128 : i32
        %mul3A_62 = arith.muli %add3A_50, %mul3A_61 : i32
        %dma_wait3A = tpu.memref_slice %arg7[%mul3A_62] : memref<10112xi32, #tpu.memory_space<vmem>> -> memref<128xi32, #tpu.memory_space<vmem>>
        %dma_wait3A_63 = arith.constant 0 : i32
        %dma_wait3A_64 = arith.constant 0 : i32
        %dma_wait3A_65 = tpu.memref_slice %arg2[%dma_wait3A_63, %dma_wait3A_64] : memref<10000x128xf32, #tpu.memory_space<hbm>> -> memref<10000x128xf32, #tpu.memory_space<hbm>>
        tpu.wait_indirect_dma semaphore(%arg13 : memref<!tpu.dma_semaphore, #tpu.memory_space<semaphore_mem>>) src(%dma_wait3A_65 : memref<10000x128xf32, #tpu.memory_space<hbm>>) dst(%arg10 : memref<128x128xf32, #tpu.memory_space<vmem>>)
        %dma_wait3A_66 = tpu.memref_slice %arg8[%mul3A_62] : memref<10112xi32, #tpu.memory_space<vmem>> -> memref<128xi32, #tpu.memory_space<vmem>>
        %dma_wait3A_67 = arith.constant 0 : i32
        %dma_wait3A_68 = arith.constant 0 : i32
        %dma_wait3A_69 = tpu.memref_slice %arg3[%dma_wait3A_67, %dma_wait3A_68] : memref<10000x256xf32, #tpu.memory_space<hbm>> -> memref<10000x256xf32, #tpu.memory_space<hbm>>
        tpu.wait_indirect_dma semaphore(%arg13 : memref<!tpu.dma_semaphore, #tpu.memory_space<semaphore_mem>>) src(%dma_wait3A_69 : memref<10000x256xf32, #tpu.memory_space<hbm>>) dst(%arg12 : memref<128x256xf32, #tpu.memory_space<vmem>>)
        %scan3A = arith.constant 0 : i32
        %scan3A_70 = arith.constant 128 : i32
        %scan3A_71 = arith.addi %scan3A, %scan3A_70 : i32
        %scan3A_72 = arith.constant 1 : i32
        scf.for %scan3A_77 = %scan3A to %scan3A_71 step %scan3A_72  : i32 {
          %mul3A_78 = arith.constant 1 : i32
          %mul3A_79 = arith.muli %scan3A_77, %mul3A_78 : i32
          %add3A_80 = arith.constant 0 : i32
          %add3A_81 = arith.addi %add3A_80, %mul3A_79 : i32
          %get3A = arith.index_cast %add3A_81 : i32 to index
          %get3A_82 = arith.constant 0 : index
          %get3A_83 = tpu.vector_load %arg12[%get3A, %get3A_82] {strides = array<i32>} : memref<128x256xf32, #tpu.memory_space<vmem>>, vector<1x16xf32>,
          %get3A_84 = vector.shape_cast %get3A_83 : vector<1x16xf32> to vector<16xf32>
          %get3A_85 = arith.index_cast %add3A_81 : i32 to index
          %get3A_86 = arith.constant 0 : index
          %get3A_87 = tpu.vector_load %arg10[%get3A_85, %get3A_86] {strides = array<i32>} : memref<128x128xf32, #tpu.memory_space<vmem>>, vector<1x16xf32>,
          %get3A_88 = vector.shape_cast %get3A_87 : vector<1x16xf32> to vector<16xf32>
          %add3A_89 = arith.addf %get3A_84, %get3A_88 : vector<16xf32>
          %swap3A = arith.index_cast %add3A_81 : i32 to index
          %swap3A_90 = arith.constant 0 : index
          %swap3A_91 = tpu.vector_load %arg12[%swap3A, %swap3A_90] {strides = array<i32>} : memref<128x256xf32, #tpu.memory_space<vmem>>, vector<1x16xf32>,
          %swap3A_92 = vector.shape_cast %swap3A_91 : vector<1x16xf32> to vector<16xf32>
          %swap3A_93 = vector.shape_cast %add3A_89 : vector<16xf32> to vector<1x16xf32>
          tpu.vector_store %arg12[%swap3A, %swap3A_90], %swap3A_93 {strides = array<i32>} : memref<128x256xf32, #tpu.memory_space<vmem>>, vector<1x16xf32>,
          %get3A_94 = arith.index_cast %add3A_81 : i32 to index
          %get3A_95 = arith.constant 16 : index
          %get3A_96 = tpu.vector_load %arg12[%get3A_94, %get3A_95] {strides = array<i32>} : memref<128x256xf32, #tpu.memory_space<vmem>>, vector<1x16xf32>,
          %get3A_97 = vector.shape_cast %get3A_96 : vector<1x16xf32> to vector<16xf32>
          %get3A_98 = arith.index_cast %add3A_81 : i32 to index
          %get3A_99 = arith.constant 16 : index
          %get3A_100 = tpu.vector_load %arg10[%get3A_98, %get3A_99] {strides = array<i32>} : memref<128x128xf32, #tpu.memory_space<vmem>>, vector<1x16xf32>,
          %get3A_101 = vector.shape_cast %get3A_100 : vector<1x16xf32> to vector<16xf32>
          %add3A_102 = arith.addf %get3A_97, %get3A_101 : vector<16xf32>
          %swap3A_103 = arith.index_cast %add3A_81 : i32 to index
          %swap3A_104 = arith.constant 16 : index
          %swap3A_105 = tpu.vector_load %arg12[%swap3A_103, %swap3A_104] {strides = array<i32>} : memref<128x256xf32, #tpu.memory_space<vmem>>, vector<1x16xf32>,
          %swap3A_106 = vector.shape_cast %swap3A_105 : vector<1x16xf32> to vector<16xf32>
          %swap3A_107 = vector.shape_cast %add3A_102 : vector<16xf32> to vector<1x16xf32>
          tpu.vector_store %arg12[%swap3A_103, %swap3A_104], %swap3A_107 {strides = array<i32>} : memref<128x256xf32, #tpu.memory_space<vmem>>, vector<1x16xf32>,
          %get3A_108 = arith.index_cast %add3A_81 : i32 to index
          %get3A_109 = arith.constant 32 : index
          %get3A_110 = tpu.vector_load %arg12[%get3A_108, %get3A_109] {strides = array<i32>} : memref<128x256xf32, #tpu.memory_space<vmem>>, vector<1x16xf32>,
          %get3A_111 = vector.shape_cast %get3A_110 : vector<1x16xf32> to vector<16xf32>
          %get3A_112 = arith.index_cast %add3A_81 : i32 to index
          %get3A_113 = arith.constant 32 : index
          %get3A_114 = tpu.vector_load %arg10[%get3A_112, %get3A_113] {strides = array<i32>} : memref<128x128xf32, #tpu.memory_space<vmem>>, vector<1x16xf32>,
          %get3A_115 = vector.shape_cast %get3A_114 : vector<1x16xf32> to vector<16xf32>
          %add3A_116 = arith.addf %get3A_111, %get3A_115 : vector<16xf32>
          %swap3A_117 = arith.index_cast %add3A_81 : i32 to index
          %swap3A_118 = arith.constant 32 : index
          %swap3A_119 = tpu.vector_load %arg12[%swap3A_117, %swap3A_118] {strides = array<i32>} : memref<128x256xf32, #tpu.memory_space<vmem>>, vector<1x16xf32>,
          %swap3A_120 = vector.shape_cast %swap3A_119 : vector<1x16xf32> to vector<16xf32>
          %swap3A_121 = vector.shape_cast %add3A_116 : vector<16xf32> to vector<1x16xf32>
          tpu.vector_store %arg12[%swap3A_117, %swap3A_118], %swap3A_121 {strides = array<i32>} : memref<128x256xf32, #tpu.memory_space<vmem>>, vector<1x16xf32>,
          %get3A_122 = arith.index_cast %add3A_81 : i32 to index
          %get3A_123 = arith.constant 48 : index
          %get3A_124 = tpu.vector_load %arg12[%get3A_122, %get3A_123] {strides = array<i32>} : memref<128x256xf32, #tpu.memory_space<vmem>>, vector<1x16xf32>,
          %get3A_125 = vector.shape_cast %get3A_124 : vector<1x16xf32> to vector<16xf32>
          %get3A_126 = arith.index_cast %add3A_81 : i32 to index
          %get3A_127 = arith.constant 48 : index
          %get3A_128 = tpu.vector_load %arg10[%get3A_126, %get3A_127] {strides = array<i32>} : memref<128x128xf32, #tpu.memory_space<vmem>>, vector<1x16xf32>,
          %get3A_129 = vector.shape_cast %get3A_128 : vector<1x16xf32> to vector<16xf32>
          %add3A_130 = arith.addf %get3A_125, %get3A_129 : vector<16xf32>
          %swap3A_131 = arith.index_cast %add3A_81 : i32 to index
          %swap3A_132 = arith.constant 48 : index
          %swap3A_133 = tpu.vector_load %arg12[%swap3A_131, %swap3A_132] {strides = array<i32>} : memref<128x256xf32, #tpu.memory_space<vmem>>, vector<1x16xf32>,
          %swap3A_134 = vector.shape_cast %swap3A_133 : vector<1x16xf32> to vector<16xf32>
          %swap3A_135 = vector.shape_cast %add3A_130 : vector<16xf32> to vector<1x16xf32>
          tpu.vector_store %arg12[%swap3A_131, %swap3A_132], %swap3A_135 {strides = array<i32>} : memref<128x256xf32, #tpu.memory_space<vmem>>, vector<1x16xf32>,
          %get3A_136 = arith.index_cast %add3A_81 : i32 to index
          %get3A_137 = arith.constant 64 : index
          %get3A_138 = tpu.vector_load %arg12[%get3A_136, %get3A_137] {strides = array<i32>} : memref<128x256xf32, #tpu.memory_space<vmem>>, vector<1x16xf32>,
          %get3A_139 = vector.shape_cast %get3A_138 : vector<1x16xf32> to vector<16xf32>
          %get3A_140 = arith.index_cast %add3A_81 : i32 to index
          %get3A_141 = arith.constant 64 : index
          %get3A_142 = tpu.vector_load %arg10[%get3A_140, %get3A_141] {strides = array<i32>} : memref<128x128xf32, #tpu.memory_space<vmem>>, vector<1x16xf32>,
          %get3A_143 = vector.shape_cast %get3A_142 : vector<1x16xf32> to vector<16xf32>
          %add3A_144 = arith.addf %get3A_139, %get3A_143 : vector<16xf32>
          %swap3A_145 = arith.index_cast %add3A_81 : i32 to index
          %swap3A_146 = arith.constant 64 : index
          %swap3A_147 = tpu.vector_load %arg12[%swap3A_145, %swap3A_146] {strides = array<i32>} : memref<128x256xf32, #tpu.memory_space<vmem>>, vector<1x16xf32>,
          %swap3A_148 = vector.shape_cast %swap3A_147 : vector<1x16xf32> to vector<16xf32>
          %swap3A_149 = vector.shape_cast %add3A_144 : vector<16xf32> to vector<1x16xf32>
          tpu.vector_store %arg12[%swap3A_145, %swap3A_146], %swap3A_149 {strides = array<i32>} : memref<128x256xf32, #tpu.memory_space<vmem>>, vector<1x16xf32>,
          %get3A_150 = arith.index_cast %add3A_81 : i32 to index
          %get3A_151 = arith.constant 80 : index
          %get3A_152 = tpu.vector_load %arg12[%get3A_150, %get3A_151] {strides = array<i32>} : memref<128x256xf32, #tpu.memory_space<vmem>>, vector<1x16xf32>,
          %get3A_153 = vector.shape_cast %get3A_152 : vector<1x16xf32> to vector<16xf32>
          %get3A_154 = arith.index_cast %add3A_81 : i32 to index
          %get3A_155 = arith.constant 80 : index
          %get3A_156 = tpu.vector_load %arg10[%get3A_154, %get3A_155] {strides = array<i32>} : memref<128x128xf32, #tpu.memory_space<vmem>>, vector<1x16xf32>,
          %get3A_157 = vector.shape_cast %get3A_156 : vector<1x16xf32> to vector<16xf32>
          %add3A_158 = arith.addf %get3A_153, %get3A_157 : vector<16xf32>
          %swap3A_159 = arith.index_cast %add3A_81 : i32 to index
          %swap3A_160 = arith.constant 80 : index
          %swap3A_161 = tpu.vector_load %arg12[%swap3A_159, %swap3A_160] {strides = array<i32>} : memref<128x256xf32, #tpu.memory_space<vmem>>, vector<1x16xf32>,
          %swap3A_162 = vector.shape_cast %swap3A_161 : vector<1x16xf32> to vector<16xf32>
          %swap3A_163 = vector.shape_cast %add3A_158 : vector<16xf32> to vector<1x16xf32>
          tpu.vector_store %arg12[%swap3A_159, %swap3A_160], %swap3A_163 {strides = array<i32>} : memref<128x256xf32, #tpu.memory_space<vmem>>, vector<1x16xf32>,
          %get3A_164 = arith.index_cast %add3A_81 : i32 to index
          %get3A_165 = arith.constant 96 : index
          %get3A_166 = tpu.vector_load %arg12[%get3A_164, %get3A_165] {strides = array<i32>} : memref<128x256xf32, #tpu.memory_space<vmem>>, vector<1x16xf32>,
          %get3A_167 = vector.shape_cast %get3A_166 : vector<1x16xf32> to vector<16xf32>
          %get3A_168 = arith.index_cast %add3A_81 : i32 to index
          %get3A_169 = arith.constant 96 : index
          %get3A_170 = tpu.vector_load %arg10[%get3A_168, %get3A_169] {strides = array<i32>} : memref<128x128xf32, #tpu.memory_space<vmem>>, vector<1x16xf32>,
          %get3A_171 = vector.shape_cast %get3A_170 : vector<1x16xf32> to vector<16xf32>
          %add3A_172 = arith.addf %get3A_167, %get3A_171 : vector<16xf32>
          %swap3A_173 = arith.index_cast %add3A_81 : i32 to index
          %swap3A_174 = arith.constant 96 : index
          %swap3A_175 = tpu.vector_load %arg12[%swap3A_173, %swap3A_174] {strides = array<i32>} : memref<128x256xf32, #tpu.memory_space<vmem>>, vector<1x16xf32>,
          %swap3A_176 = vector.shape_cast %swap3A_175 : vector<1x16xf32> to vector<16xf32>
          %swap3A_177 = vector.shape_cast %add3A_172 : vector<16xf32> to vector<1x16xf32>
          tpu.vector_store %arg12[%swap3A_173, %swap3A_174], %swap3A_177 {strides = array<i32>} : memref<128x256xf32, #tpu.memory_space<vmem>>, vector<1x16xf32>,
          %get3A_178 = arith.index_cast %add3A_81 : i32 to index
          %get3A_179 = arith.constant 112 : index
          %get3A_180 = tpu.vector_load %arg12[%get3A_178, %get3A_179] {strides = array<i32>} : memref<128x256xf32, #tpu.memory_space<vmem>>, vector<1x16xf32>,
          %get3A_181 = vector.shape_cast %get3A_180 : vector<1x16xf32> to vector<16xf32>
          %get3A_182 = arith.index_cast %add3A_81 : i32 to index
          %get3A_183 = arith.constant 112 : index
          %get3A_184 = tpu.vector_load %arg10[%get3A_182, %get3A_183] {strides = array<i32>} : memref<128x128xf32, #tpu.memory_space<vmem>>, vector<1x16xf32>,
          %get3A_185 = vector.shape_cast %get3A_184 : vector<1x16xf32> to vector<16xf32>
          %add3A_186 = arith.addf %get3A_181, %get3A_185 : vector<16xf32>
          %swap3A_187 = arith.index_cast %add3A_81 : i32 to index
          %swap3A_188 = arith.constant 112 : index
          %swap3A_189 = tpu.vector_load %arg12[%swap3A_187, %swap3A_188] {strides = array<i32>} : memref<128x256xf32, #tpu.memory_space<vmem>>, vector<1x16xf32>,
          %swap3A_190 = vector.shape_cast %swap3A_189 : vector<1x16xf32> to vector<16xf32>
          %swap3A_191 = vector.shape_cast %add3A_186 : vector<16xf32> to vector<1x16xf32>
          tpu.vector_store %arg12[%swap3A_187, %swap3A_188], %swap3A_191 {strides = array<i32>} : memref<128x256xf32, #tpu.memory_space<vmem>>, vector<1x16xf32>,
        }
        %scan3A_73 = arith.constant 128 : i32
        %add3A_74 = arith.addi %add3A_8, %add3A_50 : i32
        %mul3A_75 = arith.constant 128 : i32
        %mul3A_76 = arith.muli %add3A_74, %mul3A_75 : i32
        "tpu.region"() ({
          %run_scoped3A = tpu.sem_alloc : memref<!tpu.dma_semaphore, #tpu.memory_space<semaphore_mem>>
          %dma_start3A_77 = arith.constant 0 : i32
          %dma_start3A_78 = tpu.memref_slice %arg6[%mul3A_76, %dma_start3A_77] : memref<320000x256xf32, #tpu.memory_space<hbm>> -> memref<128x256xf32, #tpu.memory_space<hbm>>
          %dma_start3A_79 = arith.constant 0 : i32
          %dma_start3A_80 = tpu.memref_slice %arg6[%mul3A_76, %dma_start3A_79] : memref<320000x256xf32, #tpu.memory_space<hbm>> -> memref<128x256xf32, #tpu.memory_space<hbm>>
          tpu.enqueue_dma source(%arg12 : memref<128x256xf32, #tpu.memory_space<vmem>>) target(%dma_start3A_80 : memref<128x256xf32, #tpu.memory_space<hbm>>) target_semaphore(%run_scoped3A : memref<!tpu.dma_semaphore, #tpu.memory_space<semaphore_mem>>)
          %dma_wait3A_81 = arith.constant 0 : i32
          %dma_wait3A_82 = tpu.memref_slice %arg6[%mul3A_76, %dma_wait3A_81] : memref<320000x256xf32, #tpu.memory_space<hbm>> -> memref<128x256xf32, #tpu.memory_space<hbm>>
          %dma_wait3A_83 = arith.constant 0 : i32
          %dma_wait3A_84 = tpu.memref_slice %arg6[%mul3A_76, %dma_wait3A_83] : memref<320000x256xf32, #tpu.memory_space<hbm>> -> memref<128x256xf32, #tpu.memory_space<hbm>>
          tpu.wait_dma2 semaphore(%run_scoped3A : memref<!tpu.dma_semaphore, #tpu.memory_space<semaphore_mem>>) src(%arg12 : memref<128x256xf32, #tpu.memory_space<vmem>>) dst(%dma_wait3A_84 : memref<128x256xf32, #tpu.memory_space<hbm>>)
          tpu.yield
        }) : () -> ()
      } else {
      }
    }
    %while3A_39 = arith.constant 1 : i32
    scf.for %while3A_40 = %while3A_37 to %while3A_33 step %while3A_39  : i32 {
      %mul3A_41 = arith.muli %while3A_40, %while3A : i32
      %add3A_42 = arith.addi %while3A_30, %mul3A_41 : i32
      %add3A_43 = arith.constant 0 : i32
      %add3A_44 = arith.addi %add3A_42, %add3A_43 : i32
      %lt3A_45 = arith.cmpi slt, %add3A_44, %add3A_4 : i32
      %convert_element_type3A_46 = arith.extui %lt3A_45 : i1 to i32
      %cond3A_47 = arith.constant 0 : i32
      %cond3A_48 = arith.cmpi ne, %convert_element_type3A_46, %cond3A_47 : i32
      scf.if %cond3A_48 {
        %add3A_55 = arith.constant 1 : i32
        %add3A_56 = arith.addi %add3A_44, %add3A_55 : i32
        %lt3A_57 = arith.cmpi slt, %add3A_56, %add3A_4 : i32
        %convert_element_type3A_58 = arith.extui %lt3A_57 : i1 to i32
        %cond3A_59 = arith.constant 0 : i32
        %cond3A_60 = arith.cmpi ne, %convert_element_type3A_58, %cond3A_59 : i32
        scf.if %cond3A_60 {
          %add3A_77 = arith.constant 1 : i32
          %add3A_78 = arith.addi %add3A_44, %add3A_77 : i32
          %mul3A_79 = arith.constant 128 : i32
          %mul3A_80 = arith.muli %add3A_78, %mul3A_79 : i32
          %dma_start3A_81 = tpu.memref_slice %arg7[%mul3A_80] : memref<10112xi32, #tpu.memory_space<vmem>> -> memref<128xi32, #tpu.memory_space<vmem>>
          %dma_start3A_82 = arith.constant 0 : i32
          %dma_start3A_83 = arith.constant 0 : i32
          %dma_start3A_84 = tpu.memref_slice %arg2[%dma_start3A_82, %dma_start3A_83] : memref<10000x128xf32, #tpu.memory_space<hbm>> -> memref<10000x128xf32, #tpu.memory_space<hbm>>
          tpu.enqueue_indirect_dma source(%dma_start3A_84 : memref<10000x128xf32, #tpu.memory_space<hbm>>) target(%arg10 : memref<128x128xf32, #tpu.memory_space<vmem>>) offsets(%dma_start3A_81 : memref<128xi32, #tpu.memory_space<vmem>>) semaphore(%arg13 : memref<!tpu.dma_semaphore, #tpu.memory_space<semaphore_mem>>)
          %dma_start3A_85 = tpu.memref_slice %arg8[%mul3A_80] : memref<10112xi32, #tpu.memory_space<vmem>> -> memref<128xi32, #tpu.memory_space<vmem>>
          %dma_start3A_86 = arith.constant 0 : i32
          %dma_start3A_87 = arith.constant 0 : i32
          %dma_start3A_88 = tpu.memref_slice %arg3[%dma_start3A_86, %dma_start3A_87] : memref<10000x256xf32, #tpu.memory_space<hbm>> -> memref<10000x256xf32, #tpu.memory_space<hbm>>
          tpu.enqueue_indirect_dma source(%dma_start3A_88 : memref<10000x256xf32, #tpu.memory_space<hbm>>) target(%arg12 : memref<128x256xf32, #tpu.memory_space<vmem>>) offsets(%dma_start3A_85 : memref<128xi32, #tpu.memory_space<vmem>>) semaphore(%arg13 : memref<!tpu.dma_semaphore, #tpu.memory_space<semaphore_mem>>)
        } else {
        }
        %mul3A_61 = arith.constant 128 : i32
        %mul3A_62 = arith.muli %add3A_44, %mul3A_61 : i32
        %dma_wait3A = tpu.memref_slice %arg7[%mul3A_62] : memref<10112xi32, #tpu.memory_space<vmem>> -> memref<128xi32, #tpu.memory_space<vmem>>
        %dma_wait3A_63 = arith.constant 0 : i32
        %dma_wait3A_64 = arith.constant 0 : i32
        %dma_wait3A_65 = tpu.memref_slice %arg2[%dma_wait3A_63, %dma_wait3A_64] : memref<10000x128xf32, #tpu.memory_space<hbm>> -> memref<10000x128xf32, #tpu.memory_space<hbm>>
        tpu.wait_indirect_dma semaphore(%arg13 : memref<!tpu.dma_semaphore, #tpu.memory_space<semaphore_mem>>) src(%dma_wait3A_65 : memref<10000x128xf32, #tpu.memory_space<hbm>>) dst(%arg9 : memref<128x128xf32, #tpu.memory_space<vmem>>)
        %dma_wait3A_66 = tpu.memref_slice %arg8[%mul3A_62] : memref<10112xi32, #tpu.memory_space<vmem>> -> memref<128xi32, #tpu.memory_space<vmem>>
        %dma_wait3A_67 = arith.constant 0 : i32
        %dma_wait3A_68 = arith.constant 0 : i32
        %dma_wait3A_69 = tpu.memref_slice %arg3[%dma_wait3A_67, %dma_wait3A_68] : memref<10000x256xf32, #tpu.memory_space<hbm>> -> memref<10000x256xf32, #tpu.memory_space<hbm>>
        tpu.wait_indirect_dma semaphore(%arg13 : memref<!tpu.dma_semaphore, #tpu.memory_space<semaphore_mem>>) src(%dma_wait3A_69 : memref<10000x256xf32, #tpu.memory_space<hbm>>) dst(%arg11 : memref<128x256xf32, #tpu.memory_space<vmem>>)
        %scan3A = arith.constant 0 : i32
        %scan3A_70 = arith.constant 128 : i32
        %scan3A_71 = arith.addi %scan3A, %scan3A_70 : i32
        %scan3A_72 = arith.constant 1 : i32
        scf.for %scan3A_77 = %scan3A to %scan3A_71 step %scan3A_72  : i32 {
          %mul3A_78 = arith.constant 1 : i32
          %mul3A_79 = arith.muli %scan3A_77, %mul3A_78 : i32
          %add3A_80 = arith.constant 0 : i32
          %add3A_81 = arith.addi %add3A_80, %mul3A_79 : i32
          %get3A = arith.index_cast %add3A_81 : i32 to index
          %get3A_82 = arith.constant 0 : index
          %get3A_83 = tpu.vector_load %arg11[%get3A, %get3A_82] {strides = array<i32>} : memref<128x256xf32, #tpu.memory_space<vmem>>, vector<1x16xf32>,
          %get3A_84 = vector.shape_cast %get3A_83 : vector<1x16xf32> to vector<16xf32>
          %get3A_85 = arith.index_cast %add3A_81 : i32 to index
          %get3A_86 = arith.constant 0 : index
          %get3A_87 = tpu.vector_load %arg9[%get3A_85, %get3A_86] {strides = array<i32>} : memref<128x128xf32, #tpu.memory_space<vmem>>, vector<1x16xf32>,
          %get3A_88 = vector.shape_cast %get3A_87 : vector<1x16xf32> to vector<16xf32>
          %add3A_89 = arith.addf %get3A_84, %get3A_88 : vector<16xf32>
          %swap3A = arith.index_cast %add3A_81 : i32 to index
          %swap3A_90 = arith.constant 0 : index
          %swap3A_91 = tpu.vector_load %arg11[%swap3A, %swap3A_90] {strides = array<i32>} : memref<128x256xf32, #tpu.memory_space<vmem>>, vector<1x16xf32>,
          %swap3A_92 = vector.shape_cast %swap3A_91 : vector<1x16xf32> to vector<16xf32>
          %swap3A_93 = vector.shape_cast %add3A_89 : vector<16xf32> to vector<1x16xf32>
          tpu.vector_store %arg11[%swap3A, %swap3A_90], %swap3A_93 {strides = array<i32>} : memref<128x256xf32, #tpu.memory_space<vmem>>, vector<1x16xf32>,
          %get3A_94 = arith.index_cast %add3A_81 : i32 to index
          %get3A_95 = arith.constant 16 : index
          %get3A_96 = tpu.vector_load %arg11[%get3A_94, %get3A_95] {strides = array<i32>} : memref<128x256xf32, #tpu.memory_space<vmem>>, vector<1x16xf32>,
          %get3A_97 = vector.shape_cast %get3A_96 : vector<1x16xf32> to vector<16xf32>
          %get3A_98 = arith.index_cast %add3A_81 : i32 to index
          %get3A_99 = arith.constant 16 : index
          %get3A_100 = tpu.vector_load %arg9[%get3A_98, %get3A_99] {strides = array<i32>} : memref<128x128xf32, #tpu.memory_space<vmem>>, vector<1x16xf32>,
          %get3A_101 = vector.shape_cast %get3A_100 : vector<1x16xf32> to vector<16xf32>
          %add3A_102 = arith.addf %get3A_97, %get3A_101 : vector<16xf32>
          %swap3A_103 = arith.index_cast %add3A_81 : i32 to index
          %swap3A_104 = arith.constant 16 : index
          %swap3A_105 = tpu.vector_load %arg11[%swap3A_103, %swap3A_104] {strides = array<i32>} : memref<128x256xf32, #tpu.memory_space<vmem>>, vector<1x16xf32>,
          %swap3A_106 = vector.shape_cast %swap3A_105 : vector<1x16xf32> to vector<16xf32>
          %swap3A_107 = vector.shape_cast %add3A_102 : vector<16xf32> to vector<1x16xf32>
          tpu.vector_store %arg11[%swap3A_103, %swap3A_104], %swap3A_107 {strides = array<i32>} : memref<128x256xf32, #tpu.memory_space<vmem>>, vector<1x16xf32>,
          %get3A_108 = arith.index_cast %add3A_81 : i32 to index
          %get3A_109 = arith.constant 32 : index
          %get3A_110 = tpu.vector_load %arg11[%get3A_108, %get3A_109] {strides = array<i32>} : memref<128x256xf32, #tpu.memory_space<vmem>>, vector<1x16xf32>,
          %get3A_111 = vector.shape_cast %get3A_110 : vector<1x16xf32> to vector<16xf32>
          %get3A_112 = arith.index_cast %add3A_81 : i32 to index
          %get3A_113 = arith.constant 32 : index
          %get3A_114 = tpu.vector_load %arg9[%get3A_112, %get3A_113] {strides = array<i32>} : memref<128x128xf32, #tpu.memory_space<vmem>>, vector<1x16xf32>,
          %get3A_115 = vector.shape_cast %get3A_114 : vector<1x16xf32> to vector<16xf32>
          %add3A_116 = arith.addf %get3A_111, %get3A_115 : vector<16xf32>
          %swap3A_117 = arith.index_cast %add3A_81 : i32 to index
          %swap3A_118 = arith.constant 32 : index
          %swap3A_119 = tpu.vector_load %arg11[%swap3A_117, %swap3A_118] {strides = array<i32>} : memref<128x256xf32, #tpu.memory_space<vmem>>, vector<1x16xf32>,
          %swap3A_120 = vector.shape_cast %swap3A_119 : vector<1x16xf32> to vector<16xf32>
          %swap3A_121 = vector.shape_cast %add3A_116 : vector<16xf32> to vector<1x16xf32>
          tpu.vector_store %arg11[%swap3A_117, %swap3A_118], %swap3A_121 {strides = array<i32>} : memref<128x256xf32, #tpu.memory_space<vmem>>, vector<1x16xf32>,
          %get3A_122 = arith.index_cast %add3A_81 : i32 to index
          %get3A_123 = arith.constant 48 : index
          %get3A_124 = tpu.vector_load %arg11[%get3A_122, %get3A_123] {strides = array<i32>} : memref<128x256xf32, #tpu.memory_space<vmem>>, vector<1x16xf32>,
          %get3A_125 = vector.shape_cast %get3A_124 : vector<1x16xf32> to vector<16xf32>
          %get3A_126 = arith.index_cast %add3A_81 : i32 to index
          %get3A_127 = arith.constant 48 : index
          %get3A_128 = tpu.vector_load %arg9[%get3A_126, %get3A_127] {strides = array<i32>} : memref<128x128xf32, #tpu.memory_space<vmem>>, vector<1x16xf32>,
          %get3A_129 = vector.shape_cast %get3A_128 : vector<1x16xf32> to vector<16xf32>
          %add3A_130 = arith.addf %get3A_125, %get3A_129 : vector<16xf32>
          %swap3A_131 = arith.index_cast %add3A_81 : i32 to index
          %swap3A_132 = arith.constant 48 : index
          %swap3A_133 = tpu.vector_load %arg11[%swap3A_131, %swap3A_132] {strides = array<i32>} : memref<128x256xf32, #tpu.memory_space<vmem>>, vector<1x16xf32>,
          %swap3A_134 = vector.shape_cast %swap3A_133 : vector<1x16xf32> to vector<16xf32>
          %swap3A_135 = vector.shape_cast %add3A_130 : vector<16xf32> to vector<1x16xf32>
          tpu.vector_store %arg11[%swap3A_131, %swap3A_132], %swap3A_135 {strides = array<i32>} : memref<128x256xf32, #tpu.memory_space<vmem>>, vector<1x16xf32>,
          %get3A_136 = arith.index_cast %add3A_81 : i32 to index
          %get3A_137 = arith.constant 64 : index
          %get3A_138 = tpu.vector_load %arg11[%get3A_136, %get3A_137] {strides = array<i32>} : memref<128x256xf32, #tpu.memory_space<vmem>>, vector<1x16xf32>,
          %get3A_139 = vector.shape_cast %get3A_138 : vector<1x16xf32> to vector<16xf32>
          %get3A_140 = arith.index_cast %add3A_81 : i32 to index
          %get3A_141 = arith.constant 64 : index
          %get3A_142 = tpu.vector_load %arg9[%get3A_140, %get3A_141] {strides = array<i32>} : memref<128x128xf32, #tpu.memory_space<vmem>>, vector<1x16xf32>,
          %get3A_143 = vector.shape_cast %get3A_142 : vector<1x16xf32> to vector<16xf32>
          %add3A_144 = arith.addf %get3A_139, %get3A_143 : vector<16xf32>
          %swap3A_145 = arith.index_cast %add3A_81 : i32 to index
          %swap3A_146 = arith.constant 64 : index
          %swap3A_147 = tpu.vector_load %arg11[%swap3A_145, %swap3A_146] {strides = array<i32>} : memref<128x256xf32, #tpu.memory_space<vmem>>, vector<1x16xf32>,
          %swap3A_148 = vector.shape_cast %swap3A_147 : vector<1x16xf32> to vector<16xf32>
          %swap3A_149 = vector.shape_cast %add3A_144 : vector<16xf32> to vector<1x16xf32>
          tpu.vector_store %arg11[%swap3A_145, %swap3A_146], %swap3A_149 {strides = array<i32>} : memref<128x256xf32, #tpu.memory_space<vmem>>, vector<1x16xf32>,
          %get3A_150 = arith.index_cast %add3A_81 : i32 to index
          %get3A_151 = arith.constant 80 : index
          %get3A_152 = tpu.vector_load %arg11[%get3A_150, %get3A_151] {strides = array<i32>} : memref<128x256xf32, #tpu.memory_space<vmem>>, vector<1x16xf32>,
          %get3A_153 = vector.shape_cast %get3A_152 : vector<1x16xf32> to vector<16xf32>
          %get3A_154 = arith.index_cast %add3A_81 : i32 to index
          %get3A_155 = arith.constant 80 : index
          %get3A_156 = tpu.vector_load %arg9[%get3A_154, %get3A_155] {strides = array<i32>} : memref<128x128xf32, #tpu.memory_space<vmem>>, vector<1x16xf32>,
          %get3A_157 = vector.shape_cast %get3A_156 : vector<1x16xf32> to vector<16xf32>
          %add3A_158 = arith.addf %get3A_153, %get3A_157 : vector<16xf32>
          %swap3A_159 = arith.index_cast %add3A_81 : i32 to index
          %swap3A_160 = arith.constant 80 : index
          %swap3A_161 = tpu.vector_load %arg11[%swap3A_159, %swap3A_160] {strides = array<i32>} : memref<128x256xf32, #tpu.memory_space<vmem>>, vector<1x16xf32>,
          %swap3A_162 = vector.shape_cast %swap3A_161 : vector<1x16xf32> to vector<16xf32>
          %swap3A_163 = vector.shape_cast %add3A_158 : vector<16xf32> to vector<1x16xf32>
          tpu.vector_store %arg11[%swap3A_159, %swap3A_160], %swap3A_163 {strides = array<i32>} : memref<128x256xf32, #tpu.memory_space<vmem>>, vector<1x16xf32>,
          %get3A_164 = arith.index_cast %add3A_81 : i32 to index
          %get3A_165 = arith.constant 96 : index
          %get3A_166 = tpu.vector_load %arg11[%get3A_164, %get3A_165] {strides = array<i32>} : memref<128x256xf32, #tpu.memory_space<vmem>>, vector<1x16xf32>,
          %get3A_167 = vector.shape_cast %get3A_166 : vector<1x16xf32> to vector<16xf32>
          %get3A_168 = arith.index_cast %add3A_81 : i32 to index
          %get3A_169 = arith.constant 96 : index
          %get3A_170 = tpu.vector_load %arg9[%get3A_168, %get3A_169] {strides = array<i32>} : memref<128x128xf32, #tpu.memory_space<vmem>>, vector<1x16xf32>,
          %get3A_171 = vector.shape_cast %get3A_170 : vector<1x16xf32> to vector<16xf32>
          %add3A_172 = arith.addf %get3A_167, %get3A_171 : vector<16xf32>
          %swap3A_173 = arith.index_cast %add3A_81 : i32 to index
          %swap3A_174 = arith.constant 96 : index
          %swap3A_175 = tpu.vector_load %arg11[%swap3A_173, %swap3A_174] {strides = array<i32>} : memref<128x256xf32, #tpu.memory_space<vmem>>, vector<1x16xf32>,
          %swap3A_176 = vector.shape_cast %swap3A_175 : vector<1x16xf32> to vector<16xf32>
          %swap3A_177 = vector.shape_cast %add3A_172 : vector<16xf32> to vector<1x16xf32>
          tpu.vector_store %arg11[%swap3A_173, %swap3A_174], %swap3A_177 {strides = array<i32>} : memref<128x256xf32, #tpu.memory_space<vmem>>, vector<1x16xf32>,
          %get3A_178 = arith.index_cast %add3A_81 : i32 to index
          %get3A_179 = arith.constant 112 : index
          %get3A_180 = tpu.vector_load %arg11[%get3A_178, %get3A_179] {strides = array<i32>} : memref<128x256xf32, #tpu.memory_space<vmem>>, vector<1x16xf32>,
          %get3A_181 = vector.shape_cast %get3A_180 : vector<1x16xf32> to vector<16xf32>
          %get3A_182 = arith.index_cast %add3A_81 : i32 to index
          %get3A_183 = arith.constant 112 : index
          %get3A_184 = tpu.vector_load %arg9[%get3A_182, %get3A_183] {strides = array<i32>} : memref<128x128xf32, #tpu.memory_space<vmem>>, vector<1x16xf32>,
          %get3A_185 = vector.shape_cast %get3A_184 : vector<1x16xf32> to vector<16xf32>
          %add3A_186 = arith.addf %get3A_181, %get3A_185 : vector<16xf32>
          %swap3A_187 = arith.index_cast %add3A_81 : i32 to index
          %swap3A_188 = arith.constant 112 : index
          %swap3A_189 = tpu.vector_load %arg11[%swap3A_187, %swap3A_188] {strides = array<i32>} : memref<128x256xf32, #tpu.memory_space<vmem>>, vector<1x16xf32>,
          %swap3A_190 = vector.shape_cast %swap3A_189 : vector<1x16xf32> to vector<16xf32>
          %swap3A_191 = vector.shape_cast %add3A_186 : vector<16xf32> to vector<1x16xf32>
          tpu.vector_store %arg11[%swap3A_187, %swap3A_188], %swap3A_191 {strides = array<i32>} : memref<128x256xf32, #tpu.memory_space<vmem>>, vector<1x16xf32>,
        }
        %scan3A_73 = arith.constant 128 : i32
        %add3A_74 = arith.addi %add3A_8, %add3A_44 : i32
        %mul3A_75 = arith.constant 128 : i32
        %mul3A_76 = arith.muli %add3A_74, %mul3A_75 : i32
        "tpu.region"() ({
          %run_scoped3A = tpu.sem_alloc : memref<!tpu.dma_semaphore, #tpu.memory_space<semaphore_mem>>
          %dma_start3A_77 = arith.constant 0 : i32
          %dma_start3A_78 = tpu.memref_slice %arg6[%mul3A_76, %dma_start3A_77] : memref<320000x256xf32, #tpu.memory_space<hbm>> -> memref<128x256xf32, #tpu.memory_space<hbm>>
          %dma_start3A_79 = arith.constant 0 : i32
          %dma_start3A_80 = tpu.memref_slice %arg6[%mul3A_76, %dma_start3A_79] : memref<320000x256xf32, #tpu.memory_space<hbm>> -> memref<128x256xf32, #tpu.memory_space<hbm>>
          tpu.enqueue_dma source(%arg11 : memref<128x256xf32, #tpu.memory_space<vmem>>) target(%dma_start3A_80 : memref<128x256xf32, #tpu.memory_space<hbm>>) target_semaphore(%run_scoped3A : memref<!tpu.dma_semaphore, #tpu.memory_space<semaphore_mem>>)
          %dma_wait3A_81 = arith.constant 0 : i32
          %dma_wait3A_82 = tpu.memref_slice %arg6[%mul3A_76, %dma_wait3A_81] : memref<320000x256xf32, #tpu.memory_space<hbm>> -> memref<128x256xf32, #tpu.memory_space<hbm>>
          %dma_wait3A_83 = arith.constant 0 : i32
          %dma_wait3A_84 = tpu.memref_slice %arg6[%mul3A_76, %dma_wait3A_83] : memref<320000x256xf32, #tpu.memory_space<hbm>> -> memref<128x256xf32, #tpu.memory_space<hbm>>
          tpu.wait_dma2 semaphore(%run_scoped3A : memref<!tpu.dma_semaphore, #tpu.memory_space<semaphore_mem>>) src(%arg11 : memref<128x256xf32, #tpu.memory_space<vmem>>) dst(%dma_wait3A_84 : memref<128x256xf32, #tpu.memory_space<hbm>>)
          tpu.yield
        }) : () -> ()
      } else {
      }
      %add3A_49 = arith.constant 1 : i32
      %add3A_50 = arith.addi %add3A_42, %add3A_49 : i32
      %lt3A_51 = arith.cmpi slt, %add3A_50, %add3A_4 : i32
      %convert_element_type3A_52 = arith.extui %lt3A_51 : i1 to i32
      %cond3A_53 = arith.constant 0 : i32
      %cond3A_54 = arith.cmpi ne, %convert_element_type3A_52, %cond3A_53 : i32
      scf.if %cond3A_54 {
        %add3A_55 = arith.constant 1 : i32
        %add3A_56 = arith.addi %add3A_50, %add3A_55 : i32
        %lt3A_57 = arith.cmpi slt, %add3A_56, %add3A_4 : i32
        %convert_element_type3A_58 = arith.extui %lt3A_57 : i1 to i32
        %cond3A_59 = arith.constant 0 : i32
        %cond3A_60 = arith.cmpi ne, %convert_element_type3A_58, %cond3A_59 : i32
        scf.if %cond3A_60 {
          %add3A_77 = arith.constant 1 : i32
          %add3A_78 = arith.addi %add3A_50, %add3A_77 : i32
          %mul3A_79 = arith.constant 128 : i32
          %mul3A_80 = arith.muli %add3A_78, %mul3A_79 : i32
          %dma_start3A_81 = tpu.memref_slice %arg7[%mul3A_80] : memref<10112xi32, #tpu.memory_space<vmem>> -> memref<128xi32, #tpu.memory_space<vmem>>
          %dma_start3A_82 = arith.constant 0 : i32
          %dma_start3A_83 = arith.constant 0 : i32
          %dma_start3A_84 = tpu.memref_slice %arg2[%dma_start3A_82, %dma_start3A_83] : memref<10000x128xf32, #tpu.memory_space<hbm>> -> memref<10000x128xf32, #tpu.memory_space<hbm>>
          tpu.enqueue_indirect_dma source(%dma_start3A_84 : memref<10000x128xf32, #tpu.memory_space<hbm>>) target(%arg9 : memref<128x128xf32, #tpu.memory_space<vmem>>) offsets(%dma_start3A_81 : memref<128xi32, #tpu.memory_space<vmem>>) semaphore(%arg13 : memref<!tpu.dma_semaphore, #tpu.memory_space<semaphore_mem>>)
          %dma_start3A_85 = tpu.memref_slice %arg8[%mul3A_80] : memref<10112xi32, #tpu.memory_space<vmem>> -> memref<128xi32, #tpu.memory_space<vmem>>
          %dma_start3A_86 = arith.constant 0 : i32
          %dma_start3A_87 = arith.constant 0 : i32
          %dma_start3A_88 = tpu.memref_slice %arg3[%dma_start3A_86, %dma_start3A_87] : memref<10000x256xf32, #tpu.memory_space<hbm>> -> memref<10000x256xf32, #tpu.memory_space<hbm>>
          tpu.enqueue_indirect_dma source(%dma_start3A_88 : memref<10000x256xf32, #tpu.memory_space<hbm>>) target(%arg11 : memref<128x256xf32, #tpu.memory_space<vmem>>) offsets(%dma_start3A_85 : memref<128xi32, #tpu.memory_space<vmem>>) semaphore(%arg13 : memref<!tpu.dma_semaphore, #tpu.memory_space<semaphore_mem>>)
        } else {
        }
        %mul3A_61 = arith.constant 128 : i32
        %mul3A_62 = arith.muli %add3A_50, %mul3A_61 : i32
        %dma_wait3A = tpu.memref_slice %arg7[%mul3A_62] : memref<10112xi32, #tpu.memory_space<vmem>> -> memref<128xi32, #tpu.memory_space<vmem>>
        %dma_wait3A_63 = arith.constant 0 : i32
        %dma_wait3A_64 = arith.constant 0 : i32
        %dma_wait3A_65 = tpu.memref_slice %arg2[%dma_wait3A_63, %dma_wait3A_64] : memref<10000x128xf32, #tpu.memory_space<hbm>> -> memref<10000x128xf32, #tpu.memory_space<hbm>>
        tpu.wait_indirect_dma semaphore(%arg13 : memref<!tpu.dma_semaphore, #tpu.memory_space<semaphore_mem>>) src(%dma_wait3A_65 : memref<10000x128xf32, #tpu.memory_space<hbm>>) dst(%arg10 : memref<128x128xf32, #tpu.memory_space<vmem>>)
        %dma_wait3A_66 = tpu.memref_slice %arg8[%mul3A_62] : memref<10112xi32, #tpu.memory_space<vmem>> -> memref<128xi32, #tpu.memory_space<vmem>>
        %dma_wait3A_67 = arith.constant 0 : i32
        %dma_wait3A_68 = arith.constant 0 : i32
        %dma_wait3A_69 = tpu.memref_slice %arg3[%dma_wait3A_67, %dma_wait3A_68] : memref<10000x256xf32, #tpu.memory_space<hbm>> -> memref<10000x256xf32, #tpu.memory_space<hbm>>
        tpu.wait_indirect_dma semaphore(%arg13 : memref<!tpu.dma_semaphore, #tpu.memory_space<semaphore_mem>>) src(%dma_wait3A_69 : memref<10000x256xf32, #tpu.memory_space<hbm>>) dst(%arg12 : memref<128x256xf32, #tpu.memory_space<vmem>>)
        %scan3A = arith.constant 0 : i32
        %scan3A_70 = arith.constant 128 : i32
        %scan3A_71 = arith.addi %scan3A, %scan3A_70 : i32
        %scan3A_72 = arith.constant 1 : i32
        scf.for %scan3A_77 = %scan3A to %scan3A_71 step %scan3A_72  : i32 {
          %mul3A_78 = arith.constant 1 : i32
          %mul3A_79 = arith.muli %scan3A_77, %mul3A_78 : i32
          %add3A_80 = arith.constant 0 : i32
          %add3A_81 = arith.addi %add3A_80, %mul3A_79 : i32
          %get3A = arith.index_cast %add3A_81 : i32 to index
          %get3A_82 = arith.constant 0 : index
          %get3A_83 = tpu.vector_load %arg12[%get3A, %get3A_82] {strides = array<i32>} : memref<128x256xf32, #tpu.memory_space<vmem>>, vector<1x16xf32>,
          %get3A_84 = vector.shape_cast %get3A_83 : vector<1x16xf32> to vector<16xf32>
          %get3A_85 = arith.index_cast %add3A_81 : i32 to index
          %get3A_86 = arith.constant 0 : index
          %get3A_87 = tpu.vector_load %arg10[%get3A_85, %get3A_86] {strides = array<i32>} : memref<128x128xf32, #tpu.memory_space<vmem>>, vector<1x16xf32>,
          %get3A_88 = vector.shape_cast %get3A_87 : vector<1x16xf32> to vector<16xf32>
          %add3A_89 = arith.addf %get3A_84, %get3A_88 : vector<16xf32>
          %swap3A = arith.index_cast %add3A_81 : i32 to index
          %swap3A_90 = arith.constant 0 : index
          %swap3A_91 = tpu.vector_load %arg12[%swap3A, %swap3A_90] {strides = array<i32>} : memref<128x256xf32, #tpu.memory_space<vmem>>, vector<1x16xf32>,
          %swap3A_92 = vector.shape_cast %swap3A_91 : vector<1x16xf32> to vector<16xf32>
          %swap3A_93 = vector.shape_cast %add3A_89 : vector<16xf32> to vector<1x16xf32>
          tpu.vector_store %arg12[%swap3A, %swap3A_90], %swap3A_93 {strides = array<i32>} : memref<128x256xf32, #tpu.memory_space<vmem>>, vector<1x16xf32>,
          %get3A_94 = arith.index_cast %add3A_81 : i32 to index
          %get3A_95 = arith.constant 16 : index
          %get3A_96 = tpu.vector_load %arg12[%get3A_94, %get3A_95] {strides = array<i32>} : memref<128x256xf32, #tpu.memory_space<vmem>>, vector<1x16xf32>,
          %get3A_97 = vector.shape_cast %get3A_96 : vector<1x16xf32> to vector<16xf32>
          %get3A_98 = arith.index_cast %add3A_81 : i32 to index
          %get3A_99 = arith.constant 16 : index
          %get3A_100 = tpu.vector_load %arg10[%get3A_98, %get3A_99] {strides = array<i32>} : memref<128x128xf32, #tpu.memory_space<vmem>>, vector<1x16xf32>,
          %get3A_101 = vector.shape_cast %get3A_100 : vector<1x16xf32> to vector<16xf32>
          %add3A_102 = arith.addf %get3A_97, %get3A_101 : vector<16xf32>
          %swap3A_103 = arith.index_cast %add3A_81 : i32 to index
          %swap3A_104 = arith.constant 16 : index
          %swap3A_105 = tpu.vector_load %arg12[%swap3A_103, %swap3A_104] {strides = array<i32>} : memref<128x256xf32, #tpu.memory_space<vmem>>, vector<1x16xf32>,
          %swap3A_106 = vector.shape_cast %swap3A_105 : vector<1x16xf32> to vector<16xf32>
          %swap3A_107 = vector.shape_cast %add3A_102 : vector<16xf32> to vector<1x16xf32>
          tpu.vector_store %arg12[%swap3A_103, %swap3A_104], %swap3A_107 {strides = array<i32>} : memref<128x256xf32, #tpu.memory_space<vmem>>, vector<1x16xf32>,
          %get3A_108 = arith.index_cast %add3A_81 : i32 to index
          %get3A_109 = arith.constant 32 : index
          %get3A_110 = tpu.vector_load %arg12[%get3A_108, %get3A_109] {strides = array<i32>} : memref<128x256xf32, #tpu.memory_space<vmem>>, vector<1x16xf32>,
          %get3A_111 = vector.shape_cast %get3A_110 : vector<1x16xf32> to vector<16xf32>
          %get3A_112 = arith.index_cast %add3A_81 : i32 to index
          %get3A_113 = arith.constant 32 : index
          %get3A_114 = tpu.vector_load %arg10[%get3A_112, %get3A_113] {strides = array<i32>} : memref<128x128xf32, #tpu.memory_space<vmem>>, vector<1x16xf32>,
          %get3A_115 = vector.shape_cast %get3A_114 : vector<1x16xf32> to vector<16xf32>
          %add3A_116 = arith.addf %get3A_111, %get3A_115 : vector<16xf32>
          %swap3A_117 = arith.index_cast %add3A_81 : i32 to index
          %swap3A_118 = arith.constant 32 : index
          %swap3A_119 = tpu.vector_load %arg12[%swap3A_117, %swap3A_118] {strides = array<i32>} : memref<128x256xf32, #tpu.memory_space<vmem>>, vector<1x16xf32>,
          %swap3A_120 = vector.shape_cast %swap3A_119 : vector<1x16xf32> to vector<16xf32>
          %swap3A_121 = vector.shape_cast %add3A_116 : vector<16xf32> to vector<1x16xf32>
          tpu.vector_store %arg12[%swap3A_117, %swap3A_118], %swap3A_121 {strides = array<i32>} : memref<128x256xf32, #tpu.memory_space<vmem>>, vector<1x16xf32>,
          %get3A_122 = arith.index_cast %add3A_81 : i32 to index
          %get3A_123 = arith.constant 48 : index
          %get3A_124 = tpu.vector_load %arg12[%get3A_122, %get3A_123] {strides = array<i32>} : memref<128x256xf32, #tpu.memory_space<vmem>>, vector<1x16xf32>,
          %get3A_125 = vector.shape_cast %get3A_124 : vector<1x16xf32> to vector<16xf32>
          %get3A_126 = arith.index_cast %add3A_81 : i32 to index
          %get3A_127 = arith.constant 48 : index
          %get3A_128 = tpu.vector_load %arg10[%get3A_126, %get3A_127] {strides = array<i32>} : memref<128x128xf32, #tpu.memory_space<vmem>>, vector<1x16xf32>,
          %get3A_129 = vector.shape_cast %get3A_128 : vector<1x16xf32> to vector<16xf32>
          %add3A_130 = arith.addf %get3A_125, %get3A_129 : vector<16xf32>
          %swap3A_131 = arith.index_cast %add3A_81 : i32 to index
          %swap3A_132 = arith.constant 48 : index
          %swap3A_133 = tpu.vector_load %arg12[%swap3A_131, %swap3A_132] {strides = array<i32>} : memref<128x256xf32, #tpu.memory_space<vmem>>, vector<1x16xf32>,
          %swap3A_134 = vector.shape_cast %swap3A_133 : vector<1x16xf32> to vector<16xf32>
          %swap3A_135 = vector.shape_cast %add3A_130 : vector<16xf32> to vector<1x16xf32>
          tpu.vector_store %arg12[%swap3A_131, %swap3A_132], %swap3A_135 {strides = array<i32>} : memref<128x256xf32, #tpu.memory_space<vmem>>, vector<1x16xf32>,
          %get3A_136 = arith.index_cast %add3A_81 : i32 to index
          %get3A_137 = arith.constant 64 : index
          %get3A_138 = tpu.vector_load %arg12[%get3A_136, %get3A_137] {strides = array<i32>} : memref<128x256xf32, #tpu.memory_space<vmem>>, vector<1x16xf32>,
          %get3A_139 = vector.shape_cast %get3A_138 : vector<1x16xf32> to vector<16xf32>
          %get3A_140 = arith.index_cast %add3A_81 : i32 to index
          %get3A_141 = arith.constant 64 : index
          %get3A_142 = tpu.vector_load %arg10[%get3A_140, %get3A_141] {strides = array<i32>} : memref<128x128xf32, #tpu.memory_space<vmem>>, vector<1x16xf32>,
          %get3A_143 = vector.shape_cast %get3A_142 : vector<1x16xf32> to vector<16xf32>
          %add3A_144 = arith.addf %get3A_139, %get3A_143 : vector<16xf32>
          %swap3A_145 = arith.index_cast %add3A_81 : i32 to index
          %swap3A_146 = arith.constant 64 : index
          %swap3A_147 = tpu.vector_load %arg12[%swap3A_145, %swap3A_146] {strides = array<i32>} : memref<128x256xf32, #tpu.memory_space<vmem>>, vector<1x16xf32>,
          %swap3A_148 = vector.shape_cast %swap3A_147 : vector<1x16xf32> to vector<16xf32>
          %swap3A_149 = vector.shape_cast %add3A_144 : vector<16xf32> to vector<1x16xf32>
          tpu.vector_store %arg12[%swap3A_145, %swap3A_146], %swap3A_149 {strides = array<i32>} : memref<128x256xf32, #tpu.memory_space<vmem>>, vector<1x16xf32>,
          %get3A_150 = arith.index_cast %add3A_81 : i32 to index
          %get3A_151 = arith.constant 80 : index
          %get3A_152 = tpu.vector_load %arg12[%get3A_150, %get3A_151] {strides = array<i32>} : memref<128x256xf32, #tpu.memory_space<vmem>>, vector<1x16xf32>,
          %get3A_153 = vector.shape_cast %get3A_152 : vector<1x16xf32> to vector<16xf32>
          %get3A_154 = arith.index_cast %add3A_81 : i32 to index
          %get3A_155 = arith.constant 80 : index
          %get3A_156 = tpu.vector_load %arg10[%get3A_154, %get3A_155] {strides = array<i32>} : memref<128x128xf32, #tpu.memory_space<vmem>>, vector<1x16xf32>,
          %get3A_157 = vector.shape_cast %get3A_156 : vector<1x16xf32> to vector<16xf32>
          %add3A_158 = arith.addf %get3A_153, %get3A_157 : vector<16xf32>
          %swap3A_159 = arith.index_cast %add3A_81 : i32 to index
          %swap3A_160 = arith.constant 80 : index
          %swap3A_161 = tpu.vector_load %arg12[%swap3A_159, %swap3A_160] {strides = array<i32>} : memref<128x256xf32, #tpu.memory_space<vmem>>, vector<1x16xf32>,
          %swap3A_162 = vector.shape_cast %swap3A_161 : vector<1x16xf32> to vector<16xf32>
          %swap3A_163 = vector.shape_cast %add3A_158 : vector<16xf32> to vector<1x16xf32>
          tpu.vector_store %arg12[%swap3A_159, %swap3A_160], %swap3A_163 {strides = array<i32>} : memref<128x256xf32, #tpu.memory_space<vmem>>, vector<1x16xf32>,
          %get3A_164 = arith.index_cast %add3A_81 : i32 to index
          %get3A_165 = arith.constant 96 : index
          %get3A_166 = tpu.vector_load %arg12[%get3A_164, %get3A_165] {strides = array<i32>} : memref<128x256xf32, #tpu.memory_space<vmem>>, vector<1x16xf32>,
          %get3A_167 = vector.shape_cast %get3A_166 : vector<1x16xf32> to vector<16xf32>
          %get3A_168 = arith.index_cast %add3A_81 : i32 to index
          %get3A_169 = arith.constant 96 : index
          %get3A_170 = tpu.vector_load %arg10[%get3A_168, %get3A_169] {strides = array<i32>} : memref<128x128xf32, #tpu.memory_space<vmem>>, vector<1x16xf32>,
          %get3A_171 = vector.shape_cast %get3A_170 : vector<1x16xf32> to vector<16xf32>
          %add3A_172 = arith.addf %get3A_167, %get3A_171 : vector<16xf32>
          %swap3A_173 = arith.index_cast %add3A_81 : i32 to index
          %swap3A_174 = arith.constant 96 : index
          %swap3A_175 = tpu.vector_load %arg12[%swap3A_173, %swap3A_174] {strides = array<i32>} : memref<128x256xf32, #tpu.memory_space<vmem>>, vector<1x16xf32>,
          %swap3A_176 = vector.shape_cast %swap3A_175 : vector<1x16xf32> to vector<16xf32>
          %swap3A_177 = vector.shape_cast %add3A_172 : vector<16xf32> to vector<1x16xf32>
          tpu.vector_store %arg12[%swap3A_173, %swap3A_174], %swap3A_177 {strides = array<i32>} : memref<128x256xf32, #tpu.memory_space<vmem>>, vector<1x16xf32>,
          %get3A_178 = arith.index_cast %add3A_81 : i32 to index
          %get3A_179 = arith.constant 112 : index
          %get3A_180 = tpu.vector_load %arg12[%get3A_178, %get3A_179] {strides = array<i32>} : memref<128x256xf32, #tpu.memory_space<vmem>>, vector<1x16xf32>,
          %get3A_181 = vector.shape_cast %get3A_180 : vector<1x16xf32> to vector<16xf32>
          %get3A_182 = arith.index_cast %add3A_81 : i32 to index
          %get3A_183 = arith.constant 112 : index
          %get3A_184 = tpu.vector_load %arg10[%get3A_182, %get3A_183] {strides = array<i32>} : memref<128x128xf32, #tpu.memory_space<vmem>>, vector<1x16xf32>,
          %get3A_185 = vector.shape_cast %get3A_184 : vector<1x16xf32> to vector<16xf32>
          %add3A_186 = arith.addf %get3A_181, %get3A_185 : vector<16xf32>
          %swap3A_187 = arith.index_cast %add3A_81 : i32 to index
          %swap3A_188 = arith.constant 112 : index
          %swap3A_189 = tpu.vector_load %arg12[%swap3A_187, %swap3A_188] {strides = array<i32>} : memref<128x256xf32, #tpu.memory_space<vmem>>, vector<1x16xf32>,
          %swap3A_190 = vector.shape_cast %swap3A_189 : vector<1x16xf32> to vector<16xf32>
          %swap3A_191 = vector.shape_cast %add3A_186 : vector<16xf32> to vector<1x16xf32>
          tpu.vector_store %arg12[%swap3A_187, %swap3A_188], %swap3A_191 {strides = array<i32>} : memref<128x256xf32, #tpu.memory_space<vmem>>, vector<1x16xf32>,
        }
        %scan3A_73 = arith.constant 128 : i32
        %add3A_74 = arith.addi %add3A_8, %add3A_50 : i32
        %mul3A_75 = arith.constant 128 : i32
        %mul3A_76 = arith.muli %add3A_74, %mul3A_75 : i32
        "tpu.region"() ({
          %run_scoped3A = tpu.sem_alloc : memref<!tpu.dma_semaphore, #tpu.memory_space<semaphore_mem>>
          %dma_start3A_77 = arith.constant 0 : i32
          %dma_start3A_78 = tpu.memref_slice %arg6[%mul3A_76, %dma_start3A_77] : memref<320000x256xf32, #tpu.memory_space<hbm>> -> memref<128x256xf32, #tpu.memory_space<hbm>>
          %dma_start3A_79 = arith.constant 0 : i32
          %dma_start3A_80 = tpu.memref_slice %arg6[%mul3A_76, %dma_start3A_79] : memref<320000x256xf32, #tpu.memory_space<hbm>> -> memref<128x256xf32, #tpu.memory_space<hbm>>
          tpu.enqueue_dma source(%arg12 : memref<128x256xf32, #tpu.memory_space<vmem>>) target(%dma_start3A_80 : memref<128x256xf32, #tpu.memory_space<hbm>>) target_semaphore(%run_scoped3A : memref<!tpu.dma_semaphore, #tpu.memory_space<semaphore_mem>>)
          %dma_wait3A_81 = arith.constant 0 : i32
          %dma_wait3A_82 = tpu.memref_slice %arg6[%mul3A_76, %dma_wait3A_81] : memref<320000x256xf32, #tpu.memory_space<hbm>> -> memref<128x256xf32, #tpu.memory_space<hbm>>
          %dma_wait3A_83 = arith.constant 0 : i32
          %dma_wait3A_84 = tpu.memref_slice %arg6[%mul3A_76, %dma_wait3A_83] : memref<320000x256xf32, #tpu.memory_space<hbm>> -> memref<128x256xf32, #tpu.memory_space<hbm>>
          tpu.wait_dma2 semaphore(%run_scoped3A : memref<!tpu.dma_semaphore, #tpu.memory_space<semaphore_mem>>) src(%arg12 : memref<128x256xf32, #tpu.memory_space<vmem>>) dst(%dma_wait3A_84 : memref<128x256xf32, #tpu.memory_space<hbm>>)
          tpu.yield
        }) : () -> ()
      } else {
      }
    }
    return
  }
}

#map = affine_map<(d0, d1) -> (0)>
module attributes {stable_mosaic.version = 14 : i64} {
  func.func @k(%arg0: i32, %arg1: i32, %arg2: memref<10240xf32, #tpu.memory_space<hbm>>, %arg3: memref<10240xi32, #tpu.memory_space<hbm>>, %arg4: memref<320000xi32, #tpu.memory_space<hbm>>, %arg5: memref<320000xf32, #tpu.memory_space<hbm>>, %arg6: memref<320000xi32, #tpu.memory_space<hbm>>, %arg7: memref<10112xi32, #tpu.memory_space<vmem>>, %arg8: memref<128xf32, #tpu.memory_space<vmem>>, %arg9: memref<128xf32, #tpu.memory_space<vmem>>, %arg10: memref<128xi32, #tpu.memory_space<vmem>>, %arg11: memref<128xi32, #tpu.memory_space<vmem>>, %arg12: memref<!tpu.dma_semaphore, #tpu.memory_space<semaphore_mem>>) attributes {dimension_semantics = [#tpu.dimension_semantics<core_parallel>, #tpu.dimension_semantics<subcore_parallel>], iteration_bounds = array<i64: 2, 16>, scalar_prefetch = 0 : i64, scratch_operands = 6 : i64, tpu.core_type = #tpu.core_type<sc_vector_subcore>, window_params = [{transform_indices = #map}, {transform_indices = #map}, {transform_indices = #map}, {transform_indices = #map}, {transform_indices = #map}]} {
    %mul3A = arith.constant 2 : i32
    %mul3A_0 = arith.muli %arg1, %mul3A : i32
    %add3A = arith.addi %mul3A_0, %arg0 : i32
    %lt3A = arith.constant 4 : i32
    %lt3A_1 = arith.cmpi slt, %add3A, %lt3A : i32
    %jit3A = arith.constant 1 : i32
    %jit3A_2 = arith.constant 0 : i32
    %select_n3A = arith.select %lt3A_1, %jit3A, %jit3A_2 : i32
    %add3A_3 = arith.constant 78 : i32
    %add3A_4 = arith.addi %add3A_3, %select_n3A : i32
    %mul3A_5 = arith.constant 78 : i32
    %mul3A_6 = arith.muli %add3A, %mul3A_5 : i32
    %min3A = arith.constant 4 : i32
    %min3A_7 = arith.minsi %add3A, %min3A : i32
    %add3A_8 = arith.addi %mul3A_6, %min3A_7 : i32
    %mul3A_9 = arith.constant 128 : i32
    %mul3A_10 = arith.muli %add3A_8, %mul3A_9 : i32
    "tpu.region"() ({
      %run_scoped3A = tpu.sem_alloc : memref<!tpu.dma_semaphore, #tpu.memory_space<semaphore_mem>>
      %dma_start3A_36 = arith.constant 0 : i32
      %dma_start3A_37 = tpu.memref_slice %arg7[%dma_start3A_36] : memref<10112xi32, #tpu.memory_space<vmem>> -> memref<9984xi32, #tpu.memory_space<vmem>>
      %dma_start3A_38 = tpu.memref_slice %arg4[%mul3A_10] : memref<320000xi32, #tpu.memory_space<hbm>> -> memref<9984xi32, #tpu.memory_space<hbm>>
      %dma_start3A_39 = arith.constant 0 : i32
      %dma_start3A_40 = tpu.memref_slice %arg7[%dma_start3A_39] : memref<10112xi32, #tpu.memory_space<vmem>> -> memref<9984xi32, #tpu.memory_space<vmem>>
      %dma_start3A_41 = tpu.memref_slice %arg4[%mul3A_10] : memref<320000xi32, #tpu.memory_space<hbm>> -> memref<9984xi32, #tpu.memory_space<hbm>>
      tpu.enqueue_dma source(%dma_start3A_41 : memref<9984xi32, #tpu.memory_space<hbm>>) target(%dma_start3A_40 : memref<9984xi32, #tpu.memory_space<vmem>>) target_semaphore(%run_scoped3A : memref<!tpu.dma_semaphore, #tpu.memory_space<semaphore_mem>>)
      %dma_wait3A = arith.constant 0 : i32
      %dma_wait3A_42 = tpu.memref_slice %arg7[%dma_wait3A] : memref<10112xi32, #tpu.memory_space<vmem>> -> memref<9984xi32, #tpu.memory_space<vmem>>
      %dma_wait3A_43 = tpu.memref_slice %arg4[%mul3A_10] : memref<320000xi32, #tpu.memory_space<hbm>> -> memref<9984xi32, #tpu.memory_space<hbm>>
      %dma_wait3A_44 = arith.constant 0 : i32
      %dma_wait3A_45 = tpu.memref_slice %arg7[%dma_wait3A_44] : memref<10112xi32, #tpu.memory_space<vmem>> -> memref<9984xi32, #tpu.memory_space<vmem>>
      %dma_wait3A_46 = tpu.memref_slice %arg4[%mul3A_10] : memref<320000xi32, #tpu.memory_space<hbm>> -> memref<9984xi32, #tpu.memory_space<hbm>>
      tpu.wait_dma2 semaphore(%run_scoped3A : memref<!tpu.dma_semaphore, #tpu.memory_space<semaphore_mem>>) src(%dma_wait3A_46 : memref<9984xi32, #tpu.memory_space<hbm>>) dst(%dma_wait3A_45 : memref<9984xi32, #tpu.memory_space<vmem>>)
      tpu.yield
    }) : () -> ()
    %gt3A = arith.constant 78 : i32
    %gt3A_11 = arith.cmpi sgt, %add3A_4, %gt3A : i32
    %convert_element_type3A = arith.extui %gt3A_11 : i1 to i32
    %cond3A = arith.constant 0 : i32
    %cond3A_12 = arith.cmpi ne, %convert_element_type3A, %cond3A : i32
    scf.if %cond3A_12 {
      %add3A_36 = arith.constant 78 : i32
      %add3A_37 = arith.addi %add3A_8, %add3A_36 : i32
      %mul3A_38 = arith.constant 128 : i32
      %mul3A_39 = arith.muli %add3A_37, %mul3A_38 : i32
      "tpu.region"() ({
        %run_scoped3A = tpu.sem_alloc : memref<!tpu.dma_semaphore, #tpu.memory_space<semaphore_mem>>
        %dma_start3A_40 = arith.constant 9984 : i32
        %dma_start3A_41 = tpu.memref_slice %arg7[%dma_start3A_40] : memref<10112xi32, #tpu.memory_space<vmem>> -> memref<128xi32, #tpu.memory_space<vmem>>
        %dma_start3A_42 = tpu.memref_slice %arg4[%mul3A_39] : memref<320000xi32, #tpu.memory_space<hbm>> -> memref<128xi32, #tpu.memory_space<hbm>>
        %dma_start3A_43 = arith.constant 9984 : i32
        %dma_start3A_44 = tpu.memref_slice %arg7[%dma_start3A_43] : memref<10112xi32, #tpu.memory_space<vmem>> -> memref<128xi32, #tpu.memory_space<vmem>>
        %dma_start3A_45 = tpu.memref_slice %arg4[%mul3A_39] : memref<320000xi32, #tpu.memory_space<hbm>> -> memref<128xi32, #tpu.memory_space<hbm>>
        tpu.enqueue_dma source(%dma_start3A_45 : memref<128xi32, #tpu.memory_space<hbm>>) target(%dma_start3A_44 : memref<128xi32, #tpu.memory_space<vmem>>) target_semaphore(%run_scoped3A : memref<!tpu.dma_semaphore, #tpu.memory_space<semaphore_mem>>)
        %dma_wait3A = arith.constant 9984 : i32
        %dma_wait3A_46 = tpu.memref_slice %arg7[%dma_wait3A] : memref<10112xi32, #tpu.memory_space<vmem>> -> memref<128xi32, #tpu.memory_space<vmem>>
        %dma_wait3A_47 = tpu.memref_slice %arg4[%mul3A_39] : memref<320000xi32, #tpu.memory_space<hbm>> -> memref<128xi32, #tpu.memory_space<hbm>>
        %dma_wait3A_48 = arith.constant 9984 : i32
        %dma_wait3A_49 = tpu.memref_slice %arg7[%dma_wait3A_48] : memref<10112xi32, #tpu.memory_space<vmem>> -> memref<128xi32, #tpu.memory_space<vmem>>
        %dma_wait3A_50 = tpu.memref_slice %arg4[%mul3A_39] : memref<320000xi32, #tpu.memory_space<hbm>> -> memref<128xi32, #tpu.memory_space<hbm>>
        tpu.wait_dma2 semaphore(%run_scoped3A : memref<!tpu.dma_semaphore, #tpu.memory_space<semaphore_mem>>) src(%dma_wait3A_50 : memref<128xi32, #tpu.memory_space<hbm>>) dst(%dma_wait3A_49 : memref<128xi32, #tpu.memory_space<vmem>>)
        tpu.yield
      }) : () -> ()
    } else {
    }
    %dma_start3A = arith.constant 0 : i32
    %dma_start3A_13 = tpu.memref_slice %arg7[%dma_start3A] : memref<10112xi32, #tpu.memory_space<vmem>> -> memref<128xi32, #tpu.memory_space<vmem>>
    %dma_start3A_14 = arith.constant 0 : i32
    %dma_start3A_15 = tpu.memref_slice %arg2[%dma_start3A_14] : memref<10240xf32, #tpu.memory_space<hbm>> -> memref<10240xf32, #tpu.memory_space<hbm>>
    tpu.enqueue_indirect_dma source(%dma_start3A_15 : memref<10240xf32, #tpu.memory_space<hbm>>) target(%arg8 : memref<128xf32, #tpu.memory_space<vmem>>) offsets(%dma_start3A_13 : memref<128xi32, #tpu.memory_space<vmem>>) semaphore(%arg12 : memref<!tpu.dma_semaphore, #tpu.memory_space<semaphore_mem>>)
    %dma_start3A_16 = arith.constant 0 : i32
    %dma_start3A_17 = tpu.memref_slice %arg7[%dma_start3A_16] : memref<10112xi32, #tpu.memory_space<vmem>> -> memref<128xi32, #tpu.memory_space<vmem>>
    %dma_start3A_18 = arith.constant 0 : i32
    %dma_start3A_19 = tpu.memref_slice %arg3[%dma_start3A_18] : memref<10240xi32, #tpu.memory_space<hbm>> -> memref<10240xi32, #tpu.memory_space<hbm>>
    tpu.enqueue_indirect_dma source(%dma_start3A_19 : memref<10240xi32, #tpu.memory_space<hbm>>) target(%arg10 : memref<128xi32, #tpu.memory_space<vmem>>) offsets(%dma_start3A_17 : memref<128xi32, #tpu.memory_space<vmem>>) semaphore(%arg12 : memref<!tpu.dma_semaphore, #tpu.memory_space<semaphore_mem>>)
    %sub3A = arith.constant 0 : i32
    %sub3A_20 = arith.subi %add3A_4, %sub3A : i32
    %sub3A_21 = arith.constant 2 : i32
    %sub3A_22 = arith.constant 1 : i32
    %sub3A_23 = arith.subi %sub3A_21, %sub3A_22 : i32
    %add3A_24 = arith.addi %sub3A_20, %sub3A_23 : i32
    %div3A = arith.constant 2 : i32
    %div3A_25 = arith.divsi %add3A_24, %div3A : i32
    %while3A = arith.constant 2 : i32
    %while3A_26 = arith.constant 0 : i32
    %while3A_27 = arith.constant 0 : i32
    %while3A_28 = arith.subi %div3A_25, %while3A_27 : i32
    %while3A_29 = arith.addi %while3A_27, %while3A_28 : i32
    %while3A_30 = arith.constant 1 : i32
    %while3A_31 = arith.divsi %while3A_28, %while3A_30 : i32
    %while3A_32 = arith.muli %while3A_31, %while3A_30 : i32
    %while3A_33 = arith.addi %while3A_27, %while3A_32 : i32
    %while3A_34 = arith.constant 1 : i32
    scf.for %while3A_36 = %while3A_27 to %while3A_33 step %while3A_34  : i32 {
      %mul3A_37 = arith.muli %while3A_36, %while3A : i32
      %add3A_38 = arith.addi %while3A_26, %mul3A_37 : i32
      %add3A_39 = arith.constant 0 : i32
      %add3A_40 = arith.addi %add3A_38, %add3A_39 : i32
      %lt3A_41 = arith.cmpi slt, %add3A_40, %add3A_4 : i32
      %convert_element_type3A_42 = arith.extui %lt3A_41 : i1 to i32
      %cond3A_43 = arith.constant 0 : i32
      %cond3A_44 = arith.cmpi ne, %convert_element_type3A_42, %cond3A_43 : i32
      scf.if %cond3A_44 {
        %add3A_51 = arith.constant 1 : i32
        %add3A_52 = arith.addi %add3A_40, %add3A_51 : i32
        %lt3A_53 = arith.cmpi slt, %add3A_52, %add3A_4 : i32
        %convert_element_type3A_54 = arith.extui %lt3A_53 : i1 to i32
        %cond3A_55 = arith.constant 0 : i32
        %cond3A_56 = arith.cmpi ne, %convert_element_type3A_54, %cond3A_55 : i32
        scf.if %cond3A_56 {
          %add3A_67 = arith.constant 1 : i32
          %add3A_68 = arith.addi %add3A_40, %add3A_67 : i32
          %mul3A_69 = arith.constant 128 : i32
          %mul3A_70 = arith.muli %add3A_68, %mul3A_69 : i32
          %dma_start3A_71 = tpu.memref_slice %arg7[%mul3A_70] : memref<10112xi32, #tpu.memory_space<vmem>> -> memref<128xi32, #tpu.memory_space<vmem>>
          %dma_start3A_72 = arith.constant 0 : i32
          %dma_start3A_73 = tpu.memref_slice %arg2[%dma_start3A_72] : memref<10240xf32, #tpu.memory_space<hbm>> -> memref<10240xf32, #tpu.memory_space<hbm>>
          tpu.enqueue_indirect_dma source(%dma_start3A_73 : memref<10240xf32, #tpu.memory_space<hbm>>) target(%arg9 : memref<128xf32, #tpu.memory_space<vmem>>) offsets(%dma_start3A_71 : memref<128xi32, #tpu.memory_space<vmem>>) semaphore(%arg12 : memref<!tpu.dma_semaphore, #tpu.memory_space<semaphore_mem>>)
          %dma_start3A_74 = tpu.memref_slice %arg7[%mul3A_70] : memref<10112xi32, #tpu.memory_space<vmem>> -> memref<128xi32, #tpu.memory_space<vmem>>
          %dma_start3A_75 = arith.constant 0 : i32
          %dma_start3A_76 = tpu.memref_slice %arg3[%dma_start3A_75] : memref<10240xi32, #tpu.memory_space<hbm>> -> memref<10240xi32, #tpu.memory_space<hbm>>
          tpu.enqueue_indirect_dma source(%dma_start3A_76 : memref<10240xi32, #tpu.memory_space<hbm>>) target(%arg11 : memref<128xi32, #tpu.memory_space<vmem>>) offsets(%dma_start3A_74 : memref<128xi32, #tpu.memory_space<vmem>>) semaphore(%arg12 : memref<!tpu.dma_semaphore, #tpu.memory_space<semaphore_mem>>)
        } else {
        }
        %mul3A_57 = arith.constant 128 : i32
        %mul3A_58 = arith.muli %add3A_40, %mul3A_57 : i32
        %dma_wait3A = tpu.memref_slice %arg7[%mul3A_58] : memref<10112xi32, #tpu.memory_space<vmem>> -> memref<128xi32, #tpu.memory_space<vmem>>
        %dma_wait3A_59 = arith.constant 0 : i32
        %dma_wait3A_60 = tpu.memref_slice %arg2[%dma_wait3A_59] : memref<10240xf32, #tpu.memory_space<hbm>> -> memref<10240xf32, #tpu.memory_space<hbm>>
        tpu.wait_indirect_dma semaphore(%arg12 : memref<!tpu.dma_semaphore, #tpu.memory_space<semaphore_mem>>) src(%dma_wait3A_60 : memref<10240xf32, #tpu.memory_space<hbm>>) dst(%arg8 : memref<128xf32, #tpu.memory_space<vmem>>)
        %dma_wait3A_61 = tpu.memref_slice %arg7[%mul3A_58] : memref<10112xi32, #tpu.memory_space<vmem>> -> memref<128xi32, #tpu.memory_space<vmem>>
        %dma_wait3A_62 = arith.constant 0 : i32
        %dma_wait3A_63 = tpu.memref_slice %arg3[%dma_wait3A_62] : memref<10240xi32, #tpu.memory_space<hbm>> -> memref<10240xi32, #tpu.memory_space<hbm>>
        tpu.wait_indirect_dma semaphore(%arg12 : memref<!tpu.dma_semaphore, #tpu.memory_space<semaphore_mem>>) src(%dma_wait3A_63 : memref<10240xi32, #tpu.memory_space<hbm>>) dst(%arg10 : memref<128xi32, #tpu.memory_space<vmem>>)
        %add3A_64 = arith.addi %add3A_8, %add3A_40 : i32
        %mul3A_65 = arith.constant 128 : i32
        %mul3A_66 = arith.muli %add3A_64, %mul3A_65 : i32
        "tpu.region"() ({
          %run_scoped3A = tpu.sem_alloc : memref<!tpu.dma_semaphore, #tpu.memory_space<semaphore_mem>>
          %dma_start3A_67 = tpu.memref_slice %arg5[%mul3A_66] : memref<320000xf32, #tpu.memory_space<hbm>> -> memref<128xf32, #tpu.memory_space<hbm>>
          %dma_start3A_68 = tpu.memref_slice %arg5[%mul3A_66] : memref<320000xf32, #tpu.memory_space<hbm>> -> memref<128xf32, #tpu.memory_space<hbm>>
          tpu.enqueue_dma source(%arg8 : memref<128xf32, #tpu.memory_space<vmem>>) target(%dma_start3A_68 : memref<128xf32, #tpu.memory_space<hbm>>) target_semaphore(%run_scoped3A : memref<!tpu.dma_semaphore, #tpu.memory_space<semaphore_mem>>)
          %dma_wait3A_69 = tpu.memref_slice %arg5[%mul3A_66] : memref<320000xf32, #tpu.memory_space<hbm>> -> memref<128xf32, #tpu.memory_space<hbm>>
          %dma_wait3A_70 = tpu.memref_slice %arg5[%mul3A_66] : memref<320000xf32, #tpu.memory_space<hbm>> -> memref<128xf32, #tpu.memory_space<hbm>>
          tpu.wait_dma2 semaphore(%run_scoped3A : memref<!tpu.dma_semaphore, #tpu.memory_space<semaphore_mem>>) src(%arg8 : memref<128xf32, #tpu.memory_space<vmem>>) dst(%dma_wait3A_70 : memref<128xf32, #tpu.memory_space<hbm>>)
          tpu.yield
        }) : () -> ()
        "tpu.region"() ({
          %run_scoped3A = tpu.sem_alloc : memref<!tpu.dma_semaphore, #tpu.memory_space<semaphore_mem>>
          %dma_start3A_67 = tpu.memref_slice %arg6[%mul3A_66] : memref<320000xi32, #tpu.memory_space<hbm>> -> memref<128xi32, #tpu.memory_space<hbm>>
          %dma_start3A_68 = tpu.memref_slice %arg6[%mul3A_66] : memref<320000xi32, #tpu.memory_space<hbm>> -> memref<128xi32, #tpu.memory_space<hbm>>
          tpu.enqueue_dma source(%arg10 : memref<128xi32, #tpu.memory_space<vmem>>) target(%dma_start3A_68 : memref<128xi32, #tpu.memory_space<hbm>>) target_semaphore(%run_scoped3A : memref<!tpu.dma_semaphore, #tpu.memory_space<semaphore_mem>>)
          %dma_wait3A_69 = tpu.memref_slice %arg6[%mul3A_66] : memref<320000xi32, #tpu.memory_space<hbm>> -> memref<128xi32, #tpu.memory_space<hbm>>
          %dma_wait3A_70 = tpu.memref_slice %arg6[%mul3A_66] : memref<320000xi32, #tpu.memory_space<hbm>> -> memref<128xi32, #tpu.memory_space<hbm>>
          tpu.wait_dma2 semaphore(%run_scoped3A : memref<!tpu.dma_semaphore, #tpu.memory_space<semaphore_mem>>) src(%arg10 : memref<128xi32, #tpu.memory_space<vmem>>) dst(%dma_wait3A_70 : memref<128xi32, #tpu.memory_space<hbm>>)
          tpu.yield
        }) : () -> ()
      } else {
      }
      %add3A_45 = arith.constant 1 : i32
      %add3A_46 = arith.addi %add3A_38, %add3A_45 : i32
      %lt3A_47 = arith.cmpi slt, %add3A_46, %add3A_4 : i32
      %convert_element_type3A_48 = arith.extui %lt3A_47 : i1 to i32
      %cond3A_49 = arith.constant 0 : i32
      %cond3A_50 = arith.cmpi ne, %convert_element_type3A_48, %cond3A_49 : i32
      scf.if %cond3A_50 {
        %add3A_51 = arith.constant 1 : i32
        %add3A_52 = arith.addi %add3A_46, %add3A_51 : i32
        %lt3A_53 = arith.cmpi slt, %add3A_52, %add3A_4 : i32
        %convert_element_type3A_54 = arith.extui %lt3A_53 : i1 to i32
        %cond3A_55 = arith.constant 0 : i32
        %cond3A_56 = arith.cmpi ne, %convert_element_type3A_54, %cond3A_55 : i32
        scf.if %cond3A_56 {
          %add3A_67 = arith.constant 1 : i32
          %add3A_68 = arith.addi %add3A_46, %add3A_67 : i32
          %mul3A_69 = arith.constant 128 : i32
          %mul3A_70 = arith.muli %add3A_68, %mul3A_69 : i32
          %dma_start3A_71 = tpu.memref_slice %arg7[%mul3A_70] : memref<10112xi32, #tpu.memory_space<vmem>> -> memref<128xi32, #tpu.memory_space<vmem>>
          %dma_start3A_72 = arith.constant 0 : i32
          %dma_start3A_73 = tpu.memref_slice %arg2[%dma_start3A_72] : memref<10240xf32, #tpu.memory_space<hbm>> -> memref<10240xf32, #tpu.memory_space<hbm>>
          tpu.enqueue_indirect_dma source(%dma_start3A_73 : memref<10240xf32, #tpu.memory_space<hbm>>) target(%arg8 : memref<128xf32, #tpu.memory_space<vmem>>) offsets(%dma_start3A_71 : memref<128xi32, #tpu.memory_space<vmem>>) semaphore(%arg12 : memref<!tpu.dma_semaphore, #tpu.memory_space<semaphore_mem>>)
          %dma_start3A_74 = tpu.memref_slice %arg7[%mul3A_70] : memref<10112xi32, #tpu.memory_space<vmem>> -> memref<128xi32, #tpu.memory_space<vmem>>
          %dma_start3A_75 = arith.constant 0 : i32
          %dma_start3A_76 = tpu.memref_slice %arg3[%dma_start3A_75] : memref<10240xi32, #tpu.memory_space<hbm>> -> memref<10240xi32, #tpu.memory_space<hbm>>
          tpu.enqueue_indirect_dma source(%dma_start3A_76 : memref<10240xi32, #tpu.memory_space<hbm>>) target(%arg10 : memref<128xi32, #tpu.memory_space<vmem>>) offsets(%dma_start3A_74 : memref<128xi32, #tpu.memory_space<vmem>>) semaphore(%arg12 : memref<!tpu.dma_semaphore, #tpu.memory_space<semaphore_mem>>)
        } else {
        }
        %mul3A_57 = arith.constant 128 : i32
        %mul3A_58 = arith.muli %add3A_46, %mul3A_57 : i32
        %dma_wait3A = tpu.memref_slice %arg7[%mul3A_58] : memref<10112xi32, #tpu.memory_space<vmem>> -> memref<128xi32, #tpu.memory_space<vmem>>
        %dma_wait3A_59 = arith.constant 0 : i32
        %dma_wait3A_60 = tpu.memref_slice %arg2[%dma_wait3A_59] : memref<10240xf32, #tpu.memory_space<hbm>> -> memref<10240xf32, #tpu.memory_space<hbm>>
        tpu.wait_indirect_dma semaphore(%arg12 : memref<!tpu.dma_semaphore, #tpu.memory_space<semaphore_mem>>) src(%dma_wait3A_60 : memref<10240xf32, #tpu.memory_space<hbm>>) dst(%arg9 : memref<128xf32, #tpu.memory_space<vmem>>)
        %dma_wait3A_61 = tpu.memref_slice %arg7[%mul3A_58] : memref<10112xi32, #tpu.memory_space<vmem>> -> memref<128xi32, #tpu.memory_space<vmem>>
        %dma_wait3A_62 = arith.constant 0 : i32
        %dma_wait3A_63 = tpu.memref_slice %arg3[%dma_wait3A_62] : memref<10240xi32, #tpu.memory_space<hbm>> -> memref<10240xi32, #tpu.memory_space<hbm>>
        tpu.wait_indirect_dma semaphore(%arg12 : memref<!tpu.dma_semaphore, #tpu.memory_space<semaphore_mem>>) src(%dma_wait3A_63 : memref<10240xi32, #tpu.memory_space<hbm>>) dst(%arg11 : memref<128xi32, #tpu.memory_space<vmem>>)
        %add3A_64 = arith.addi %add3A_8, %add3A_46 : i32
        %mul3A_65 = arith.constant 128 : i32
        %mul3A_66 = arith.muli %add3A_64, %mul3A_65 : i32
        "tpu.region"() ({
          %run_scoped3A = tpu.sem_alloc : memref<!tpu.dma_semaphore, #tpu.memory_space<semaphore_mem>>
          %dma_start3A_67 = tpu.memref_slice %arg5[%mul3A_66] : memref<320000xf32, #tpu.memory_space<hbm>> -> memref<128xf32, #tpu.memory_space<hbm>>
          %dma_start3A_68 = tpu.memref_slice %arg5[%mul3A_66] : memref<320000xf32, #tpu.memory_space<hbm>> -> memref<128xf32, #tpu.memory_space<hbm>>
          tpu.enqueue_dma source(%arg9 : memref<128xf32, #tpu.memory_space<vmem>>) target(%dma_start3A_68 : memref<128xf32, #tpu.memory_space<hbm>>) target_semaphore(%run_scoped3A : memref<!tpu.dma_semaphore, #tpu.memory_space<semaphore_mem>>)
          %dma_wait3A_69 = tpu.memref_slice %arg5[%mul3A_66] : memref<320000xf32, #tpu.memory_space<hbm>> -> memref<128xf32, #tpu.memory_space<hbm>>
          %dma_wait3A_70 = tpu.memref_slice %arg5[%mul3A_66] : memref<320000xf32, #tpu.memory_space<hbm>> -> memref<128xf32, #tpu.memory_space<hbm>>
          tpu.wait_dma2 semaphore(%run_scoped3A : memref<!tpu.dma_semaphore, #tpu.memory_space<semaphore_mem>>) src(%arg9 : memref<128xf32, #tpu.memory_space<vmem>>) dst(%dma_wait3A_70 : memref<128xf32, #tpu.memory_space<hbm>>)
          tpu.yield
        }) : () -> ()
        "tpu.region"() ({
          %run_scoped3A = tpu.sem_alloc : memref<!tpu.dma_semaphore, #tpu.memory_space<semaphore_mem>>
          %dma_start3A_67 = tpu.memref_slice %arg6[%mul3A_66] : memref<320000xi32, #tpu.memory_space<hbm>> -> memref<128xi32, #tpu.memory_space<hbm>>
          %dma_start3A_68 = tpu.memref_slice %arg6[%mul3A_66] : memref<320000xi32, #tpu.memory_space<hbm>> -> memref<128xi32, #tpu.memory_space<hbm>>
          tpu.enqueue_dma source(%arg11 : memref<128xi32, #tpu.memory_space<vmem>>) target(%dma_start3A_68 : memref<128xi32, #tpu.memory_space<hbm>>) target_semaphore(%run_scoped3A : memref<!tpu.dma_semaphore, #tpu.memory_space<semaphore_mem>>)
          %dma_wait3A_69 = tpu.memref_slice %arg6[%mul3A_66] : memref<320000xi32, #tpu.memory_space<hbm>> -> memref<128xi32, #tpu.memory_space<hbm>>
          %dma_wait3A_70 = tpu.memref_slice %arg6[%mul3A_66] : memref<320000xi32, #tpu.memory_space<hbm>> -> memref<128xi32, #tpu.memory_space<hbm>>
          tpu.wait_dma2 semaphore(%run_scoped3A : memref<!tpu.dma_semaphore, #tpu.memory_space<semaphore_mem>>) src(%arg11 : memref<128xi32, #tpu.memory_space<vmem>>) dst(%dma_wait3A_70 : memref<128xi32, #tpu.memory_space<hbm>>)
          tpu.yield
        }) : () -> ()
      } else {
      }
    }
    %while3A_35 = arith.constant 1 : i32
    scf.for %while3A_36 = %while3A_33 to %while3A_29 step %while3A_35  : i32 {
      %mul3A_37 = arith.muli %while3A_36, %while3A : i32
      %add3A_38 = arith.addi %while3A_26, %mul3A_37 : i32
      %add3A_39 = arith.constant 0 : i32
      %add3A_40 = arith.addi %add3A_38, %add3A_39 : i32
      %lt3A_41 = arith.cmpi slt, %add3A_40, %add3A_4 : i32
      %convert_element_type3A_42 = arith.extui %lt3A_41 : i1 to i32
      %cond3A_43 = arith.constant 0 : i32
      %cond3A_44 = arith.cmpi ne, %convert_element_type3A_42, %cond3A_43 : i32
      scf.if %cond3A_44 {
        %add3A_51 = arith.constant 1 : i32
        %add3A_52 = arith.addi %add3A_40, %add3A_51 : i32
        %lt3A_53 = arith.cmpi slt, %add3A_52, %add3A_4 : i32
        %convert_element_type3A_54 = arith.extui %lt3A_53 : i1 to i32
        %cond3A_55 = arith.constant 0 : i32
        %cond3A_56 = arith.cmpi ne, %convert_element_type3A_54, %cond3A_55 : i32
        scf.if %cond3A_56 {
          %add3A_67 = arith.constant 1 : i32
          %add3A_68 = arith.addi %add3A_40, %add3A_67 : i32
          %mul3A_69 = arith.constant 128 : i32
          %mul3A_70 = arith.muli %add3A_68, %mul3A_69 : i32
          %dma_start3A_71 = tpu.memref_slice %arg7[%mul3A_70] : memref<10112xi32, #tpu.memory_space<vmem>> -> memref<128xi32, #tpu.memory_space<vmem>>
          %dma_start3A_72 = arith.constant 0 : i32
          %dma_start3A_73 = tpu.memref_slice %arg2[%dma_start3A_72] : memref<10240xf32, #tpu.memory_space<hbm>> -> memref<10240xf32, #tpu.memory_space<hbm>>
          tpu.enqueue_indirect_dma source(%dma_start3A_73 : memref<10240xf32, #tpu.memory_space<hbm>>) target(%arg9 : memref<128xf32, #tpu.memory_space<vmem>>) offsets(%dma_start3A_71 : memref<128xi32, #tpu.memory_space<vmem>>) semaphore(%arg12 : memref<!tpu.dma_semaphore, #tpu.memory_space<semaphore_mem>>)
          %dma_start3A_74 = tpu.memref_slice %arg7[%mul3A_70] : memref<10112xi32, #tpu.memory_space<vmem>> -> memref<128xi32, #tpu.memory_space<vmem>>
          %dma_start3A_75 = arith.constant 0 : i32
          %dma_start3A_76 = tpu.memref_slice %arg3[%dma_start3A_75] : memref<10240xi32, #tpu.memory_space<hbm>> -> memref<10240xi32, #tpu.memory_space<hbm>>
          tpu.enqueue_indirect_dma source(%dma_start3A_76 : memref<10240xi32, #tpu.memory_space<hbm>>) target(%arg11 : memref<128xi32, #tpu.memory_space<vmem>>) offsets(%dma_start3A_74 : memref<128xi32, #tpu.memory_space<vmem>>) semaphore(%arg12 : memref<!tpu.dma_semaphore, #tpu.memory_space<semaphore_mem>>)
        } else {
        }
        %mul3A_57 = arith.constant 128 : i32
        %mul3A_58 = arith.muli %add3A_40, %mul3A_57 : i32
        %dma_wait3A = tpu.memref_slice %arg7[%mul3A_58] : memref<10112xi32, #tpu.memory_space<vmem>> -> memref<128xi32, #tpu.memory_space<vmem>>
        %dma_wait3A_59 = arith.constant 0 : i32
        %dma_wait3A_60 = tpu.memref_slice %arg2[%dma_wait3A_59] : memref<10240xf32, #tpu.memory_space<hbm>> -> memref<10240xf32, #tpu.memory_space<hbm>>
        tpu.wait_indirect_dma semaphore(%arg12 : memref<!tpu.dma_semaphore, #tpu.memory_space<semaphore_mem>>) src(%dma_wait3A_60 : memref<10240xf32, #tpu.memory_space<hbm>>) dst(%arg8 : memref<128xf32, #tpu.memory_space<vmem>>)
        %dma_wait3A_61 = tpu.memref_slice %arg7[%mul3A_58] : memref<10112xi32, #tpu.memory_space<vmem>> -> memref<128xi32, #tpu.memory_space<vmem>>
        %dma_wait3A_62 = arith.constant 0 : i32
        %dma_wait3A_63 = tpu.memref_slice %arg3[%dma_wait3A_62] : memref<10240xi32, #tpu.memory_space<hbm>> -> memref<10240xi32, #tpu.memory_space<hbm>>
        tpu.wait_indirect_dma semaphore(%arg12 : memref<!tpu.dma_semaphore, #tpu.memory_space<semaphore_mem>>) src(%dma_wait3A_63 : memref<10240xi32, #tpu.memory_space<hbm>>) dst(%arg10 : memref<128xi32, #tpu.memory_space<vmem>>)
        %add3A_64 = arith.addi %add3A_8, %add3A_40 : i32
        %mul3A_65 = arith.constant 128 : i32
        %mul3A_66 = arith.muli %add3A_64, %mul3A_65 : i32
        "tpu.region"() ({
          %run_scoped3A = tpu.sem_alloc : memref<!tpu.dma_semaphore, #tpu.memory_space<semaphore_mem>>
          %dma_start3A_67 = tpu.memref_slice %arg5[%mul3A_66] : memref<320000xf32, #tpu.memory_space<hbm>> -> memref<128xf32, #tpu.memory_space<hbm>>
          %dma_start3A_68 = tpu.memref_slice %arg5[%mul3A_66] : memref<320000xf32, #tpu.memory_space<hbm>> -> memref<128xf32, #tpu.memory_space<hbm>>
          tpu.enqueue_dma source(%arg8 : memref<128xf32, #tpu.memory_space<vmem>>) target(%dma_start3A_68 : memref<128xf32, #tpu.memory_space<hbm>>) target_semaphore(%run_scoped3A : memref<!tpu.dma_semaphore, #tpu.memory_space<semaphore_mem>>)
          %dma_wait3A_69 = tpu.memref_slice %arg5[%mul3A_66] : memref<320000xf32, #tpu.memory_space<hbm>> -> memref<128xf32, #tpu.memory_space<hbm>>
          %dma_wait3A_70 = tpu.memref_slice %arg5[%mul3A_66] : memref<320000xf32, #tpu.memory_space<hbm>> -> memref<128xf32, #tpu.memory_space<hbm>>
          tpu.wait_dma2 semaphore(%run_scoped3A : memref<!tpu.dma_semaphore, #tpu.memory_space<semaphore_mem>>) src(%arg8 : memref<128xf32, #tpu.memory_space<vmem>>) dst(%dma_wait3A_70 : memref<128xf32, #tpu.memory_space<hbm>>)
          tpu.yield
        }) : () -> ()
        "tpu.region"() ({
          %run_scoped3A = tpu.sem_alloc : memref<!tpu.dma_semaphore, #tpu.memory_space<semaphore_mem>>
          %dma_start3A_67 = tpu.memref_slice %arg6[%mul3A_66] : memref<320000xi32, #tpu.memory_space<hbm>> -> memref<128xi32, #tpu.memory_space<hbm>>
          %dma_start3A_68 = tpu.memref_slice %arg6[%mul3A_66] : memref<320000xi32, #tpu.memory_space<hbm>> -> memref<128xi32, #tpu.memory_space<hbm>>
          tpu.enqueue_dma source(%arg10 : memref<128xi32, #tpu.memory_space<vmem>>) target(%dma_start3A_68 : memref<128xi32, #tpu.memory_space<hbm>>) target_semaphore(%run_scoped3A : memref<!tpu.dma_semaphore, #tpu.memory_space<semaphore_mem>>)
          %dma_wait3A_69 = tpu.memref_slice %arg6[%mul3A_66] : memref<320000xi32, #tpu.memory_space<hbm>> -> memref<128xi32, #tpu.memory_space<hbm>>
          %dma_wait3A_70 = tpu.memref_slice %arg6[%mul3A_66] : memref<320000xi32, #tpu.memory_space<hbm>> -> memref<128xi32, #tpu.memory_space<hbm>>
          tpu.wait_dma2 semaphore(%run_scoped3A : memref<!tpu.dma_semaphore, #tpu.memory_space<semaphore_mem>>) src(%arg10 : memref<128xi32, #tpu.memory_space<vmem>>) dst(%dma_wait3A_70 : memref<128xi32, #tpu.memory_space<hbm>>)
          tpu.yield
        }) : () -> ()
      } else {
      }
      %add3A_45 = arith.constant 1 : i32
      %add3A_46 = arith.addi %add3A_38, %add3A_45 : i32
      %lt3A_47 = arith.cmpi slt, %add3A_46, %add3A_4 : i32
      %convert_element_type3A_48 = arith.extui %lt3A_47 : i1 to i32
      %cond3A_49 = arith.constant 0 : i32
      %cond3A_50 = arith.cmpi ne, %convert_element_type3A_48, %cond3A_49 : i32
      scf.if %cond3A_50 {
        %add3A_51 = arith.constant 1 : i32
        %add3A_52 = arith.addi %add3A_46, %add3A_51 : i32
        %lt3A_53 = arith.cmpi slt, %add3A_52, %add3A_4 : i32
        %convert_element_type3A_54 = arith.extui %lt3A_53 : i1 to i32
        %cond3A_55 = arith.constant 0 : i32
        %cond3A_56 = arith.cmpi ne, %convert_element_type3A_54, %cond3A_55 : i32
        scf.if %cond3A_56 {
          %add3A_67 = arith.constant 1 : i32
          %add3A_68 = arith.addi %add3A_46, %add3A_67 : i32
          %mul3A_69 = arith.constant 128 : i32
          %mul3A_70 = arith.muli %add3A_68, %mul3A_69 : i32
          %dma_start3A_71 = tpu.memref_slice %arg7[%mul3A_70] : memref<10112xi32, #tpu.memory_space<vmem>> -> memref<128xi32, #tpu.memory_space<vmem>>
          %dma_start3A_72 = arith.constant 0 : i32
          %dma_start3A_73 = tpu.memref_slice %arg2[%dma_start3A_72] : memref<10240xf32, #tpu.memory_space<hbm>> -> memref<10240xf32, #tpu.memory_space<hbm>>
          tpu.enqueue_indirect_dma source(%dma_start3A_73 : memref<10240xf32, #tpu.memory_space<hbm>>) target(%arg8 : memref<128xf32, #tpu.memory_space<vmem>>) offsets(%dma_start3A_71 : memref<128xi32, #tpu.memory_space<vmem>>) semaphore(%arg12 : memref<!tpu.dma_semaphore, #tpu.memory_space<semaphore_mem>>)
          %dma_start3A_74 = tpu.memref_slice %arg7[%mul3A_70] : memref<10112xi32, #tpu.memory_space<vmem>> -> memref<128xi32, #tpu.memory_space<vmem>>
          %dma_start3A_75 = arith.constant 0 : i32
          %dma_start3A_76 = tpu.memref_slice %arg3[%dma_start3A_75] : memref<10240xi32, #tpu.memory_space<hbm>> -> memref<10240xi32, #tpu.memory_space<hbm>>
          tpu.enqueue_indirect_dma source(%dma_start3A_76 : memref<10240xi32, #tpu.memory_space<hbm>>) target(%arg10 : memref<128xi32, #tpu.memory_space<vmem>>) offsets(%dma_start3A_74 : memref<128xi32, #tpu.memory_space<vmem>>) semaphore(%arg12 : memref<!tpu.dma_semaphore, #tpu.memory_space<semaphore_mem>>)
        } else {
        }
        %mul3A_57 = arith.constant 128 : i32
        %mul3A_58 = arith.muli %add3A_46, %mul3A_57 : i32
        %dma_wait3A = tpu.memref_slice %arg7[%mul3A_58] : memref<10112xi32, #tpu.memory_space<vmem>> -> memref<128xi32, #tpu.memory_space<vmem>>
        %dma_wait3A_59 = arith.constant 0 : i32
        %dma_wait3A_60 = tpu.memref_slice %arg2[%dma_wait3A_59] : memref<10240xf32, #tpu.memory_space<hbm>> -> memref<10240xf32, #tpu.memory_space<hbm>>
        tpu.wait_indirect_dma semaphore(%arg12 : memref<!tpu.dma_semaphore, #tpu.memory_space<semaphore_mem>>) src(%dma_wait3A_60 : memref<10240xf32, #tpu.memory_space<hbm>>) dst(%arg9 : memref<128xf32, #tpu.memory_space<vmem>>)
        %dma_wait3A_61 = tpu.memref_slice %arg7[%mul3A_58] : memref<10112xi32, #tpu.memory_space<vmem>> -> memref<128xi32, #tpu.memory_space<vmem>>
        %dma_wait3A_62 = arith.constant 0 : i32
        %dma_wait3A_63 = tpu.memref_slice %arg3[%dma_wait3A_62] : memref<10240xi32, #tpu.memory_space<hbm>> -> memref<10240xi32, #tpu.memory_space<hbm>>
        tpu.wait_indirect_dma semaphore(%arg12 : memref<!tpu.dma_semaphore, #tpu.memory_space<semaphore_mem>>) src(%dma_wait3A_63 : memref<10240xi32, #tpu.memory_space<hbm>>) dst(%arg11 : memref<128xi32, #tpu.memory_space<vmem>>)
        %add3A_64 = arith.addi %add3A_8, %add3A_46 : i32
        %mul3A_65 = arith.constant 128 : i32
        %mul3A_66 = arith.muli %add3A_64, %mul3A_65 : i32
        "tpu.region"() ({
          %run_scoped3A = tpu.sem_alloc : memref<!tpu.dma_semaphore, #tpu.memory_space<semaphore_mem>>
          %dma_start3A_67 = tpu.memref_slice %arg5[%mul3A_66] : memref<320000xf32, #tpu.memory_space<hbm>> -> memref<128xf32, #tpu.memory_space<hbm>>
          %dma_start3A_68 = tpu.memref_slice %arg5[%mul3A_66] : memref<320000xf32, #tpu.memory_space<hbm>> -> memref<128xf32, #tpu.memory_space<hbm>>
          tpu.enqueue_dma source(%arg9 : memref<128xf32, #tpu.memory_space<vmem>>) target(%dma_start3A_68 : memref<128xf32, #tpu.memory_space<hbm>>) target_semaphore(%run_scoped3A : memref<!tpu.dma_semaphore, #tpu.memory_space<semaphore_mem>>)
          %dma_wait3A_69 = tpu.memref_slice %arg5[%mul3A_66] : memref<320000xf32, #tpu.memory_space<hbm>> -> memref<128xf32, #tpu.memory_space<hbm>>
          %dma_wait3A_70 = tpu.memref_slice %arg5[%mul3A_66] : memref<320000xf32, #tpu.memory_space<hbm>> -> memref<128xf32, #tpu.memory_space<hbm>>
          tpu.wait_dma2 semaphore(%run_scoped3A : memref<!tpu.dma_semaphore, #tpu.memory_space<semaphore_mem>>) src(%arg9 : memref<128xf32, #tpu.memory_space<vmem>>) dst(%dma_wait3A_70 : memref<128xf32, #tpu.memory_space<hbm>>)
          tpu.yield
        }) : () -> ()
        "tpu.region"() ({
          %run_scoped3A = tpu.sem_alloc : memref<!tpu.dma_semaphore, #tpu.memory_space<semaphore_mem>>
          %dma_start3A_67 = tpu.memref_slice %arg6[%mul3A_66] : memref<320000xi32, #tpu.memory_space<hbm>> -> memref<128xi32, #tpu.memory_space<hbm>>
          %dma_start3A_68 = tpu.memref_slice %arg6[%mul3A_66] : memref<320000xi32, #tpu.memory_space<hbm>> -> memref<128xi32, #tpu.memory_space<hbm>>
          tpu.enqueue_dma source(%arg11 : memref<128xi32, #tpu.memory_space<vmem>>) target(%dma_start3A_68 : memref<128xi32, #tpu.memory_space<hbm>>) target_semaphore(%run_scoped3A : memref<!tpu.dma_semaphore, #tpu.memory_space<semaphore_mem>>)
          %dma_wait3A_69 = tpu.memref_slice %arg6[%mul3A_66] : memref<320000xi32, #tpu.memory_space<hbm>> -> memref<128xi32, #tpu.memory_space<hbm>>
          %dma_wait3A_70 = tpu.memref_slice %arg6[%mul3A_66] : memref<320000xi32, #tpu.memory_space<hbm>> -> memref<128xi32, #tpu.memory_space<hbm>>
          tpu.wait_dma2 semaphore(%run_scoped3A : memref<!tpu.dma_semaphore, #tpu.memory_space<semaphore_mem>>) src(%arg11 : memref<128xi32, #tpu.memory_space<vmem>>) dst(%dma_wait3A_70 : memref<128xi32, #tpu.memory_space<hbm>>)
          tpu.yield
        }) : () -> ()
      } else {
      }
    }
    return
  }
}

module attributes {stable_mosaic.version = 14 : i64} {
  func.func @_cnt_body(%arg0: i32, %arg1: memref<1x1x6400xi32, #tpu.memory_space<vmem>>, %arg2: memref<128x128xf32, #tpu.memory_space<vmem>>) attributes {dimension_semantics = [#tpu.dimension_semantics<arbitrary>], iteration_bounds = array<i64: 50>, scalar_prefetch = 0 : i64, scratch_operands = 0 : i64, tpu.core_type = #tpu.core_type<tc>, window_params = [{transform_indices = @transform_0, window_bounds = array<i64: 1, 1, 6400>}, {pipeline_mode = #tpu.pipeline_mode<synchronous>, transform_indices = @transform_1, window_bounds = array<i64: 128, 128>}]} {
    %get3A = arith.constant 0 : index
    %get3A_0 = arith.constant 0 : index
    %get3A_1 = arith.constant 0 : index
    %get3A_2 = vector.load %arg1[%get3A, %get3A_0, %get3A_1] : memref<1x1x6400xi32, #tpu.memory_space<vmem>>, vector<1x1x6400xi32>
    %get3A_3 = vector.shape_cast %get3A_2 : vector<1x1x6400xi32> to vector<1x6400xi32>
    %jit3A = arith.constant 128 : i32
    %div3A = vector.broadcast %jit3A : i32 to vector<1x6400xi32>
    %div3A_4 = arith.divsi %get3A_3, %div3A : vector<1x6400xi32>
    %sign3A = arith.constant 0 : i32
    %sign3A_5 = vector.broadcast %sign3A : i32 to vector<1x6400xi32>
    %sign3A_6 = arith.cmpi sgt, %get3A_3, %sign3A_5 : vector<1x6400xi32>
    %sign3A_7 = arith.extui %sign3A_6 : vector<1x6400xi1> to vector<1x6400xi32>
    %sign3A_8 = arith.constant 0 : i32
    %sign3A_9 = vector.broadcast %sign3A_8 : i32 to vector<1x6400xi32>
    %sign3A_10 = arith.cmpi slt, %get3A_3, %sign3A_9 : vector<1x6400xi32>
    %sign3A_11 = arith.extui %sign3A_10 : vector<1x6400xi1> to vector<1x6400xi32>
    %sign3A_12 = arith.subi %sign3A_7, %sign3A_11 : vector<1x6400xi32>
    %sign3A_13 = arith.constant 0 : i32
    %sign3A_14 = arith.cmpi sgt, %jit3A, %sign3A_13 : i32
    %sign3A_15 = arith.extui %sign3A_14 : i1 to i32
    %sign3A_16 = arith.constant 0 : i32
    %sign3A_17 = arith.cmpi slt, %jit3A, %sign3A_16 : i32
    %sign3A_18 = arith.extui %sign3A_17 : i1 to i32
    %sign3A_19 = arith.subi %sign3A_15, %sign3A_18 : i32
    %ne3A = vector.broadcast %sign3A_19 : i32 to vector<1x6400xi32>
    %ne3A_20 = arith.cmpi ne, %sign3A_12, %ne3A : vector<1x6400xi32>
    %rem3A = vector.broadcast %jit3A : i32 to vector<1x6400xi32>
    %rem3A_21 = arith.remsi %get3A_3, %rem3A : vector<1x6400xi32>
    %ne3A_22 = arith.constant 0 : i32
    %ne3A_23 = vector.broadcast %ne3A_22 : i32 to vector<1x6400xi32>
    %ne3A_24 = arith.cmpi ne, %rem3A_21, %ne3A_23 : vector<1x6400xi32>
    %and3A = arith.andi %ne3A_20, %ne3A_24 : vector<1x6400xi1>
    %sub3A = arith.constant 1 : i32
    %sub3A_25 = vector.broadcast %sub3A : i32 to vector<1x6400xi32>
    %sub3A_26 = arith.subi %div3A_4, %sub3A_25 : vector<1x6400xi32>
    %select_n3A = arith.select %and3A, %sub3A_26, %div3A_4 : vector<1x6400xi1>, vector<1x6400xi32>
    %rem3A_27 = arith.constant 128 : i32
    %rem3A_28 = vector.broadcast %rem3A_27 : i32 to vector<1x6400xi32>
    %rem3A_29 = arith.remsi %get3A_3, %rem3A_28 : vector<1x6400xi32>
    %iota3A = tpu.iota {dimensions = array<i32: 0>} : vector<128x6400xi32>
    %eq3A = vector.broadcast %select_n3A : vector<1x6400xi32> to vector<128x6400xi32>
    %eq3A_30 = arith.cmpi eq, %eq3A, %iota3A : vector<128x6400xi32>
    %jit3A_31 = arith.constant 1.000000e+00 : f32
    %jit3A_32 = arith.constant 0.000000e+00 : f32
    %broadcast_in_dim3A = vector.broadcast %jit3A_31 : f32 to vector<128x6400xf32>
    %broadcast_in_dim3A_33 = vector.broadcast %jit3A_32 : f32 to vector<128x6400xf32>
    %select_n3A_34 = arith.select %eq3A_30, %broadcast_in_dim3A, %broadcast_in_dim3A_33 : vector<128x6400xi1>, vector<128x6400xf32>
    %eq3A_35 = vector.broadcast %rem3A_29 : vector<1x6400xi32> to vector<128x6400xi32>
    %eq3A_36 = arith.cmpi eq, %eq3A_35, %iota3A : vector<128x6400xi32>
    %jit3A_37 = arith.constant 1.000000e+00 : f32
    %jit3A_38 = arith.constant 0.000000e+00 : f32
    %broadcast_in_dim3A_39 = vector.broadcast %jit3A_37 : f32 to vector<128x6400xf32>
    %broadcast_in_dim3A_40 = vector.broadcast %jit3A_38 : f32 to vector<128x6400xf32>
    %select_n3A_41 = arith.select %eq3A_36, %broadcast_in_dim3A_39, %broadcast_in_dim3A_40 : vector<128x6400xi1>, vector<128x6400xf32>
    %dot_general3A = arith.constant dense<0.000000e+00> : vector<128x128xf32>
    %dot_general3A_42 = tpu.matmul %select_n3A_34, %select_n3A_41, %dot_general3A {dimension_numbers = #tpu.dot_dimension_numbers<[1], [1], [0], [0], [0, 0, 1, 0], [], []>, transpose_lhs_hint = false} : vector<128x6400xf32>, vector<128x6400xf32>, vector<128x128xf32> -> vector<128x128xf32>
    %eq3A_43 = arith.constant 0 : i32
    %eq3A_44 = arith.cmpi eq, %arg0, %eq3A_43 : i32
    %convert_element_type3A = arith.extui %eq3A_44 : i1 to i32
    %cond3A = arith.constant 0 : i32
    %cond3A_45 = arith.cmpi ne, %convert_element_type3A, %cond3A : i32
    scf.if %cond3A_45 {
      %swap3A = arith.constant 0 : index
      %swap3A_50 = arith.constant 0 : index
      %swap3A_51 = vector.load %arg2[%swap3A, %swap3A_50] : memref<128x128xf32, #tpu.memory_space<vmem>>, vector<128x128xf32>
      tpu.vector_store %arg2[%swap3A, %swap3A_50], %dot_general3A_42 {strides = array<i32>} : memref<128x128xf32, #tpu.memory_space<vmem>>, vector<128x128xf32>,
    } else {
    }
    %gt3A = arith.constant 0 : i32
    %gt3A_46 = arith.cmpi sgt, %arg0, %gt3A : i32
    %convert_element_type3A_47 = arith.extui %gt3A_46 : i1 to i32
    %cond3A_48 = arith.constant 0 : i32
    %cond3A_49 = arith.cmpi ne, %convert_element_type3A_47, %cond3A_48 : i32
    scf.if %cond3A_49 {
      %get3A_50 = arith.constant 0 : index
      %get3A_51 = arith.constant 0 : index
      %get3A_52 = vector.load %arg2[%get3A_50, %get3A_51] : memref<128x128xf32, #tpu.memory_space<vmem>>, vector<128x128xf32>
      %add3A = arith.addf %get3A_52, %dot_general3A_42 : vector<128x128xf32>
      %swap3A = arith.constant 0 : index
      %swap3A_53 = arith.constant 0 : index
      %swap3A_54 = vector.load %arg2[%swap3A, %swap3A_53] : memref<128x128xf32, #tpu.memory_space<vmem>>, vector<128x128xf32>
      tpu.vector_store %arg2[%swap3A, %swap3A_53], %add3A {strides = array<i32>} : memref<128x128xf32, #tpu.memory_space<vmem>>, vector<128x128xf32>,
    } else {
    }
    return
  }
  func.func @transform_0(%arg0: i32) -> (i32, i32, i32) {
    %c0_i32 = arith.constant 0 : i32
    %c0_i32_0 = arith.constant 0 : i32
    %c0_i32_1 = arith.constant 0 : i32
    return %arg0, %c0_i32, %c0_i32_0 : i32, i32, i32
  }
  func.func @transform_1(%arg0: i32) -> (i32, i32) {
    %c0_i32 = arith.constant 0 : i32
    %c0_i32_0 = arith.constant 0 : i32
    %c0_i32_1 = arith.constant 0 : i32
    return %c0_i32, %c0_i32_0 : i32, i32
  }
}

module attributes {stable_mosaic.version = 14 : i64} {
  func.func @_nodew_body(%arg0: memref<1x10240xf32, #tpu.memory_space<vmem>>, %arg1: memref<1x10240xf32, #tpu.memory_space<vmem>>, %arg2: memref<1x10240xf32, #tpu.memory_space<vmem>>) attributes {dimension_semantics = [], scalar_prefetch = 0 : i64, scratch_operands = 0 : i64, tpu.core_type = #tpu.core_type<tc>} {
    %get3A = arith.constant 0 : index
    %get3A_0 = arith.constant 0 : index
    %get3A_1 = vector.load %arg0[%get3A, %get3A_0] : memref<1x10240xf32, #tpu.memory_space<vmem>>, vector<1x10240xf32>
    %swap3A = arith.constant 0 : index
    %swap3A_2 = arith.constant 0 : index
    %swap3A_3 = vector.load %arg1[%swap3A, %swap3A_2] : memref<1x10240xf32, #tpu.memory_space<vmem>>, vector<1x10240xf32>
    tpu.vector_store %arg1[%swap3A, %swap3A_2], %get3A_1 {strides = array<i32>} : memref<1x10240xf32, #tpu.memory_space<vmem>>, vector<1x10240xf32>,
    %max3A = arith.constant 1.000000e+00 : f32
    %max3A_4 = vector.broadcast %max3A : f32 to vector<1x10240xf32>
    %max3A_5 = arith.maximumf %get3A_1, %max3A_4 : vector<1x10240xf32>
    %div3A = arith.constant 1.000000e+00 : f32
    %div3A_6 = vector.broadcast %div3A : f32 to vector<1x10240xf32>
    %div3A_7 = arith.divf %div3A_6, %max3A_5 : vector<1x10240xf32>
    %swap3A_8 = arith.constant 0 : index
    %swap3A_9 = arith.constant 0 : index
    %swap3A_10 = vector.load %arg2[%swap3A_8, %swap3A_9] : memref<1x10240xf32, #tpu.memory_space<vmem>>, vector<1x10240xf32>
    tpu.vector_store %arg2[%swap3A_8, %swap3A_9], %div3A_7 {strides = array<i32>} : memref<1x10240xf32, #tpu.memory_space<vmem>>, vector<1x10240xf32>,
    return
  }
}

module attributes {stable_mosaic.version = 14 : i64} {
  func.func @_prep_body(%arg0: i32, %arg1: memref<2000x128xf32, #tpu.memory_space<vmem>>, %arg2: memref<384x128xf32, #tpu.memory_space<vmem>>, %arg3: memref<768x128xf32, #tpu.memory_space<vmem>>, %arg4: memref<128x640xf32, #tpu.memory_space<vmem>>, %arg5: memref<1x640xf32, #tpu.memory_space<vmem>>, %arg6: memref<1x128xf32, #tpu.memory_space<vmem>>, %arg7: memref<2000x128xf32, #tpu.memory_space<vmem>>, %arg8: memref<2000x256xf32, #tpu.memory_space<vmem>>, %arg9: memref<128x128xf32, #tpu.memory_space<vmem>>, %arg10: memref<1x128xf32, #tpu.memory_space<vmem>>) attributes {dimension_semantics = [#tpu.dimension_semantics<arbitrary>], iteration_bounds = array<i64: 5>, scalar_prefetch = 0 : i64, scratch_operands = 0 : i64, tpu.core_type = #tpu.core_type<tc>, window_params = [{transform_indices = @transform_0, window_bounds = array<i64: 2000, 128>}, {pipeline_mode = #tpu.pipeline_mode<synchronous>, transform_indices = @transform_1, window_bounds = array<i64: 384, 128>}, {pipeline_mode = #tpu.pipeline_mode<synchronous>, transform_indices = @transform_2, window_bounds = array<i64: 768, 128>}, {pipeline_mode = #tpu.pipeline_mode<synchronous>, transform_indices = @transform_3, window_bounds = array<i64: 128, 640>}, {pipeline_mode = #tpu.pipeline_mode<synchronous>, transform_indices = @transform_4, window_bounds = array<i64: 1, 640>}, {pipeline_mode = #tpu.pipeline_mode<synchronous>, transform_indices = @transform_5, window_bounds = array<i64: 1, 128>}, {transform_indices = @transform_6, window_bounds = array<i64: 2000, 128>}, {transform_indices = @transform_7, window_bounds = array<i64: 2000, 256>}, {pipeline_mode = #tpu.pipeline_mode<synchronous>, transform_indices = @transform_8, window_bounds = array<i64: 128, 128>}, {pipeline_mode = #tpu.pipeline_mode<synchronous>, transform_indices = @transform_9, window_bounds = array<i64: 1, 128>}]} {
    %get3A = arith.constant 0 : index
    %get3A_0 = arith.constant 0 : index
    %get3A_1 = vector.load %arg1[%get3A, %get3A_0] : memref<2000x128xf32, #tpu.memory_space<vmem>>, vector<2000x128xf32>
    %get3A_2 = arith.constant 0 : index
    %get3A_3 = arith.constant 0 : index
    %get3A_4 = vector.load %arg2[%get3A_2, %get3A_3] : memref<384x128xf32, #tpu.memory_space<vmem>>, vector<128x128xf32>
    %dot_general3A = arith.constant dense<0.000000e+00> : vector<2000x128xf32>
    %dot_general3A_5 = tpu.matmul %get3A_1, %get3A_4, %dot_general3A {dimension_numbers = #tpu.dot_dimension_numbers<[1], [0], [0], [1], [0, 0, 1, 1], [], []>, transpose_lhs_hint = false} : vector<2000x128xf32>, vector<128x128xf32>, vector<2000x128xf32> -> vector<2000x128xf32>
    %swap3A = arith.constant 0 : index
    %swap3A_6 = arith.constant 0 : index
    %swap3A_7 = vector.load %arg7[%swap3A, %swap3A_6] : memref<2000x128xf32, #tpu.memory_space<vmem>>, vector<2000x128xf32>
    tpu.vector_store %arg7[%swap3A, %swap3A_6], %dot_general3A_5 {strides = array<i32>} : memref<2000x128xf32, #tpu.memory_space<vmem>>, vector<2000x128xf32>,
    %get3A_8 = arith.constant 128 : index
    %get3A_9 = arith.constant 0 : index
    %get3A_10 = vector.load %arg2[%get3A_8, %get3A_9] : memref<384x128xf32, #tpu.memory_space<vmem>>, vector<128x128xf32>
    %dot_general3A_11 = arith.constant dense<0.000000e+00> : vector<2000x128xf32>
    %dot_general3A_12 = tpu.matmul %get3A_1, %get3A_10, %dot_general3A_11 {dimension_numbers = #tpu.dot_dimension_numbers<[1], [0], [0], [1], [0, 0, 1, 1], [], []>, transpose_lhs_hint = false} : vector<2000x128xf32>, vector<128x128xf32>, vector<2000x128xf32> -> vector<2000x128xf32>
    %swap3A_13 = arith.constant 0 : index
    %swap3A_14 = arith.constant 0 : index
    %swap3A_15 = vector.load %arg8[%swap3A_13, %swap3A_14] : memref<2000x256xf32, #tpu.memory_space<vmem>>, vector<2000x128xf32>
    tpu.vector_store %arg8[%swap3A_13, %swap3A_14], %dot_general3A_12 {strides = array<i32>} : memref<2000x256xf32, #tpu.memory_space<vmem>>, vector<2000x128xf32>,
    %get3A_16 = arith.constant 0 : index
    %get3A_17 = arith.constant 0 : index
    %get3A_18 = vector.load %arg3[%get3A_16, %get3A_17] : memref<768x128xf32, #tpu.memory_space<vmem>>, vector<128x128xf32>
    %dot_general3A_19 = arith.constant dense<0.000000e+00> : vector<2000x128xf32>
    %dot_general3A_20 = tpu.matmul %get3A_1, %get3A_18, %dot_general3A_19 {dimension_numbers = #tpu.dot_dimension_numbers<[1], [0], [0], [1], [0, 0, 1, 1], [], []>, transpose_lhs_hint = false} : vector<2000x128xf32>, vector<128x128xf32>, vector<2000x128xf32> -> vector<2000x128xf32>
    %swap3A_21 = arith.constant 0 : index
    %swap3A_22 = arith.constant 128 : index
    %swap3A_23 = vector.load %arg8[%swap3A_21, %swap3A_22] : memref<2000x256xf32, #tpu.memory_space<vmem>>, vector<2000x128xf32>
    tpu.vector_store %arg8[%swap3A_21, %swap3A_22], %dot_general3A_20 {strides = array<i32>} : memref<2000x256xf32, #tpu.memory_space<vmem>>, vector<2000x128xf32>,
    %get3A_24 = arith.constant 128 : index
    %get3A_25 = arith.constant 0 : index
    %get3A_26 = vector.load %arg3[%get3A_24, %get3A_25] : memref<768x128xf32, #tpu.memory_space<vmem>>, vector<640x128xf32>
    %get3A_27 = arith.constant 0 : index
    %get3A_28 = arith.constant 0 : index
    %get3A_29 = vector.load %arg4[%get3A_27, %get3A_28] : memref<128x640xf32, #tpu.memory_space<vmem>>, vector<128x640xf32>
    %dot_general3A_30 = arith.constant dense<0.000000e+00> : vector<128x128xf32>
    %dot_general3A_31 = tpu.matmul %get3A_29, %get3A_26, %dot_general3A_30 {dimension_numbers = #tpu.dot_dimension_numbers<[1], [0], [0], [1], [0, 0, 1, 1], [], []>, transpose_lhs_hint = false} : vector<128x640xf32>, vector<640x128xf32>, vector<128x128xf32> -> vector<128x128xf32>
    %swap3A_32 = arith.constant 0 : index
    %swap3A_33 = arith.constant 0 : index
    %swap3A_34 = vector.load %arg9[%swap3A_32, %swap3A_33] : memref<128x128xf32, #tpu.memory_space<vmem>>, vector<128x128xf32>
    tpu.vector_store %arg9[%swap3A_32, %swap3A_33], %dot_general3A_31 {strides = array<i32>} : memref<128x128xf32, #tpu.memory_space<vmem>>, vector<128x128xf32>,
    %get3A_35 = arith.constant 0 : index
    %get3A_36 = arith.constant 0 : index
    %get3A_37 = vector.load %arg5[%get3A_35, %get3A_36] : memref<1x640xf32, #tpu.memory_space<vmem>>, vector<1x640xf32>
    %dot_general3A_38 = arith.constant dense<0.000000e+00> : vector<1x128xf32>
    %dot_general3A_39 = tpu.matmul %get3A_37, %get3A_26, %dot_general3A_38 {dimension_numbers = #tpu.dot_dimension_numbers<[1], [0], [0], [1], [0, 0, 1, 1], [], []>, transpose_lhs_hint = false} : vector<1x640xf32>, vector<640x128xf32>, vector<1x128xf32> -> vector<1x128xf32>
    %get3A_40 = arith.constant 0 : index
    %get3A_41 = arith.constant 0 : index
    %get3A_42 = vector.load %arg6[%get3A_40, %get3A_41] : memref<1x128xf32, #tpu.memory_space<vmem>>, vector<1x128xf32>
    %add3A = arith.addf %dot_general3A_39, %get3A_42 : vector<1x128xf32>
    %swap3A_43 = arith.constant 0 : index
    %swap3A_44 = arith.constant 0 : index
    %swap3A_45 = vector.load %arg10[%swap3A_43, %swap3A_44] : memref<1x128xf32, #tpu.memory_space<vmem>>, vector<1x128xf32>
    tpu.vector_store %arg10[%swap3A_43, %swap3A_44], %add3A {strides = array<i32>} : memref<1x128xf32, #tpu.memory_space<vmem>>, vector<1x128xf32>,
    return
  }
  func.func @transform_0(%arg0: i32) -> (i32, i32) {
    %c0_i32 = arith.constant 0 : i32
    %c0_i32_0 = arith.constant 0 : i32
    return %arg0, %c0_i32 : i32, i32
  }
  func.func @transform_1(%arg0: i32) -> (i32, i32) {
    %c0_i32 = arith.constant 0 : i32
    %c0_i32_0 = arith.constant 0 : i32
    %c0_i32_1 = arith.constant 0 : i32
    return %c0_i32, %c0_i32_0 : i32, i32
  }
  func.func @transform_2(%arg0: i32) -> (i32, i32) {
    %c0_i32 = arith.constant 0 : i32
    %c0_i32_0 = arith.constant 0 : i32
    %c0_i32_1 = arith.constant 0 : i32
    return %c0_i32, %c0_i32_0 : i32, i32
  }
  func.func @transform_3(%arg0: i32) -> (i32, i32) {
    %c0_i32 = arith.constant 0 : i32
    %c0_i32_0 = arith.constant 0 : i32
    %c0_i32_1 = arith.constant 0 : i32
    return %c0_i32, %c0_i32_0 : i32, i32
  }
  func.func @transform_4(%arg0: i32) -> (i32, i32) {
    %c0_i32 = arith.constant 0 : i32
    %c0_i32_0 = arith.constant 0 : i32
    %c0_i32_1 = arith.constant 0 : i32
    return %c0_i32, %c0_i32_0 : i32, i32
  }
  func.func @transform_5(%arg0: i32) -> (i32, i32) {
    %c0_i32 = arith.constant 0 : i32
    %c0_i32_0 = arith.constant 0 : i32
    %c0_i32_1 = arith.constant 0 : i32
    return %c0_i32, %c0_i32_0 : i32, i32
  }
  func.func @transform_6(%arg0: i32) -> (i32, i32) {
    %c0_i32 = arith.constant 0 : i32
    %c0_i32_0 = arith.constant 0 : i32
    return %arg0, %c0_i32 : i32, i32
  }
  func.func @transform_7(%arg0: i32) -> (i32, i32) {
    %c0_i32 = arith.constant 0 : i32
    %c0_i32_0 = arith.constant 0 : i32
    return %arg0, %c0_i32 : i32, i32
  }
  func.func @transform_8(%arg0: i32) -> (i32, i32) {
    %c0_i32 = arith.constant 0 : i32
    %c0_i32_0 = arith.constant 0 : i32
    %c0_i32_1 = arith.constant 0 : i32
    return %c0_i32, %c0_i32_0 : i32, i32
  }
  func.func @transform_9(%arg0: i32) -> (i32, i32) {
    %c0_i32 = arith.constant 0 : i32
    %c0_i32_0 = arith.constant 0 : i32
    %c0_i32_1 = arith.constant 0 : i32
    return %c0_i32, %c0_i32_0 : i32, i32
  }
}

module attributes {stable_mosaic.version = 14 : i64} {
  func.func @_edge_body(%arg0: i32, %arg1: memref<6400x128xf32, #tpu.memory_space<vmem>>, %arg2: memref<6400x256xf32, #tpu.memory_space<vmem>>, %arg3: memref<128x128xf32, #tpu.memory_space<vmem>>, %arg4: memref<128x128xf32, #tpu.memory_space<vmem>>, %arg5: memref<1x128xf32, #tpu.memory_space<vmem>>, %arg6: memref<1x128xf32, #tpu.memory_space<vmem>>, %arg7: memref<6400x128xf32, #tpu.memory_space<vmem>>) attributes {dimension_semantics = [#tpu.dimension_semantics<arbitrary>], iteration_bounds = array<i64: 50>, scalar_prefetch = 0 : i64, scratch_operands = 0 : i64, tpu.core_type = #tpu.core_type<tc>, window_params = [{transform_indices = @transform_0, window_bounds = array<i64: 6400, 128>}, {transform_indices = @transform_1, window_bounds = array<i64: 6400, 256>}, {pipeline_mode = #tpu.pipeline_mode<synchronous>, transform_indices = @transform_2, window_bounds = array<i64: 128, 128>}, {pipeline_mode = #tpu.pipeline_mode<synchronous>, transform_indices = @transform_3, window_bounds = array<i64: 128, 128>}, {pipeline_mode = #tpu.pipeline_mode<synchronous>, transform_indices = @transform_4, window_bounds = array<i64: 1, 128>}, {pipeline_mode = #tpu.pipeline_mode<synchronous>, transform_indices = @transform_5, window_bounds = array<i64: 1, 128>}, {transform_indices = @transform_6, window_bounds = array<i64: 6400, 128>}]} {
    %get3A = arith.constant 0 : index
    %get3A_0 = arith.constant 0 : index
    %get3A_1 = vector.load %arg1[%get3A, %get3A_0] : memref<6400x128xf32, #tpu.memory_space<vmem>>, vector<6400x128xf32>
    %get3A_2 = arith.constant 0 : index
    %get3A_3 = arith.constant 0 : index
    %get3A_4 = vector.load %arg3[%get3A_2, %get3A_3] : memref<128x128xf32, #tpu.memory_space<vmem>>, vector<128x128xf32>
    %dot_general3A = arith.constant dense<0.000000e+00> : vector<6400x128xf32>
    %dot_general3A_5 = tpu.matmul %get3A_1, %get3A_4, %dot_general3A {dimension_numbers = #tpu.dot_dimension_numbers<[1], [0], [0], [1], [0, 0, 1, 1], [], []>, transpose_lhs_hint = false} : vector<6400x128xf32>, vector<128x128xf32>, vector<6400x128xf32> -> vector<6400x128xf32>
    %get3A_6 = arith.constant 0 : index
    %get3A_7 = arith.constant 0 : index
    %get3A_8 = vector.load %arg2[%get3A_6, %get3A_7] : memref<6400x256xf32, #tpu.memory_space<vmem>>, vector<6400x128xf32>
    %add3A = arith.addf %get3A_8, %dot_general3A_5 : vector<6400x128xf32>
    %get3A_9 = arith.constant 0 : index
    %get3A_10 = arith.constant 0 : index
    %get3A_11 = vector.load %arg5[%get3A_9, %get3A_10] : memref<1x128xf32, #tpu.memory_space<vmem>>, vector<1x128xf32>
    %add3A_12 = vector.broadcast %get3A_11 : vector<1x128xf32> to vector<6400x128xf32>
    %add3A_13 = arith.addf %add3A, %add3A_12 : vector<6400x128xf32>
    %max3A = arith.constant 0.000000e+00 : f32
    %max3A_14 = vector.broadcast %max3A : f32 to vector<6400x128xf32>
    %max3A_15 = arith.maximumf %add3A_13, %max3A_14 : vector<6400x128xf32>
    %get3A_16 = arith.constant 0 : index
    %get3A_17 = arith.constant 128 : index
    %get3A_18 = vector.load %arg2[%get3A_16, %get3A_17] : memref<6400x256xf32, #tpu.memory_space<vmem>>, vector<6400x128xf32>
    %get3A_19 = arith.constant 0 : index
    %get3A_20 = arith.constant 0 : index
    %get3A_21 = vector.load %arg4[%get3A_19, %get3A_20] : memref<128x128xf32, #tpu.memory_space<vmem>>, vector<128x128xf32>
    %dot_general3A_22 = arith.constant dense<0.000000e+00> : vector<6400x128xf32>
    %dot_general3A_23 = tpu.matmul %max3A_15, %get3A_21, %dot_general3A_22 {dimension_numbers = #tpu.dot_dimension_numbers<[1], [0], [0], [1], [0, 0, 1, 1], [], []>, transpose_lhs_hint = false} : vector<6400x128xf32>, vector<128x128xf32>, vector<6400x128xf32> -> vector<6400x128xf32>
    %add3A_24 = arith.addf %get3A_18, %dot_general3A_23 : vector<6400x128xf32>
    %get3A_25 = arith.constant 0 : index
    %get3A_26 = arith.constant 0 : index
    %get3A_27 = vector.load %arg6[%get3A_25, %get3A_26] : memref<1x128xf32, #tpu.memory_space<vmem>>, vector<1x128xf32>
    %add3A_28 = vector.broadcast %get3A_27 : vector<1x128xf32> to vector<6400x128xf32>
    %add3A_29 = arith.addf %add3A_24, %add3A_28 : vector<6400x128xf32>
    %max3A_30 = arith.constant 0.000000e+00 : f32
    %max3A_31 = vector.broadcast %max3A_30 : f32 to vector<6400x128xf32>
    %max3A_32 = arith.maximumf %add3A_29, %max3A_31 : vector<6400x128xf32>
    %swap3A = arith.constant 0 : index
    %swap3A_33 = arith.constant 0 : index
    %swap3A_34 = vector.load %arg7[%swap3A, %swap3A_33] : memref<6400x128xf32, #tpu.memory_space<vmem>>, vector<6400x128xf32>
    tpu.vector_store %arg7[%swap3A, %swap3A_33], %max3A_32 {strides = array<i32>} : memref<6400x128xf32, #tpu.memory_space<vmem>>, vector<6400x128xf32>,
    return
  }
  func.func @transform_0(%arg0: i32) -> (i32, i32) {
    %c0_i32 = arith.constant 0 : i32
    %c0_i32_0 = arith.constant 0 : i32
    return %arg0, %c0_i32 : i32, i32
  }
  func.func @transform_1(%arg0: i32) -> (i32, i32) {
    %c0_i32 = arith.constant 0 : i32
    %c0_i32_0 = arith.constant 0 : i32
    return %arg0, %c0_i32 : i32, i32
  }
  func.func @transform_2(%arg0: i32) -> (i32, i32) {
    %c0_i32 = arith.constant 0 : i32
    %c0_i32_0 = arith.constant 0 : i32
    %c0_i32_1 = arith.constant 0 : i32
    return %c0_i32, %c0_i32_0 : i32, i32
  }
  func.func @transform_3(%arg0: i32) -> (i32, i32) {
    %c0_i32 = arith.constant 0 : i32
    %c0_i32_0 = arith.constant 0 : i32
    %c0_i32_1 = arith.constant 0 : i32
    return %c0_i32, %c0_i32_0 : i32, i32
  }
  func.func @transform_4(%arg0: i32) -> (i32, i32) {
    %c0_i32 = arith.constant 0 : i32
    %c0_i32_0 = arith.constant 0 : i32
    %c0_i32_1 = arith.constant 0 : i32
    return %c0_i32, %c0_i32_0 : i32, i32
  }
  func.func @transform_5(%arg0: i32) -> (i32, i32) {
    %c0_i32 = arith.constant 0 : i32
    %c0_i32_0 = arith.constant 0 : i32
    %c0_i32_1 = arith.constant 0 : i32
    return %c0_i32, %c0_i32_0 : i32, i32
  }
  func.func @transform_6(%arg0: i32) -> (i32, i32) {
    %c0_i32 = arith.constant 0 : i32
    %c0_i32_0 = arith.constant 0 : i32
    return %arg0, %c0_i32 : i32, i32
  }
}

module attributes {stable_mosaic.version = 14 : i64} {
  func.func @_wred_body(%arg0: i32, %arg1: memref<1x1x6400xf32, #tpu.memory_space<vmem>>, %arg2: memref<1x1x6400xi32, #tpu.memory_space<vmem>>, %arg3: memref<6400x128xf32, #tpu.memory_space<vmem>>, %arg4: memref<16x128xf32, #tpu.memory_space<vmem>>) attributes {dimension_semantics = [#tpu.dimension_semantics<arbitrary>], iteration_bounds = array<i64: 50>, scalar_prefetch = 0 : i64, scratch_operands = 0 : i64, tpu.core_type = #tpu.core_type<tc>, window_params = [{transform_indices = @transform_0, window_bounds = array<i64: 1, 1, 6400>}, {transform_indices = @transform_1, window_bounds = array<i64: 1, 1, 6400>}, {transform_indices = @transform_2, window_bounds = array<i64: 6400, 128>}, {pipeline_mode = #tpu.pipeline_mode<synchronous>, transform_indices = @transform_3, window_bounds = array<i64: 16, 128>}]} {
    %get3A = arith.constant 0 : index
    %get3A_0 = arith.constant 0 : index
    %get3A_1 = arith.constant 0 : index
    %get3A_2 = vector.load %arg1[%get3A, %get3A_0, %get3A_1] : memref<1x1x6400xf32, #tpu.memory_space<vmem>>, vector<1x1x6400xf32>
    %get3A_3 = vector.shape_cast %get3A_2 : vector<1x1x6400xf32> to vector<1x6400xf32>
    %get3A_4 = arith.constant 0 : index
    %get3A_5 = arith.constant 0 : index
    %get3A_6 = arith.constant 0 : index
    %get3A_7 = vector.load %arg2[%get3A_4, %get3A_5, %get3A_6] : memref<1x1x6400xi32, #tpu.memory_space<vmem>>, vector<1x1x6400xi32>
    %get3A_8 = vector.shape_cast %get3A_7 : vector<1x1x6400xi32> to vector<1x6400xi32>
    %iota3A = tpu.iota {dimensions = array<i32: 0>} : vector<16x6400xi32>
    %eq3A = vector.broadcast %get3A_8 : vector<1x6400xi32> to vector<16x6400xi32>
    %eq3A_9 = arith.cmpi eq, %eq3A, %iota3A : vector<16x6400xi32>
    %jit3A = arith.constant 1.000000e+00 : f32
    %jit3A_10 = arith.constant 0.000000e+00 : f32
    %broadcast_in_dim3A = vector.broadcast %jit3A : f32 to vector<16x6400xf32>
    %broadcast_in_dim3A_11 = vector.broadcast %jit3A_10 : f32 to vector<16x6400xf32>
    %select_n3A = arith.select %eq3A_9, %broadcast_in_dim3A, %broadcast_in_dim3A_11 : vector<16x6400xi1>, vector<16x6400xf32>
    %mul3A = vector.broadcast %get3A_3 : vector<1x6400xf32> to vector<16x6400xf32>
    %mul3A_12 = arith.mulf %select_n3A, %mul3A : vector<16x6400xf32>
    %get3A_13 = arith.constant 0 : index
    %get3A_14 = arith.constant 0 : index
    %get3A_15 = vector.load %arg3[%get3A_13, %get3A_14] : memref<6400x128xf32, #tpu.memory_space<vmem>>, vector<6400x128xf32>
    %dot_general3A = arith.constant dense<0.000000e+00> : vector<16x128xf32>
    %dot_general3A_16 = tpu.matmul %mul3A_12, %get3A_15, %dot_general3A {dimension_numbers = #tpu.dot_dimension_numbers<[1], [0], [0], [1], [0, 0, 1, 1], [], []>, transpose_lhs_hint = false} : vector<16x6400xf32>, vector<6400x128xf32>, vector<16x128xf32> -> vector<16x128xf32>
    %eq3A_17 = arith.constant 0 : i32
    %eq3A_18 = arith.cmpi eq, %arg0, %eq3A_17 : i32
    %convert_element_type3A = arith.extui %eq3A_18 : i1 to i32
    %cond3A = arith.constant 0 : i32
    %cond3A_19 = arith.cmpi ne, %convert_element_type3A, %cond3A : i32
    scf.if %cond3A_19 {
      %swap3A = arith.constant 0 : index
      %swap3A_24 = arith.constant 0 : index
      %swap3A_25 = vector.load %arg4[%swap3A, %swap3A_24] : memref<16x128xf32, #tpu.memory_space<vmem>>, vector<16x128xf32>
      tpu.vector_store %arg4[%swap3A, %swap3A_24], %dot_general3A_16 {strides = array<i32>} : memref<16x128xf32, #tpu.memory_space<vmem>>, vector<16x128xf32>,
    } else {
    }
    %gt3A = arith.constant 0 : i32
    %gt3A_20 = arith.cmpi sgt, %arg0, %gt3A : i32
    %convert_element_type3A_21 = arith.extui %gt3A_20 : i1 to i32
    %cond3A_22 = arith.constant 0 : i32
    %cond3A_23 = arith.cmpi ne, %convert_element_type3A_21, %cond3A_22 : i32
    scf.if %cond3A_23 {
      %get3A_24 = arith.constant 0 : index
      %get3A_25 = arith.constant 0 : index
      %get3A_26 = vector.load %arg4[%get3A_24, %get3A_25] : memref<16x128xf32, #tpu.memory_space<vmem>>, vector<16x128xf32>
      %add3A = arith.addf %get3A_26, %dot_general3A_16 : vector<16x128xf32>
      %swap3A = arith.constant 0 : index
      %swap3A_27 = arith.constant 0 : index
      %swap3A_28 = vector.load %arg4[%swap3A, %swap3A_27] : memref<16x128xf32, #tpu.memory_space<vmem>>, vector<16x128xf32>
      tpu.vector_store %arg4[%swap3A, %swap3A_27], %add3A {strides = array<i32>} : memref<16x128xf32, #tpu.memory_space<vmem>>, vector<16x128xf32>,
    } else {
    }
    return
  }
  func.func @transform_0(%arg0: i32) -> (i32, i32, i32) {
    %c0_i32 = arith.constant 0 : i32
    %c0_i32_0 = arith.constant 0 : i32
    %c0_i32_1 = arith.constant 0 : i32
    return %arg0, %c0_i32, %c0_i32_0 : i32, i32, i32
  }
  func.func @transform_1(%arg0: i32) -> (i32, i32, i32) {
    %c0_i32 = arith.constant 0 : i32
    %c0_i32_0 = arith.constant 0 : i32
    %c0_i32_1 = arith.constant 0 : i32
    return %arg0, %c0_i32, %c0_i32_0 : i32, i32, i32
  }
  func.func @transform_2(%arg0: i32) -> (i32, i32) {
    %c0_i32 = arith.constant 0 : i32
    %c0_i32_0 = arith.constant 0 : i32
    return %arg0, %c0_i32 : i32, i32
  }
  func.func @transform_3(%arg0: i32) -> (i32, i32) {
    %c0_i32 = arith.constant 0 : i32
    %c0_i32_0 = arith.constant 0 : i32
    %c0_i32_1 = arith.constant 0 : i32
    return %c0_i32, %c0_i32_0 : i32, i32
  }
}

module attributes {stable_mosaic.version = 14 : i64} {
  func.func @_final_body(%arg0: memref<16x128xf32, #tpu.memory_space<vmem>>, %arg1: memref<1x10240xf32, #tpu.memory_space<vmem>>, %arg2: memref<1x10240xi32, #tpu.memory_space<vmem>>, %arg3: memref<16x1xf32, #tpu.memory_space<vmem>>, %arg4: memref<128x640xf32, #tpu.memory_space<vmem>>, %arg5: memref<1x640xf32, #tpu.memory_space<vmem>>, %arg6: memref<1x128xf32, #tpu.memory_space<vmem>>, %arg7: memref<640x128xf32, #tpu.memory_space<vmem>>, %arg8: memref<1x128xf32, #tpu.memory_space<vmem>>, %arg9: memref<128x640xf32, #tpu.memory_space<vmem>>, %arg10: memref<1x640xf32, #tpu.memory_space<vmem>>, %arg11: memref<640x64xf32, #tpu.memory_space<vmem>>, %arg12: memref<1x64xf32, #tpu.memory_space<vmem>>, %arg13: memref<64x16xf32, #tpu.memory_space<vmem>>, %arg14: memref<1x16xf32, #tpu.memory_space<vmem>>, %arg15: memref<1x64xf32, #tpu.memory_space<vmem>>, %arg16: memref<1x64xf32, #tpu.memory_space<vmem>>, %arg17: memref<16x16xf32, #tpu.memory_space<vmem>>) attributes {dimension_semantics = [], scalar_prefetch = 0 : i64, scratch_operands = 0 : i64, tpu.core_type = #tpu.core_type<tc>} {
    %get3A = arith.constant 0 : index
    %get3A_0 = arith.constant 0 : index
    %get3A_1 = vector.load %arg1[%get3A, %get3A_0] : memref<1x10240xf32, #tpu.memory_space<vmem>>, vector<1x10240xf32>
    %gt3A = arith.constant 0.000000e+00 : f32
    %gt3A_2 = vector.broadcast %gt3A : f32 to vector<1x10240xf32>
    %gt3A_3 = arith.cmpf ogt, %get3A_1, %gt3A_2 : vector<1x10240xf32>
    %jit3A = arith.constant 1.000000e+00 : f32
    %jit3A_4 = arith.constant 0.000000e+00 : f32
    %broadcast_in_dim3A = vector.broadcast %jit3A : f32 to vector<1x10240xf32>
    %broadcast_in_dim3A_5 = vector.broadcast %jit3A_4 : f32 to vector<1x10240xf32>
    %select_n3A = arith.select %gt3A_3, %broadcast_in_dim3A, %broadcast_in_dim3A_5 : vector<1x10240xi1>, vector<1x10240xf32>
    %iota3A = tpu.iota {dimensions = array<i32: 0>} : vector<16x10240xi32>
    %get3A_6 = arith.constant 0 : index
    %get3A_7 = arith.constant 0 : index
    %get3A_8 = vector.load %arg2[%get3A_6, %get3A_7] : memref<1x10240xi32, #tpu.memory_space<vmem>>, vector<1x10240xi32>
    %eq3A = vector.broadcast %get3A_8 : vector<1x10240xi32> to vector<16x10240xi32>
    %eq3A_9 = arith.cmpi eq, %eq3A, %iota3A : vector<16x10240xi32>
    %jit3A_10 = arith.constant 1.000000e+00 : f32
    %jit3A_11 = arith.constant 0.000000e+00 : f32
    %broadcast_in_dim3A_12 = vector.broadcast %jit3A_10 : f32 to vector<16x10240xf32>
    %broadcast_in_dim3A_13 = vector.broadcast %jit3A_11 : f32 to vector<16x10240xf32>
    %select_n3A_14 = arith.select %eq3A_9, %broadcast_in_dim3A_12, %broadcast_in_dim3A_13 : vector<16x10240xi1>, vector<16x10240xf32>
    %get3A_15 = arith.constant 0 : index
    %get3A_16 = arith.constant 0 : index
    %get3A_17 = vector.load %arg0[%get3A_15, %get3A_16] : memref<16x128xf32, #tpu.memory_space<vmem>>, vector<16x128xf32>
    %mul3A = vector.broadcast %select_n3A : vector<1x10240xf32> to vector<16x10240xf32>
    %mul3A_18 = arith.mulf %select_n3A_14, %mul3A : vector<16x10240xf32>
    %reduce_sum3A = arith.constant dense<0.000000e+00> : vector<16xf32>
    %reduce_sum3A_19 = vector.multi_reduction <add>, %mul3A_18, %reduce_sum3A [1] : vector<16x10240xf32> to vector<16xf32>
    %broadcast_in_dim3A_20 = vector.shape_cast %reduce_sum3A_19 : vector<16xf32> to vector<16x1xf32>
    %reduce_sum3A_21 = arith.constant dense<0.000000e+00> : vector<16xf32>
    %reduce_sum3A_22 = vector.multi_reduction <add>, %select_n3A_14, %reduce_sum3A_21 [1] : vector<16x10240xf32> to vector<16xf32>
    %broadcast_in_dim3A_23 = vector.shape_cast %reduce_sum3A_22 : vector<16xf32> to vector<16x1xf32>
    %get3A_24 = arith.constant 0 : index
    %get3A_25 = arith.constant 0 : index
    %get3A_26 = vector.load %arg4[%get3A_24, %get3A_25] : memref<128x640xf32, #tpu.memory_space<vmem>>, vector<128x640xf32>
    %dot_general3A = arith.constant dense<0.000000e+00> : vector<16x640xf32>
    %dot_general3A_27 = tpu.matmul %get3A_17, %get3A_26, %dot_general3A {dimension_numbers = #tpu.dot_dimension_numbers<[1], [0], [0], [1], [0, 0, 1, 1], [], []>, transpose_lhs_hint = false} : vector<16x128xf32>, vector<128x640xf32>, vector<16x640xf32> -> vector<16x640xf32>
    %get3A_28 = arith.constant 0 : index
    %get3A_29 = arith.constant 0 : index
    %get3A_30 = vector.load %arg5[%get3A_28, %get3A_29] : memref<1x640xf32, #tpu.memory_space<vmem>>, vector<1x640xf32>
    %mul3A_31 = vector.broadcast %broadcast_in_dim3A_20 : vector<16x1xf32> to vector<16x640xf32>
    %mul3A_32 = vector.broadcast %get3A_30 : vector<1x640xf32> to vector<16x640xf32>
    %mul3A_33 = arith.mulf %mul3A_31, %mul3A_32 : vector<16x640xf32>
    %add3A = arith.addf %dot_general3A_27, %mul3A_33 : vector<16x640xf32>
    %max3A = arith.constant 1.000000e+00 : f32
    %max3A_34 = vector.broadcast %max3A : f32 to vector<16x1xf32>
    %max3A_35 = arith.maximumf %broadcast_in_dim3A_23, %max3A_34 : vector<16x1xf32>
    %div3A = vector.broadcast %max3A_35 : vector<16x1xf32> to vector<16x640xf32>
    %div3A_36 = arith.divf %add3A, %div3A : vector<16x640xf32>
    %get3A_37 = arith.constant 0 : index
    %get3A_38 = arith.constant 0 : index
    %get3A_39 = vector.load %arg3[%get3A_37, %get3A_38] : memref<16x1xf32, #tpu.memory_space<vmem>>, vector<16x1xf32>
    %get3A_40 = arith.constant 0 : index
    %get3A_41 = arith.constant 0 : index
    %get3A_42 = vector.load %arg6[%get3A_40, %get3A_41] : memref<1x128xf32, #tpu.memory_space<vmem>>, vector<1x128xf32>
    %dot_general3A_43 = arith.constant dense<0.000000e+00> : vector<16x128xf32>
    %dot_general3A_44 = tpu.matmul %get3A_39, %get3A_42, %dot_general3A_43 {dimension_numbers = #tpu.dot_dimension_numbers<[1], [0], [0], [1], [0, 0, 1, 1], [], []>, transpose_lhs_hint = false} : vector<16x1xf32>, vector<1x128xf32>, vector<16x128xf32> -> vector<16x128xf32>
    %get3A_45 = arith.constant 0 : index
    %get3A_46 = arith.constant 0 : index
    %get3A_47 = vector.load %arg7[%get3A_45, %get3A_46] : memref<640x128xf32, #tpu.memory_space<vmem>>, vector<640x128xf32>
    %dot_general3A_48 = arith.constant dense<0.000000e+00> : vector<16x128xf32>
    %dot_general3A_49 = tpu.matmul %div3A_36, %get3A_47, %dot_general3A_48 {dimension_numbers = #tpu.dot_dimension_numbers<[1], [0], [0], [1], [0, 0, 1, 1], [], []>, transpose_lhs_hint = false} : vector<16x640xf32>, vector<640x128xf32>, vector<16x128xf32> -> vector<16x128xf32>
    %add3A_50 = arith.addf %dot_general3A_44, %dot_general3A_49 : vector<16x128xf32>
    %get3A_51 = arith.constant 0 : index
    %get3A_52 = arith.constant 0 : index
    %get3A_53 = vector.load %arg8[%get3A_51, %get3A_52] : memref<1x128xf32, #tpu.memory_space<vmem>>, vector<1x128xf32>
    %add3A_54 = vector.broadcast %get3A_53 : vector<1x128xf32> to vector<16x128xf32>
    %add3A_55 = arith.addf %add3A_50, %add3A_54 : vector<16x128xf32>
    %max3A_56 = arith.constant 0.000000e+00 : f32
    %max3A_57 = vector.broadcast %max3A_56 : f32 to vector<16x128xf32>
    %max3A_58 = arith.maximumf %add3A_55, %max3A_57 : vector<16x128xf32>
    %get3A_59 = arith.constant 0 : index
    %get3A_60 = arith.constant 0 : index
    %get3A_61 = vector.load %arg9[%get3A_59, %get3A_60] : memref<128x640xf32, #tpu.memory_space<vmem>>, vector<128x640xf32>
    %dot_general3A_62 = arith.constant dense<0.000000e+00> : vector<16x640xf32>
    %dot_general3A_63 = tpu.matmul %max3A_58, %get3A_61, %dot_general3A_62 {dimension_numbers = #tpu.dot_dimension_numbers<[1], [0], [0], [1], [0, 0, 1, 1], [], []>, transpose_lhs_hint = false} : vector<16x128xf32>, vector<128x640xf32>, vector<16x640xf32> -> vector<16x640xf32>
    %get3A_64 = arith.constant 0 : index
    %get3A_65 = arith.constant 0 : index
    %get3A_66 = vector.load %arg10[%get3A_64, %get3A_65] : memref<1x640xf32, #tpu.memory_space<vmem>>, vector<1x640xf32>
    %add3A_67 = vector.broadcast %get3A_66 : vector<1x640xf32> to vector<16x640xf32>
    %add3A_68 = arith.addf %dot_general3A_63, %add3A_67 : vector<16x640xf32>
    %get3A_69 = arith.constant 0 : index
    %get3A_70 = arith.constant 0 : index
    %get3A_71 = vector.load %arg11[%get3A_69, %get3A_70] : memref<640x64xf32, #tpu.memory_space<vmem>>, vector<640x64xf32>
    %dot_general3A_72 = arith.constant dense<0.000000e+00> : vector<16x64xf32>
    %dot_general3A_73 = tpu.matmul %add3A_68, %get3A_71, %dot_general3A_72 {dimension_numbers = #tpu.dot_dimension_numbers<[1], [0], [0], [1], [0, 0, 1, 1], [], []>, transpose_lhs_hint = false} : vector<16x640xf32>, vector<640x64xf32>, vector<16x64xf32> -> vector<16x64xf32>
    %get3A_74 = arith.constant 0 : index
    %get3A_75 = arith.constant 0 : index
    %get3A_76 = vector.load %arg12[%get3A_74, %get3A_75] : memref<1x64xf32, #tpu.memory_space<vmem>>, vector<1x64xf32>
    %add3A_77 = vector.broadcast %get3A_76 : vector<1x64xf32> to vector<16x64xf32>
    %add3A_78 = arith.addf %dot_general3A_73, %add3A_77 : vector<16x64xf32>
    %sqrt3A = arith.constant 1.000010e+00 : f32
    %sqrt3A_79 = math.sqrt %sqrt3A : f32
    %div3A_80 = arith.constant 1.000000e+00 : f32
    %div3A_81 = arith.divf %div3A_80, %sqrt3A_79 : f32
    %mul3A_82 = vector.broadcast %div3A_81 : f32 to vector<16x64xf32>
    %mul3A_83 = arith.mulf %add3A_78, %mul3A_82 : vector<16x64xf32>
    %get3A_84 = arith.constant 0 : index
    %get3A_85 = arith.constant 0 : index
    %get3A_86 = vector.load %arg15[%get3A_84, %get3A_85] : memref<1x64xf32, #tpu.memory_space<vmem>>, vector<1x64xf32>
    %mul3A_87 = vector.broadcast %get3A_86 : vector<1x64xf32> to vector<16x64xf32>
    %mul3A_88 = arith.mulf %mul3A_83, %mul3A_87 : vector<16x64xf32>
    %get3A_89 = arith.constant 0 : index
    %get3A_90 = arith.constant 0 : index
    %get3A_91 = vector.load %arg16[%get3A_89, %get3A_90] : memref<1x64xf32, #tpu.memory_space<vmem>>, vector<1x64xf32>
    %add3A_92 = vector.broadcast %get3A_91 : vector<1x64xf32> to vector<16x64xf32>
    %add3A_93 = arith.addf %mul3A_88, %add3A_92 : vector<16x64xf32>
    %max3A_94 = arith.constant 0.000000e+00 : f32
    %max3A_95 = vector.broadcast %max3A_94 : f32 to vector<16x64xf32>
    %max3A_96 = arith.maximumf %add3A_93, %max3A_95 : vector<16x64xf32>
    %get3A_97 = arith.constant 0 : index
    %get3A_98 = arith.constant 0 : index
    %get3A_99 = vector.load %arg13[%get3A_97, %get3A_98] : memref<64x16xf32, #tpu.memory_space<vmem>>, vector<64x16xf32>
    %dot_general3A_100 = arith.constant dense<0.000000e+00> : vector<16x16xf32>
    %dot_general3A_101 = tpu.matmul %max3A_96, %get3A_99, %dot_general3A_100 {dimension_numbers = #tpu.dot_dimension_numbers<[1], [0], [0], [1], [0, 0, 1, 1], [], []>, transpose_lhs_hint = false} : vector<16x64xf32>, vector<64x16xf32>, vector<16x16xf32> -> vector<16x16xf32>
    %get3A_102 = arith.constant 0 : index
    %get3A_103 = arith.constant 0 : index
    %get3A_104 = vector.load %arg14[%get3A_102, %get3A_103] : memref<1x16xf32, #tpu.memory_space<vmem>>, vector<1x16xf32>
    %add3A_105 = vector.broadcast %get3A_104 : vector<1x16xf32> to vector<16x16xf32>
    %add3A_106 = arith.addf %dot_general3A_101, %add3A_105 : vector<16x16xf32>
    %reduce_max3A = arith.constant dense<0xFF800000> : vector<16xf32>
    %reduce_max3A_107 = vector.multi_reduction <maximumf>, %add3A_106, %reduce_max3A [1] : vector<16x16xf32> to vector<16xf32>
    %broadcast_in_dim3A_108 = vector.shape_cast %reduce_max3A_107 : vector<16xf32> to vector<16x1xf32>
    %sub3A = vector.broadcast %broadcast_in_dim3A_108 : vector<16x1xf32> to vector<16x16xf32>
    %sub3A_109 = arith.subf %add3A_106, %sub3A : vector<16x16xf32>
    %exp3A = math.exp %sub3A_109 : vector<16x16xf32>
    %sub3A_110 = vector.broadcast %broadcast_in_dim3A_108 : vector<16x1xf32> to vector<16x16xf32>
    %sub3A_111 = arith.subf %add3A_106, %sub3A_110 : vector<16x16xf32>
    %reduce_sum3A_112 = arith.constant dense<0.000000e+00> : vector<16xf32>
    %reduce_sum3A_113 = vector.multi_reduction <add>, %exp3A, %reduce_sum3A_112 [1] : vector<16x16xf32> to vector<16xf32>
    %broadcast_in_dim3A_114 = vector.shape_cast %reduce_sum3A_113 : vector<16xf32> to vector<16x1xf32>
    %log3A = math.log %broadcast_in_dim3A_114 : vector<16x1xf32>
    %sub3A_115 = vector.broadcast %log3A : vector<16x1xf32> to vector<16x16xf32>
    %sub3A_116 = arith.subf %sub3A_111, %sub3A_115 : vector<16x16xf32>
    %swap3A = arith.constant 0 : index
    %swap3A_117 = arith.constant 0 : index
    %swap3A_118 = vector.load %arg17[%swap3A, %swap3A_117] : memref<16x16xf32, #tpu.memory_space<vmem>>, vector<16x16xf32>
    tpu.vector_store %arg17[%swap3A, %swap3A_117], %sub3A_116 {strides = array<i32>} : memref<16x16xf32, #tpu.memory_space<vmem>>, vector<16x16xf32>,
    return
  }
}

</mosaic_0001>

<sc_bundles>
// kernel: kernel.10.cloned.1.call-start
scs
__scs_entry_jumppad:
0x0: {  	(pc) =	sbr.rel $0x88, $3  }
0x1: {  	(tag) =	ssettag $0x0;
	lr =	simm.s32 $0x1  }
0x2: {  	[smem:$0x3F8A] =	sst lr;
	_ =	strace $0xD0000000  }
0x3: {  	_ = 	snop  }
0x4: {  	_ = 	snop  }
0x5: {  	_ = 	snop  }
0x6: {  	_ = 	snop  }
0x7: {  	_ = 	snop  }
__scs_overlays_trampoline_lowered:
0x8: {  	[smem:$0x3F99] =	sst s0  }
0x9: {  	[smem:$0x3F9A] =	sst s1  }
0xa: {  	[smem:$0x3F9B] =	sst s2  }
0xb: {  	[smem:$0x3F9C] =	sst s3  }
0xc: {  	[smem:$0x3F9D] =	sst s4  }
0xd: {  	[smem:$0x3F9E] =	sst s5  }
0xe: {  	[smem:$0x3F9F] =	sst s6  }
0xf: {  	[smem:$0x3FA0] =	sst s7  }
0x10: {  	[smem:$0x3FA1] =	sst s8  }
0x11: {  	[smem:$0x3FA2] =	sst s9;
	s0 =	simm.s32 @!p0 $0x0  }
0x12: {  	s1 =	sld [smem:$0x3F88];
	s0 =	simm.s32 @p0 $0x1  }
0x13: {  	[smem:$0x3FA3] =	sst s0;
	s0 =	simm.s32 @!p1 $0x0  }
0x14: {  	s2 =	sld [smem:$0x3F87];
	s0 =	simm.s32 @p1 $0x1  }
0x15: {  	[smem:$0x3FA4] =	sst s0;
	s0 =	simm.s32 @!p2 $0x0  }
0x16: {  	s3 =	sld [smem:$0x3FDB];
	s0 =	simm.s32 @p2 $0x1  }
0x17: {  	s4 =	simm.s32 $0x1BF5;
	[smem:$0x3FA6] =	sst s0  }
0x18: {  	s0 =	sld [smem:$0x3F89];
	_ =	swait.ge [sflag:s4], $0x0  }
0x19: {  	s7 =	sld [smem:$0x3F8A]  }
0x1a: {  	s8 =	sadd.s32 $0xFFFFE003, lr  }
0x1b: {  	s9 =	sadd.s32 $0xFFFFFEF7, lr;
	s5 =	simm.s32 $0xFFFFFFFF;
	p2 =	slt.u32 s8, $0xFFFFF086  }
0x1c: {  	p1 =	slt.u32 s9, $0xF7A;
	s5 =	simm.s32 @!p2 $0x0  }
0x1d: {  	s5 =	simm.s32 @p1 $0x1;
	p0 =	seq.s32 s7, s2  }
0x1e: {  	s7 =	smul.u32 @!p0 $0xF7A, s2;
	p2 =	seq.s32 @!p0 s5, $0x0  }
0x1f: {  	s9 =	smul.u32 $0xF7A, s1;
	s8 =	simm.s32 @!p0 $0x1BF5;
	p2 =	por !p2, p0  }
0x20: {  	[sflag:s8] =	ssyncset.s32 @!p0 $0xFFFFF086;
	s6 =	sadd.s32 @!p0 s3, s7;
	s7 =	simm.s32 @!p0 $0x108  }
0x21: {  	s3 =	sadd.s32 s3, s9;
	s6 =	sadd.s32 @!p0 $0x88, s6;
	s7 =	simm.s32 @p2 $0x1082  }
0x22: {  	[simem:s7], [sflag:s8] =	dma.local @!p0 [hbm:s6], $0xF7A  }
0x23: {  	s9 =	sor.u32 $0xD0000000, s2;
	s6 =	simm.s32 $0x108;
	_ =	swait.ge @!p0 [sflag:s8], $0x0  }
0x24: {  	s3 =	sadd.s32 $0x88, s3;
	s6 =	simm.s32 @!p1 $0x1082;
	[sflag:s4] =	ssyncset.s32 $0xFFFFF086  }
0x25: {  	[simem:s6], [sflag:s4] =	dma.local [hbm:s3], $0xF7A  }
0x26: {  	[smem:$0x3F8A] =	sst s1;
	(tag) =	ssettag s2;
	_ =	strace s9  }
0x27: {  	s1 =	sld [smem:$0x3F9A]  }
0x28: {  	s2 =	sld [smem:$0x3F9B]  }
0x29: {  	s4 =	sld [smem:$0x3F9D]  }
0x2a: {  	p0 =	seq.s32 s5, $0x0;
	s5 =	sld [smem:$0x3F9E]  }
0x2b: {  	s6 =	sld [smem:$0x3F9F]  }
0x2c: {  	s7 =	sld [smem:$0x3FA0]  }
0x2d: {  	s3 =	simm.s32 $0x108;
	s8 =	sld [smem:$0x3FA1]  }
0x2e: {  	s3 =	simm.s32 @!p0 $0x1082;
	s9 =	sld [smem:$0x3FA2]  }
0x2f: {  	lr =	sadd.s32 s0, s3;
	s0 =	sld [smem:$0x3F99]  }
0x30: {  	s3 =	sld [smem:$0x3F9C]  }
0x31: {  	[smem:$0x3FA5] =	sst s10  }
0x32: {  	s10 =	sld [smem:$0x3FA3];
	_ =	sdelay $0x3  }
0x33: {  	p0 =	seq.s32 s10, $0x1;
	s10 =	sld [smem:$0x3FA5];
	_ =	sdelay $0x3  }
0x34: {  	[smem:$0x3FA5] =	sst s10  }
0x35: {  	s10 =	sld [smem:$0x3FA4];
	_ =	sdelay $0x3  }
0x36: {  	p1 =	seq.s32 s10, $0x1;
	s10 =	sld [smem:$0x3FA5];
	_ =	sdelay $0x3  }
0x37: {  	[smem:$0x3FA5] =	sst s10  }
0x38: {  	s10 =	sld [smem:$0x3FA6]  }
0x39: {  	_ = 	snop;
	(pc) =	sbr.ind lr, $3  }
0x3a: {  	_ = 	snop  }
0x3b: {  	_ = 	snop  }
0x3c: {  	p2 =	seq.s32 s10, $0x1;
	s10 =	sld [smem:$0x3FA5]  }
0x3d: {  	_ =	shalt  }
0x3e: {  	_ =	shalt  }
0x3f: {  	_ =	shalt  }
0x40: {  	_ =	shalt  }
0x41: {  	_ =	shalt  }
0x42: {  	_ =	shalt  }
0x43: {  	_ =	shalt  }
0x44: {  	_ =	shalt  }
0x45: {  	_ =	shalt  }
0x46: {  	_ =	shalt  }
0x47: {  	_ =	shalt  }
0x48: {  	_ =	shalt  }
0x49: {  	_ =	shalt  }
0x4a: {  	_ =	shalt  }
0x4b: {  	_ =	shalt  }
0x4c: {  	_ =	shalt  }
0x4d: {  	_ =	shalt  }
0x4e: {  	_ =	shalt  }
0x4f: {  	_ =	shalt  }
0x50: {  	_ =	shalt  }
0x51: {  	_ =	shalt  }
0x52: {  	_ =	shalt  }
0x53: {  	_ =	shalt  }
0x54: {  	_ =	shalt  }
0x55: {  	_ =	shalt  }
0x56: {  	_ =	shalt  }
0x57: {  	_ =	shalt  }
0x58: {  	_ =	shalt  }
0x59: {  	_ =	shalt  }
0x5a: {  	_ =	shalt  }
0x5b: {  	_ =	shalt  }
0x5c: {  	_ =	shalt  }
0x5d: {  	_ =	shalt  }
0x5e: {  	_ =	shalt  }
0x5f: {  	_ =	shalt  }
0x60: {  	_ =	shalt  }
0x61: {  	_ =	shalt  }
0x62: {  	_ =	shalt  }
0x63: {  	_ =	shalt  }
0x64: {  	_ =	shalt  }
0x65: {  	_ =	shalt  }
0x66: {  	_ =	shalt  }
0x67: {  	_ =	shalt  }
0x68: {  	_ =	shalt  }
0x69: {  	_ =	shalt  }
0x6a: {  	_ =	shalt  }
0x6b: {  	_ =	shalt  }
0x6c: {  	_ =	shalt  }
0x6d: {  	_ =	shalt  }
0x6e: {  	_ =	shalt  }
0x6f: {  	_ =	shalt  }
0x70: {  	_ =	shalt  }
0x71: {  	_ =	shalt  }
0x72: {  	_ =	shalt  }
0x73: {  	_ =	shalt  }
0x74: {  	_ =	shalt  }
0x75: {  	_ =	shalt  }
0x76: {  	_ =	shalt  }
0x77: {  	_ =	shalt  }
0x78: {  	_ =	shalt  }
0x79: {  	_ =	shalt  }
0x7a: {  	_ =	shalt  }
0x7b: {  	_ =	shalt  }
0x7c: {  	_ =	shalt  }
0x7d: {  	_ =	shalt  }
0x7e: {  	_ =	shalt  }
0x7f: {  	_ =	shalt  }
0x80: {  	_ =	shalt  }
0x81: {  	_ =	shalt  }
0x82: {  	_ =	shalt  }
0x83: {  	_ =	shalt  }
0x84: {  	_ =	shalt  }
0x85: {  	_ =	shalt  }
0x86: {  	_ =	shalt  }
0x87: {  	_ =	shalt  }
.Lfunc_end0:
.L_simem_size_0:
called_computation_lowered:
.L_overlay_start_0:
0x88: {  	s2 =	sld [smem:$0x3FD9]  }
0x89: {  	s3 =	sld [smem:$0x3FFE];
	_ =	sdelay $0x1  }
0x8a: {  	s1 =	srdreg.scid  }
0x8b: {  	s0 =	sand.u32 $0x1, s1  }
0x8c: {  	s17 =	sshll.u32 s0, $0xA;
	s2 =	sadd.s32 s3, s2  }
0x8d: {  	s2 =	sadd.s32 s2, s17  }
0x8e: {  	[smem:$0x3FB1] =	sst s2  }
0x8f: {  	_ = 	snop  }
0x90: {  	(tm) =	ssettm $0x1  }
0x91: {  	s18 =	sld [smem:$0x3FFB];
	_ =	sdelay $0x3  }
0x92: {  	_ =	strace s18  }
0x93: {  	s2 =	sld [smem:$0x3FFC];
	_ =	sdelay $0x3  }
0x94: {  	_ =	strace s2  }
0x95: {  	s2 =	sld [smem:$0x3FFD];
	_ =	sdelay $0x3  }
0x96: {  	_ =	strace s2  }
0x97: {  	_ =	strace $0x8FFFFFFF  }
0x98: {  	s19 =	sld [smem:$0x3FDB];
	_ =	sdelay $0x1  }
0x99: {  	s20 =	simm.s32 $_scs_section_size  }
0x9a: {  	s4 =	simm.s32 $_size__tile_overlayer_lowered;
	s5 =	simm.s32 $_tile_overlayer_lowered  }
0x9b: {  	s6 =	simm.s32 $0x1BFF;
	s21 =	sshll.u32 s5, $0x1;
	s3 =	sadd.s32 s20, s19  }
0x9c: {  	s22 =	simm.s32 $0x0;
	s4 =	sshll.u32 s4, $0x1;
	s5 =	sadd.s32 s21, s3  }
0x9d: {  	[timem:s22], [sflag:s6] =	dma.local [hbm:s5], s4  }
0x9e: {  	_ =	swait.ge [sflag:s6], s4  }
0x9f: {  	s4 =	ssub.s32 $0x0, s4;
	[sflag:s6] =	ssyncset.done $0x0  }
0xa0: {  	[sflag:s6] =	ssyncadd.s32 s4;
	_ =	sdelay $0x1  }
0xa1: {  	s23 =	simm.s32 $0x1B8B  }
0xa2: {  	_ =	swait.ge [sflag:s23], $0x1  }
0xa3: {  	[sflag:s23] =	ssyncset.done $0x0  }
0xa4: {  	[sflag:s23] =	ssyncadd.s32 $0xFFFFFFFF  }
0xa5: {  	s4 =	sld [smem:$0x0]  }
0xa6: {  	s5 =	sand.u32 $0xFFFFFFFE, s1  }
0xa7: {  	p0 =	sne.s32 s1, s5  }
0xa8: {  	s5 =	sshll.u32 @p0 s5, $0xE  }
0xa9: {  	s5 =	sadd.s32 @p0 $0x11B8D, s5;
	s6 =	sshll.u32 @p0 s4, $0x11  }
0xaa: {  	s5 =	sor.u32 @p0 s6, s5  }
0xab: {  	[sflag:s5] =	ssyncadd.remote.s32 @p0 $0x1;
	_ =	sdelay $0x1  }
0xac: {  	s5 =	simm.s32 @p0 $0x1B8D  }
0xad: {  	_ =	swait.eq @p0 [sflag:s5], $0x1  }
0xae: {  	[sflag:s5] =	ssyncadd.s32 @p0 $0xFFFFFFFF  }
0xaf: {  	s6 =	sshll.u32 @!p0 s1, $0xE  }
0xb0: {  	s6 =	sor.u32 @!p0 $0x4000, s6;
	s5 =	simm.s32 @!p0 $0x1B8D  }
0xb1: {  	s4 =	sshll.u32 @!p0 s4, $0x11;
	s6 =	sadd.s32 @!p0 $0x11B8D, s6;
	_ =	swait.eq @!p0 [sflag:s5], $0x1  }
0xb2: {  	s4 =	sor.u32 @!p0 s4, s6;
	[sflag:s5] =	ssyncadd.s32 @!p0 $0xFFFFFFFF  }
0xb3: {  	s25 =	simm.s32 $0x1B8E;
	s24 =	sld [smem:$0x3FFE];
	[sflag:s4] =	ssyncadd.remote.s32 @!p0 $0x1  }
0xb4: {  	s26 =	simm.s32 $execute0_lowered;
	[smem:$0x3FD2] =	sst s25  }
0xb5: {  	s5 =	sshll.u32 s26, $0x1;
	_ =	strace $0x80000049;
	[dreg:$0x1] =	wrdreg $0xFFFFFFFF  }
0xb6: {  	s28 =	simm.s32 $_size_execute0_lowered;
	s3 =	sadd.s32 s3, s5;
	[dreg:$0x0] =	wrdreg $0x0  }
0xb7: {  	s5 =	sshll.u32 s28, $0x1;
	[dreg:$0x2] =	wrdreg s3  }
0xb8: {  	[dreg:$0x3] =	wrdreg s5  }
0xb9: {  	[dreg:$0x4] =	wrdreg $0xC0  }
0xba: {  	_ =	task [dreg:s22], $0x5FFFF  }
0xbb: {  	[dreg:$0x1] =	wrdreg $0xFFFFFFFF  }
0xbc: {  	[dreg:$0x0] =	wrdreg $0x60  }
0xbd: {  	[dreg:$0x2] =	wrdreg s24  }
0xbe: {  	[dreg:$0x3] =	wrdreg $0x9  }
0xbf: {  	_ =	task.clear_ibuf [dreg:s22], $0x4FFFF;
	_ =	strace $0x90000049  }
0xc0: {  	s29 =	simm.s32 $0x9;
	_ =	strace $0x8000004B  }
0xc1: {  	_ =	swait.ge [sflag:s29], $0x1  }
0xc2: {  	[sflag:s29] =	ssyncadd.s32 $0xFFFFFFFF  }
0xc3: {  	_ =	strace $0x9000004B  }
0xc4: {  	_ =	sfence  }
0xc5: {  	s30 =	sld [smem:$0x0];
	_ =	sdelay $0x2  }
0xc6: {  	s31 =	sshll.u32 s1, $0xD;
	s1 =	sshrl.u32 s1, $0x2  }
0xc7: {  	s4 =	sand.u32 $0x4000, s31;
	s1 =	sadd.s32 s1, s30  }
0xc8: {  	s0 =	sor.u32 s4, s0;
	s1 =	sshll.u32 s1, $0x11  }
0xc9: {  	s0 =	sor.u32 s1, s0  }
0xca: {  	s0 =	sadd.s32 $0x8F2B, s0  }
0xcb: {  	[sflag:s0] =	ssyncadd.remote.s32 $0x1  }
0xcc: {  	_ =	sfence.sel $0xFFFF  }
0xcd: {  	[dreg:$0x0] =	wrdreg $0xFFFFFFFF;
	(pc) =	sbr.abs _section_cstart, $3  }
0xce: {  	[dreg:$0x1] =	wrdreg $0xFFFFFFFF  }
0xcf: {  	_ =	task.clear_ibuf [dreg:s22], $0x2FFFF;
	_ =	strace $0x9FFFFFFF  }
0xd0: {  	(tm) =	ssettm $0x7FFFFFFF  }
0xd1: {  	_ =	shalt  }
tec
execute0_lowered:
.L_overlay_start_1:
0x0: {  	(tag) =	ssettag $0x1  }
0x1: {  	s0 =	rddreg [dreg:$0x0];
	s2 =	simm.s32 $0x0;
	s1 =	srdreg.scid  }
0x2: {  	s11 =	stileid.u32;
	s13 =	simm.s32 $0x2;
	s15 =	simm.s32 $0x80  }
0x3: {  	s17 =	simm.s32 $0xCF00;
	s28 =	simm.s32 $0x11F00;
	s29 =	simm.s32 $0x12700  }
0x4: {  	s30 =	simm.s32 $0x12F00;
	s31 =	simm.s32 $0x13700;
	[smem:$0x7FF] =	sst s2  }
0x5: {  	s1 =	sand.u32 $0x1, s1;
	s5 =	sshll.u32 s11, $0x1;
	s3 =	sadd.s32 $0x7C600, s0  }
0x6: {  	s4 =	sadd.s32 $0x2E400, s0;
	s8 =	sadd.s32 $0xF800, s0;
	s9 =	sadd.s32 $0x5A00, s0  }
0x7: {  	p0 =	slt.u32 s11, $0x2;
	s5 =	sor.u32 s1, s5;
	s1 =	ssub.s32 $0x2, s1  }
0x8: {  	_ =	strace $0x8000004A;
	s6 =	smul.u32 $0x4E, s5;
	s7 =	sshrl.u32 s1, $0x1  }
0x9: {  	s10 =	smin.u32 s5, $0x4;
	s21 =	ssub.s32 s1, s7;
	s7 =	simm.s32 $0x4F  }
0xa: {  	s5 =	sadd.s32 $0xA4200, s0;
	s6 =	sadd.s32 s10, s6;
	s7 =	simm.s32 @!p0 $0x4E  }
0xb: {  	s0 =	smax.u32 s21, $0x1;
	p0 =	sgt.u32 s11, $0x1;
	s10 =	simm.s32 $0x3  }
0xc: {  	s11 =	simm.s32 $0x0;
	s22 =	sshll.u32 s6, $0x4;
	[dreg:$0x6] =	wrdreg s0  }
.Ltmp0:
0xd: {  	s0 =	simm.s32 $0x13F00;
	s23 =	sadd.s32 s8, s22;
	(pc) =	sbr.rel .LBB2_1-.Ltmp0, $4  }
0xe: {  	s24 =	sadd.s32 $0x4E0, s22;
	s1 =	sadd.s32 s9, s22;
	[dreg:$0x2] =	wrdreg s23  }
0xf: {  	v2 =	vlaneseq.u32;
	[dreg:$0x3] =	wrdreg s1;
	s25 =	sadd.s32 s8, s24;
	s26 =	sadd.s32 s9, s24  }
0x10: {  	vm0 =	vmmov $0xffff;
	v1 =	vshrl.u32 v2, $0x3;
	s1 =	simm.s32 $0x14700;
	s8 =	simm.s32 $0x14F00;
	[dreg:$0x4] =	wrdreg s25  }
0x11: {  	v0 =	vand.u32 $0x7, v2;
	v2 =	vor.u32 $0x8, v2;
	v1 =	vmul.u32 $0x8, v1;
	s9 =	simm.s32 $0x1;
	[dreg:$0x5] =	wrdreg s26;
	s26 =	simm.s32 $0x11700  }
.LBB2_15:
0x12: {  	s11 =	sadd.s32 $0x1, s11;
	s12 =	rddreg [dreg:$0x6]  }
0x13: {  	p1 =	sne.s32 s11, s12  }
.Ltmp1:
0x14: {  	_ = 	snop;
	(pc) =	sbr.rel @!p1 .LBB2_16-.Ltmp1, $1  }
0x15: {  	_ =	sdelay $0x3  }
.LBB2_1:
0x16: {  	s12 =	rddreg [dreg:$0x2]  }
0x17: {  	[tilespmem:s2], [sflag:$0x2] =	stream.linear.gather [hbm4b:s12+s2], $0x2700, $0x38;
	[tilespmem:$0x1CF00] =	vst v63  }
0x18: {  	_ =	swait.ge [sflag:s13], $0x2700  }
0x19: {  	[sflag:s13] =	ssyncset.done $0x0  }
0x1a: {  	s14 =	simm.s32 $0x2780;
	s25 =	rddreg [dreg:$0x3];
	[sflag:s13] =	ssyncadd.s32 $0xFFFFD900  }
0x1b: {  	[tilespmem:s14], [sflag:$0x2] =	stream.linear.gather [hbm4b:s25+s2], $0x2700, $0x38;
	[tilespmem:$0x1CF00] =	vst v63  }
0x1c: {  	_ =	swait.ge [sflag:s13], $0x2700  }
0x1d: {  	s12 =	simm.s32 @!p0 $0x0;
	[sflag:s13] =	ssyncset.done $0x0  }
0x1e: {  	s14 =	simm.s32 @!p0 $0x2700;
	s16 =	rddreg [dreg:$0x4];
	[sflag:s13] =	ssyncadd.s32 $0xFFFFD900  }
0x1f: {  	[tilespmem:s14], [sflag:$0x2] =	stream.linear.gather @!p0 [hbm4b:s16+s12], $0x80, $0x38;
	[tilespmem:$0x1CF00] =	vst v63  }
0x20: {  	s14 =	simm.s32 @!p0 $0x2  }
0x21: {  	_ =	swait.ge @!p0 [sflag:s14], $0x80  }
0x22: {  	[sflag:s14] =	ssyncset.done @!p0 $0x0  }
0x23: {  	s16 =	simm.s32 @!p0 $0x4E80;
	s18 =	rddreg [dreg:$0x5];
	[sflag:s14] =	ssyncadd.s32 @!p0 $0xFFFFFF80  }
0x24: {  	[tilespmem:s16], [sflag:$0x2] =	stream.linear.gather @!p0 [hbm4b:s18+s12], $0x80, $0x38;
	[tilespmem:$0x1CF00] =	vst v63  }
0x25: {  	_ =	swait.ge @!p0 [sflag:s14], $0x80  }
0x26: {  	[sflag:s14] =	ssyncset.done @!p0 $0x0  }
0x27: {  	s16 =	simm.s32 $0x4F00;
	[sflag:s14] =	ssyncadd.s32 @!p0 $0xFFFFFF80  }
0x28: {  	[tilespmem:s16], [sflag:$0x1] =	stream.indirect.gather [hbm4b:s3+s15], $0x80, s2, s15, $0xb8;
	[tilespmem:$0x1CF00] =	vst v63  }
0x29: {  	v3 =	vld [tilespmem:$0x2780];
	_ =	sdelay $0x4  }
0x2a: {  	v4 =	vshll.u32 v3, $0x1  }
0x2b: {  	v3 =	vand.u32 $0x7, v3;
	v4 =	vand.u32 $0xFFFFFFF0, v4  }
0x2c: {  	v3 =	vor.u32 v3, v4  }
0x2d: {  	v4 =	vperm.xlane v3, v0;
	_ =	sdelay $0x1  }
0x2e: {  	v3 =	vperm.xlane v3, v2;
	v4 =	vadd.s32 v1, v4;
	_ =	sdelay $0x1  }
0x2f: {  	v3 =	vadd.s32 v1, v3;
	_ =	sdelay $0x2  }
0x30: {  	[tilespmem:s17], [sflag:$0x1] =	stream.indirect_vreg.gather [hbm4b:s4+s2], $0x80, v4, vm0, $0xb8;
	[tilespmem:$0x1CF00] =	vst v63  }
0x31: {  	s18 =	simm.s32 $0xD700  }
0x32: {  	[tilespmem:s18], [sflag:$0x1] =	stream.indirect_vreg.gather [hbm4b:s4+s2], $0x80, v3, vm0, $0xb8;
	[tilespmem:$0x1CF00] =	vst v63  }
0x33: {  	v3 =	vld [tilespmem:$0x2790];
	_ =	sdelay $0x4  }
0x34: {  	v57 =	vshll.u32 v3, $0x1  }
0x35: {  	v3 =	vand.u32 $0x7, v3;
	v4 =	vand.u32 $0xFFFFFFF0, v57  }
0x36: {  	v3 =	vor.u32 v3, v4  }
0x37: {  	v4 =	vperm.xlane v3, v0;
	_ =	sdelay $0x1  }
0x38: {  	v3 =	vperm.xlane v3, v2;
	v4 =	vadd.s32 v1, v4;
	_ =	sdelay $0x1  }
0x39: {  	v3 =	vadd.s32 v1, v3;
	_ =	sdelay $0x1  }
0x3a: {  	s19 =	simm.s32 $0xDF00  }
0x3b: {  	[tilespmem:s19], [sflag:$0x1] =	stream.indirect_vreg.gather [hbm4b:s4+s2], $0x80, v4, vm0, $0xb8;
	[tilespmem:$0x1CF00] =	vst v63  }
0x3c: {  	s20 =	simm.s32 $0xE700  }
0x3d: {  	[tilespmem:s20], [sflag:$0x1] =	stream.indirect_vreg.gather [hbm4b:s4+s2], $0x80, v3, vm0, $0xb8;
	[tilespmem:$0x1CF00] =	vst v63  }
0x3e: {  	v3 =	vld [tilespmem:$0x27A0];
	_ =	sdelay $0x4  }
0x3f: {  	v58 =	vshll.u32 v3, $0x1  }
0x40: {  	v3 =	vand.u32 $0x7, v3;
	v4 =	vand.u32 $0xFFFFFFF0, v58  }
0x41: {  	v3 =	vor.u32 v3, v4  }
0x42: {  	v4 =	vperm.xlane v3, v0;
	_ =	sdelay $0x1  }
0x43: {  	v3 =	vperm.xlane v3, v2;
	v4 =	vadd.s32 v1, v4;
	_ =	sdelay $0x1  }
0x44: {  	v3 =	vadd.s32 v1, v3;
	_ =	sdelay $0x1  }
0x45: {  	s21 =	simm.s32 $0xEF00  }
0x46: {  	[tilespmem:s21], [sflag:$0x1] =	stream.indirect_vreg.gather [hbm4b:s4+s2], $0x80, v4, vm0, $0xb8;
	[tilespmem:$0x1CF00] =	vst v63  }
0x47: {  	s22 =	simm.s32 $0xF700  }
0x48: {  	[tilespmem:s22], [sflag:$0x1] =	stream.indirect_vreg.gather [hbm4b:s4+s2], $0x80, v3, vm0, $0xb8;
	[tilespmem:$0x1CF00] =	vst v63  }
0x49: {  	v3 =	vld [tilespmem:$0x27B0];
	_ =	sdelay $0x4  }
0x4a: {  	v59 =	vshll.u32 v3, $0x1  }
0x4b: {  	v3 =	vand.u32 $0x7, v3;
	v4 =	vand.u32 $0xFFFFFFF0, v59  }
0x4c: {  	v3 =	vor.u32 v3, v4  }
0x4d: {  	v4 =	vperm.xlane v3, v0;
	_ =	sdelay $0x1  }
0x4e: {  	v3 =	vperm.xlane v3, v2;
	v4 =	vadd.s32 v1, v4;
	_ =	sdelay $0x1  }
0x4f: {  	v3 =	vadd.s32 v1, v3;
	_ =	sdelay $0x1  }
0x50: {  	s23 =	simm.s32 $0xFF00  }
0x51: {  	[tilespmem:s23], [sflag:$0x1] =	stream.indirect_vreg.gather [hbm4b:s4+s2], $0x80, v4, vm0, $0xb8;
	[tilespmem:$0x1CF00] =	vst v63  }
0x52: {  	s24 =	simm.s32 $0x10700  }
0x53: {  	[tilespmem:s24], [sflag:$0x1] =	stream.indirect_vreg.gather [hbm4b:s4+s2], $0x80, v3, vm0, $0xb8;
	[tilespmem:$0x1CF00] =	vst v63  }
0x54: {  	v3 =	vld [tilespmem:$0x27C0];
	_ =	sdelay $0x4  }
0x55: {  	v60 =	vshll.u32 v3, $0x1  }
0x56: {  	v3 =	vand.u32 $0x7, v3;
	v4 =	vand.u32 $0xFFFFFFF0, v60  }
0x57: {  	v3 =	vor.u32 v3, v4  }
0x58: {  	v4 =	vperm.xlane v3, v0;
	_ =	sdelay $0x1  }
0x59: {  	v3 =	vperm.xlane v3, v2;
	v4 =	vadd.s32 v1, v4;
	_ =	sdelay $0x1  }
0x5a: {  	v3 =	vadd.s32 v1, v3;
	_ =	sdelay $0x1  }
0x5b: {  	s25 =	simm.s32 $0x10F00  }
0x5c: {  	[tilespmem:s25], [sflag:$0x1] =	stream.indirect_vreg.gather [hbm4b:s4+s2], $0x80, v4, vm0, $0xb8;
	[tilespmem:$0x1CF00] =	vst v63  }
0x5d: {  	_ = 	snop  }
0x5e: {  	[tilespmem:s26], [sflag:$0x1] =	stream.indirect_vreg.gather [hbm4b:s4+s2], $0x80, v3, vm0, $0xb8;
	[tilespmem:$0x1CF00] =	vst v63  }
0x5f: {  	v3 =	vld [tilespmem:$0x27D0];
	_ =	sdelay $0x4  }
0x60: {  	v61 =	vshll.u32 v3, $0x1  }
0x61: {  	v3 =	vand.u32 $0x7, v3;
	v4 =	vand.u32 $0xFFFFFFF0, v61  }
0x62: {  	v3 =	vor.u32 v3, v4  }
0x63: {  	v4 =	vperm.xlane v3, v0;
	_ =	sdelay $0x1  }
0x64: {  	v3 =	vperm.xlane v3, v2;
	v4 =	vadd.s32 v1, v4;
	_ =	sdelay $0x1  }
0x65: {  	v3 =	vadd.s32 v1, v3;
	_ =	sdelay $0x2  }
0x66: {  	[tilespmem:s28], [sflag:$0x1] =	stream.indirect_vreg.gather [hbm4b:s4+s2], $0x80, v4, vm0, $0xb8;
	[tilespmem:$0x1CF00] =	vst v63  }
0x67: {  	_ = 	snop  }
0x68: {  	[tilespmem:s29], [sflag:$0x1] =	stream.indirect_vreg.gather [hbm4b:s4+s2], $0x80, v3, vm0, $0xb8;
	[tilespmem:$0x1CF00] =	vst v63  }
0x69: {  	v3 =	vld [tilespmem:$0x27E0];
	_ =	sdelay $0x4  }
0x6a: {  	v62 =	vshll.u32 v3, $0x1  }
0x6b: {  	v3 =	vand.u32 $0x7, v3;
	v4 =	vand.u32 $0xFFFFFFF0, v62  }
0x6c: {  	v3 =	vor.u32 v3, v4  }
0x6d: {  	v4 =	vperm.xlane v3, v0;
	_ =	sdelay $0x1  }
0x6e: {  	v3 =	vperm.xlane v3, v2;
	v4 =	vadd.s32 v1, v4;
	_ =	sdelay $0x1  }
0x6f: {  	v3 =	vadd.s32 v1, v3;
	_ =	sdelay $0x2  }
0x70: {  	[tilespmem:s30], [sflag:$0x1] =	stream.indirect_vreg.gather [hbm4b:s4+s2], $0x80, v4, vm0, $0xb8;
	[tilespmem:$0x1CF00] =	vst v63  }
0x71: {  	_ = 	snop  }
0x72: {  	[tilespmem:s31], [sflag:$0x1] =	stream.indirect_vreg.gather [hbm4b:s4+s2], $0x80, v3, vm0, $0xb8;
	[tilespmem:$0x1CF00] =	vst v63  }
0x73: {  	v3 =	vld [tilespmem:$0x27F0];
	_ =	sdelay $0x4  }
0x74: {  	v63 =	vshll.u32 v3, $0x1  }
0x75: {  	v3 =	vand.u32 $0x7, v3;
	v4 =	vand.u32 $0xFFFFFFF0, v63  }
0x76: {  	v3 =	vor.u32 v3, v4  }
0x77: {  	v4 =	vperm.xlane v3, v0;
	_ =	sdelay $0x1  }
0x78: {  	v3 =	vperm.xlane v3, v2;
	v4 =	vadd.s32 v1, v4;
	_ =	sdelay $0x1  }
0x79: {  	v3 =	vadd.s32 v1, v3  }
.Ltmp2:
0x7a: {  	_ = 	snop;
	(pc) =	sbr.rel .LBB2_2-.Ltmp2, $4  }
0x7b: {  	s12 =	simm.s32 @!p0 $0x28  }
0x7c: {  	[tilespmem:s0], [sflag:$0x1] =	stream.indirect_vreg.gather [hbm4b:s4+s2], $0x80, v4, vm0, $0xb8;
	[tilespmem:$0x1CF00] =	vst v63  }
0x7d: {  	s12 =	simm.s32 @p0 $0x27;
	s14 =	simm.s32 $0x0  }
0x7e: {  	[tilespmem:s1], [sflag:$0x1] =	stream.indirect_vreg.gather [hbm4b:s4+s2], $0x80, v3, vm0, $0xb8;
	[tilespmem:$0x1CF00] =	vst v63  }
.LBB2_14:
0x7f: {  	s14 =	sadd.s32 $0x1, s14  }
0x80: {  	p1 =	sne.s32 s14, s12  }
.Ltmp3:
0x81: {  	_ = 	snop;
	(pc) =	sbr.rel @!p1 .LBB2_15-.Ltmp3, $1  }
0x82: {  	_ =	sdelay $0x3  }
.LBB2_2:
0x83: {  	s18 =	sshll.u32 s14, $0x1  }
0x84: {  	p2 =	sge.u32 s18, s7  }
.Ltmp4:
0x85: {  	_ = 	snop;
	(pc) =	sbr.rel @p2 .LBB2_8-.Ltmp4, $3  }
0x86: {  	_ =	sdelay $0x1  }
0x87: {  	s16 =	sshllo.u32 s14, $0x1  }
0x88: {  	p1 =	sge.u32 s16, s7  }
.Ltmp5:
0x89: {  	(pc) =	sbr.rel @p1 .LBB2_5-.Ltmp5, $1  }
0x8a: {  	_ =	sdelay $0x3  }
0x8b: {  	s19 =	sshll.u32 s16, $0x7;
	s20 =	simm.s32 $0x8F00  }
0x8c: {  	[tilespmem:s20], [sflag:$0x1] =	stream.indirect.gather [hbm4b:s3+s15], $0x80, s19, s15, $0xb8;
	[tilespmem:$0x1CF00] =	vst v63  }
0x8d: {  	v3 =	vld [tilespmem:s19+$0x2780];
	_ =	sdelay $0x4  }
0x8e: {  	v4 =	vshll.u32 v3, $0x1  }
0x8f: {  	v3 =	vand.u32 $0x7, v3;
	v4 =	vand.u32 $0xFFFFFFF0, v4  }
0x90: {  	v3 =	vor.u32 v3, v4  }
0x91: {  	v4 =	vperm.xlane v3, v0;
	_ =	sdelay $0x1  }
0x92: {  	v3 =	vperm.xlane v3, v2;
	v4 =	vadd.s32 v1, v4;
	_ =	sdelay $0x1  }
0x93: {  	v3 =	vadd.s32 v1, v3;
	_ =	sdelay $0x2  }
0x94: {  	[tilespmem:s8], [sflag:$0x1] =	stream.indirect_vreg.gather [hbm4b:s4+s2], $0x80, v4, vm0, $0xb8;
	[tilespmem:$0x1CF00] =	vst v63  }
0x95: {  	s21 =	simm.s32 $0x15700  }
0x96: {  	[tilespmem:s21], [sflag:$0x1] =	stream.indirect_vreg.gather [hbm4b:s4+s2], $0x80, v3, vm0, $0xb8;
	[tilespmem:$0x1CF00] =	vst v63  }
0x97: {  	v3 =	vld [tilespmem:s19+$0x2790];
	_ =	sdelay $0x4  }
0x98: {  	v57 =	vshll.u32 v3, $0x1  }
0x99: {  	v3 =	vand.u32 $0x7, v3;
	v4 =	vand.u32 $0xFFFFFFF0, v57  }
0x9a: {  	v3 =	vor.u32 v3, v4  }
0x9b: {  	v4 =	vperm.xlane v3, v0;
	_ =	sdelay $0x1  }
0x9c: {  	v3 =	vperm.xlane v3, v2;
	v4 =	vadd.s32 v1, v4;
	_ =	sdelay $0x1  }
0x9d: {  	v3 =	vadd.s32 v1, v3;
	_ =	sdelay $0x1  }
0x9e: {  	s22 =	simm.s32 $0x15F00  }
0x9f: {  	[tilespmem:s22], [sflag:$0x1] =	stream.indirect_vreg.gather [hbm4b:s4+s2], $0x80, v4, vm0, $0xb8;
	[tilespmem:$0x1CF00] =	vst v63  }
0xa0: {  	s23 =	simm.s32 $0x16700  }
0xa1: {  	[tilespmem:s23], [sflag:$0x1] =	stream.indirect_vreg.gather [hbm4b:s4+s2], $0x80, v3, vm0, $0xb8;
	[tilespmem:$0x1CF00] =	vst v63  }
0xa2: {  	v3 =	vld [tilespmem:s19+$0x27A0];
	_ =	sdelay $0x4  }
0xa3: {  	v58 =	vshll.u32 v3, $0x1  }
0xa4: {  	v3 =	vand.u32 $0x7, v3;
	v4 =	vand.u32 $0xFFFFFFF0, v58  }
0xa5: {  	v3 =	vor.u32 v3, v4  }
0xa6: {  	v4 =	vperm.xlane v3, v0;
	_ =	sdelay $0x1  }
0xa7: {  	v3 =	vperm.xlane v3, v2;
	v4 =	vadd.s32 v1, v4;
	_ =	sdelay $0x1  }
0xa8: {  	v3 =	vadd.s32 v1, v3;
	_ =	sdelay $0x1  }
0xa9: {  	s24 =	simm.s32 $0x16F00  }
0xaa: {  	[tilespmem:s24], [sflag:$0x1] =	stream.indirect_vreg.gather [hbm4b:s4+s2], $0x80, v4, vm0, $0xb8;
	[tilespmem:$0x1CF00] =	vst v63  }
0xab: {  	s25 =	simm.s32 $0x17700  }
0xac: {  	[tilespmem:s25], [sflag:$0x1] =	stream.indirect_vreg.gather [hbm4b:s4+s2], $0x80, v3, vm0, $0xb8;
	[tilespmem:$0x1CF00] =	vst v63  }
0xad: {  	v3 =	vld [tilespmem:s19+$0x27B0];
	_ =	sdelay $0x4  }
0xae: {  	v59 =	vshll.u32 v3, $0x1  }
0xaf: {  	v3 =	vand.u32 $0x7, v3;
	v4 =	vand.u32 $0xFFFFFFF0, v59  }
0xb0: {  	v3 =	vor.u32 v3, v4  }
0xb1: {  	v4 =	vperm.xlane v3, v0;
	_ =	sdelay $0x1  }
0xb2: {  	v3 =	vperm.xlane v3, v2;
	v4 =	vadd.s32 v1, v4;
	_ =	sdelay $0x1  }
0xb3: {  	v3 =	vadd.s32 v1, v3;
	_ =	sdelay $0x1  }
0xb4: {  	s21 =	simm.s32 $0x17F00  }
0xb5: {  	[tilespmem:s21], [sflag:$0x1] =	stream.indirect_vreg.gather [hbm4b:s4+s2], $0x80, v4, vm0, $0xb8;
	[tilespmem:$0x1CF00] =	vst v63  }
0xb6: {  	s22 =	simm.s32 $0x18700  }
0xb7: {  	[tilespmem:s22], [sflag:$0x1] =	stream.indirect_vreg.gather [hbm4b:s4+s2], $0x80, v3, vm0, $0xb8;
	[tilespmem:$0x1CF00] =	vst v63  }
0xb8: {  	v3 =	vld [tilespmem:s19+$0x27C0];
	_ =	sdelay $0x4  }
0xb9: {  	v60 =	vshll.u32 v3, $0x1  }
0xba: {  	v3 =	vand.u32 $0x7, v3;
	v4 =	vand.u32 $0xFFFFFFF0, v60  }
0xbb: {  	v3 =	vor.u32 v3, v4  }
0xbc: {  	v4 =	vperm.xlane v3, v0;
	_ =	sdelay $0x1  }
0xbd: {  	v3 =	vperm.xlane v3, v2;
	v4 =	vadd.s32 v1, v4;
	_ =	sdelay $0x1  }
0xbe: {  	v3 =	vadd.s32 v1, v3;
	_ =	sdelay $0x1  }
0xbf: {  	s23 =	simm.s32 $0x18F00  }
0xc0: {  	[tilespmem:s23], [sflag:$0x1] =	stream.indirect_vreg.gather [hbm4b:s4+s2], $0x80, v4, vm0, $0xb8;
	[tilespmem:$0x1CF00] =	vst v63  }
0xc1: {  	s24 =	simm.s32 $0x19700  }
0xc2: {  	[tilespmem:s24], [sflag:$0x1] =	stream.indirect_vreg.gather [hbm4b:s4+s2], $0x80, v3, vm0, $0xb8;
	[tilespmem:$0x1CF00] =	vst v63  }
0xc3: {  	v3 =	vld [tilespmem:s19+$0x27D0];
	_ =	sdelay $0x4  }
0xc4: {  	v61 =	vshll.u32 v3, $0x1  }
0xc5: {  	v3 =	vand.u32 $0x7, v3;
	v4 =	vand.u32 $0xFFFFFFF0, v61  }
0xc6: {  	v3 =	vor.u32 v3, v4  }
0xc7: {  	v4 =	vperm.xlane v3, v0;
	_ =	sdelay $0x1  }
0xc8: {  	v3 =	vperm.xlane v3, v2;
	v4 =	vadd.s32 v1, v4;
	_ =	sdelay $0x1  }
0xc9: {  	v3 =	vadd.s32 v1, v3;
	_ =	sdelay $0x1  }
0xca: {  	s25 =	simm.s32 $0x19F00  }
0xcb: {  	[tilespmem:s25], [sflag:$0x1] =	stream.indirect_vreg.gather [hbm4b:s4+s2], $0x80, v4, vm0, $0xb8;
	[tilespmem:$0x1CF00] =	vst v63  }
0xcc: {  	s21 =	simm.s32 $0x1A700  }
0xcd: {  	[tilespmem:s21], [sflag:$0x1] =	stream.indirect_vreg.gather [hbm4b:s4+s2], $0x80, v3, vm0, $0xb8;
	[tilespmem:$0x1CF00] =	vst v63  }
0xce: {  	v3 =	vld [tilespmem:s19+$0x27E0];
	_ =	sdelay $0x4  }
0xcf: {  	v62 =	vshll.u32 v3, $0x1  }
0xd0: {  	v3 =	vand.u32 $0x7, v3;
	v4 =	vand.u32 $0xFFFFFFF0, v62  }
0xd1: {  	v3 =	vor.u32 v3, v4  }
0xd2: {  	v4 =	vperm.xlane v3, v0;
	_ =	sdelay $0x1  }
0xd3: {  	v3 =	vperm.xlane v3, v2;
	v4 =	vadd.s32 v1, v4;
	_ =	sdelay $0x1  }
0xd4: {  	v3 =	vadd.s32 v1, v3;
	_ =	sdelay $0x1  }
0xd5: {  	s22 =	simm.s32 $0x1AF00  }
0xd6: {  	[tilespmem:s22], [sflag:$0x1] =	stream.indirect_vreg.gather [hbm4b:s4+s2], $0x80, v4, vm0, $0xb8;
	[tilespmem:$0x1CF00] =	vst v63  }
0xd7: {  	s23 =	simm.s32 $0x1B700  }
0xd8: {  	[tilespmem:s23], [sflag:$0x1] =	stream.indirect_vreg.gather [hbm4b:s4+s2], $0x80, v3, vm0, $0xb8;
	[tilespmem:$0x1CF00] =	vst v63  }
0xd9: {  	v3 =	vld [tilespmem:s19+$0x27F0];
	_ =	sdelay $0x4  }
0xda: {  	v63 =	vshll.u32 v3, $0x1  }
0xdb: {  	v3 =	vand.u32 $0x7, v3;
	v4 =	vand.u32 $0xFFFFFFF0, v63  }
0xdc: {  	v3 =	vor.u32 v3, v4  }
0xdd: {  	v4 =	vperm.xlane v3, v0;
	_ =	sdelay $0x1  }
0xde: {  	v3 =	vperm.xlane v3, v2;
	v4 =	vadd.s32 v1, v4;
	_ =	sdelay $0x1  }
0xdf: {  	v3 =	vadd.s32 v1, v3;
	_ =	sdelay $0x1  }
0xe0: {  	s24 =	simm.s32 $0x1BF00  }
0xe1: {  	[tilespmem:s24], [sflag:$0x1] =	stream.indirect_vreg.gather [hbm4b:s4+s2], $0x80, v4, vm0, $0xb8;
	[tilespmem:$0x1CF00] =	vst v63  }
0xe2: {  	s25 =	simm.s32 $0x1C700  }
0xe3: {  	[tilespmem:s25], [sflag:$0x1] =	stream.indirect_vreg.gather [hbm4b:s4+s2], $0x80, v3, vm0, $0xb8;
	[tilespmem:$0x1CF00] =	vst v63  }
.LBB2_5:
0xe4: {  	_ =	swait.ge [sflag:s9], $0x4000  }
0xe5: {  	[sflag:s9] =	ssyncset.done $0x0  }
0xe6: {  	[sflag:s9] =	ssyncadd.s32 $0xFFFFC000  }
0xe7: {  	s19 =	simm.s32 $0x0;
	_ =	swait.ge [sflag:s9], $0x8000  }
0xe8: {  	s20 =	sand.u32 $0x7800, s19;
	s19 =	sand.u32 $0x380, s19;
	[sflag:s9] =	ssyncset.done $0x0  }
0xe9: {  	s20 =	sor.u32 s19, s20;
	[sflag:s9] =	ssyncadd.s32 $0xFFFF8000  }
0xea: {  	s19 =	simm.s32 $0x4F40;
	v3 =	vld [tilespmem:s20+$0xCF00]  }
0xeb: {  	v4 =	vld [tilespmem:s19+$0xFFFFFFC0];
	_ =	sdelay $0x4  }
0xec: {  	v3 =	vadd.f32 v4, v3;
	_ =	sdelay $0x1  }
0xed: {  	[tilespmem:s20+$0xCF00] =	vst v3;
	v3 =	vld [tilespmem:s20+$0xCF10]  }
0xee: {  	v4 =	vld [tilespmem:s19+$0xFFFFFFD0];
	_ =	sdelay $0x4  }
0xef: {  	v3 =	vadd.f32 v4, v3;
	_ =	sdelay $0x1  }
0xf0: {  	[tilespmem:s20+$0xCF10] =	vst v3;
	v3 =	vld [tilespmem:s20+$0xCF20]  }
0xf1: {  	v4 =	vld [tilespmem:s19+$0xFFFFFFE0];
	_ =	sdelay $0x4  }
0xf2: {  	v3 =	vadd.f32 v4, v3;
	_ =	sdelay $0x1  }
0xf3: {  	[tilespmem:s20+$0xCF20] =	vst v3;
	v3 =	vld [tilespmem:s20+$0xCF30]  }
0xf4: {  	v4 =	vld [tilespmem:s19+$0xFFFFFFF0];
	_ =	sdelay $0x4  }
0xf5: {  	v3 =	vadd.f32 v4, v3;
	_ =	sdelay $0x1  }
0xf6: {  	[tilespmem:s20+$0xCF30] =	vst v3;
	v3 =	vld [tilespmem:s20+$0xCF40]  }
0xf7: {  	v4 =	vld [tilespmem:s19+$0x0];
	_ =	sdelay $0x4  }
0xf8: {  	v3 =	vadd.f32 v4, v3;
	_ =	sdelay $0x1  }
0xf9: {  	[tilespmem:s20+$0xCF40] =	vst v3;
	v3 =	vld [tilespmem:s20+$0xCF50]  }
0xfa: {  	v4 =	vld [tilespmem:s19+$0x10];
	_ =	sdelay $0x4  }
0xfb: {  	v3 =	vadd.f32 v4, v3;
	_ =	sdelay $0x1  }
0xfc: {  	[tilespmem:s20+$0xCF50] =	vst v3;
	v3 =	vld [tilespmem:s20+$0xCF60]  }
0xfd: {  	v4 =	vld [tilespmem:s19+$0x20];
	_ =	sdelay $0x4  }
0xfe: {  	v3 =	vadd.f32 v4, v3;
	_ =	sdelay $0x1  }
0xff: {  	[tilespmem:s20+$0xCF60] =	vst v3;
	v3 =	vld [tilespmem:s20+$0xCF70]  }
0x100: {  	v4 =	vld [tilespmem:s19+$0x30];
	_ =	sdelay $0x3  }
0x101: {  	s22 =	simm.s32 $0x100;
	s21 =	simm.s32 $0x80  }
0x102: {  	s22 =	sand.u32 $0x7800, s22;
	s23 =	sand.u32 $0x380, s21;
	v3 =	vadd.f32 v4, v3  }
0x103: {  	s23 =	sor.u32 s23, s22;
	s22 =	simm.s32 $0x200  }
.LBB2_6:
0x104: {  	p2 =	sne.s32 s22, $0x7F00;
	v4 =	vld [tilespmem:s23+$0xCF00];
	[tilespmem:s20+$0xCF70] =	vst v3;
	s19 =	sadd.s32 $0x80, s19;
	s20 =	smov.u32 s23  }
0x105: {  	v3 =	vld [tilespmem:s19+$0xFFFFFFC0];
	_ =	sdelay $0x4  }
0x106: {  	v3 =	vadd.f32 v3, v4;
	_ =	sdelay $0x1  }
0x107: {  	[tilespmem:s20+$0xCF00] =	vst v3;
	v3 =	vld [tilespmem:s20+$0xCF10]  }
0x108: {  	v4 =	vld [tilespmem:s19+$0xFFFFFFD0];
	_ =	sdelay $0x4  }
0x109: {  	v3 =	vadd.f32 v4, v3;
	_ =	sdelay $0x1  }
0x10a: {  	[tilespmem:s20+$0xCF10] =	vst v3;
	v3 =	vld [tilespmem:s20+$0xCF20]  }
0x10b: {  	v4 =	vld [tilespmem:s19+$0xFFFFFFE0];
	_ =	sdelay $0x4  }
0x10c: {  	v3 =	vadd.f32 v4, v3;
	_ =	sdelay $0x1  }
0x10d: {  	[tilespmem:s20+$0xCF20] =	vst v3;
	v3 =	vld [tilespmem:s20+$0xCF30]  }
0x10e: {  	v4 =	vld [tilespmem:s19+$0xFFFFFFF0];
	_ =	sdelay $0x4  }
0x10f: {  	v3 =	vadd.f32 v4, v3;
	_ =	sdelay $0x1  }
0x110: {  	[tilespmem:s20+$0xCF30] =	vst v3;
	v3 =	vld [tilespmem:s20+$0xCF40]  }
0x111: {  	v4 =	vld [tilespmem:s19+$0x0];
	_ =	sdelay $0x4  }
0x112: {  	v3 =	vadd.f32 v4, v3;
	_ =	sdelay $0x1  }
0x113: {  	[tilespmem:s20+$0xCF40] =	vst v3;
	v3 =	vld [tilespmem:s20+$0xCF50]  }
0x114: {  	v4 =	vld [tilespmem:s19+$0x10];
	_ =	sdelay $0x4  }
0x115: {  	v3 =	vadd.f32 v4, v3;
	_ =	sdelay $0x1  }
0x116: {  	[tilespmem:s20+$0xCF50] =	vst v3;
	v3 =	vld [tilespmem:s20+$0xCF60]  }
0x117: {  	v4 =	vld [tilespmem:s19+$0x20];
	_ =	sdelay $0x4  }
0x118: {  	v3 =	vadd.f32 v4, v3;
	_ =	sdelay $0x1  }
0x119: {  	[tilespmem:s20+$0xCF60] =	vst v3;
	v3 =	vld [tilespmem:s20+$0xCF70]  }
0x11a: {  	v4 =	vld [tilespmem:s19+$0x30];
	_ =	sdelay $0x1  }
.Ltmp6:
0x11b: {  	(pc) =	sbr.rel @p2 .LBB2_6-.Ltmp6, $4  }
0x11c: {  	_ = 	snop  }
0x11d: {  	s21 =	sadd.s32 $0x80, s21  }
0x11e: {  	s23 =	sand.u32 $0x7800, s22;
	s24 =	sand.u32 $0x380, s21;
	v3 =	vadd.f32 v4, v3  }
0x11f: {  	s22 =	sadd.s32 $0x100, s22;
	s23 =	sor.u32 s24, s23  }
0x120: {  	v4 =	vld [tilespmem:s23+$0xCF00];
	[tilespmem:s20+$0xCF70] =	vst v3;
	s19 =	sadd.s32 $0x80, s19  }
0x121: {  	v3 =	vld [tilespmem:s19+$0xFFFFFFC0];
	_ =	sdelay $0x4  }
0x122: {  	v3 =	vadd.f32 v3, v4;
	_ =	sdelay $0x1  }
0x123: {  	[tilespmem:s23+$0xCF00] =	vst v3;
	v3 =	vld [tilespmem:s23+$0xCF10]  }
0x124: {  	v57 =	vld [tilespmem:s19+$0xFFFFFFD0];
	_ =	sdelay $0x4  }
0x125: {  	v3 =	vadd.f32 v57, v3;
	_ =	sdelay $0x1  }
0x126: {  	[tilespmem:s23+$0xCF10] =	vst v3;
	v3 =	vld [tilespmem:s23+$0xCF20]  }
0x127: {  	v58 =	vld [tilespmem:s19+$0xFFFFFFE0];
	_ =	sdelay $0x4  }
0x128: {  	v3 =	vadd.f32 v58, v3;
	_ =	sdelay $0x1  }
0x129: {  	[tilespmem:s23+$0xCF20] =	vst v3;
	v3 =	vld [tilespmem:s23+$0xCF30]  }
0x12a: {  	v59 =	vld [tilespmem:s19+$0xFFFFFFF0];
	_ =	sdelay $0x4  }
0x12b: {  	v3 =	vadd.f32 v59, v3;
	_ =	sdelay $0x1  }
0x12c: {  	[tilespmem:s23+$0xCF30] =	vst v3;
	v3 =	vld [tilespmem:s23+$0xCF40]  }
0x12d: {  	v60 =	vld [tilespmem:s19+$0x0];
	_ =	sdelay $0x4  }
0x12e: {  	v3 =	vadd.f32 v60, v3;
	_ =	sdelay $0x1  }
0x12f: {  	[tilespmem:s23+$0xCF40] =	vst v3;
	v3 =	vld [tilespmem:s23+$0xCF50]  }
0x130: {  	v61 =	vld [tilespmem:s19+$0x10];
	_ =	sdelay $0x4  }
0x131: {  	v3 =	vadd.f32 v61, v3;
	_ =	sdelay $0x1  }
0x132: {  	[tilespmem:s23+$0xCF50] =	vst v3;
	v3 =	vld [tilespmem:s23+$0xCF60]  }
0x133: {  	v62 =	vld [tilespmem:s19+$0x20];
	_ =	sdelay $0x4  }
0x134: {  	v3 =	vadd.f32 v62, v3;
	_ =	sdelay $0x1  }
0x135: {  	[tilespmem:s23+$0xCF60] =	vst v3;
	v3 =	vld [tilespmem:s23+$0xCF70]  }
0x136: {  	v63 =	vld [tilespmem:s19+$0x30];
	_ =	sdelay $0x3  }
0x137: {  	s25 =	sadd.s32 s6, s18  }
0x138: {  	s19 =	sshll.u32 s25, $0xC;
	v3 =	vadd.f32 v63, v3  }
0x139: {  	s19 =	sand.u32 $0x1FFFF000, s19  }
0x13a: {  	s19 =	sadd.s32 s5, s19;
	[tilespmem:s23+$0xCF70] =	vst v3  }
0x13b: {  	[hbm4b:s19+s2] =	stream.linear.scatter [tilespmem:s17], [sflag:$0x3], $0x8000, $0x38;
	[tilespmem:$0x1CF00] =	vst v63  }
0x13c: {  	_ =	swait.ge [sflag:s10], $0x8000  }
0x13d: {  	[sflag:s10] =	ssyncset.done $0x0  }
0x13e: {  	[sflag:s10] =	ssyncadd.s32 $0xFFFF8000  }
.LBB2_8:
.Ltmp7:
0x13f: {  	(pc) =	sbr.rel @p1 .LBB2_14-.Ltmp7, $1  }
0x140: {  	_ =	sdelay $0x3  }
0x141: {  	s18 =	sadd.s32 $0x2, s18  }
0x142: {  	p1 =	sge.u32 s18, s7  }
.Ltmp8:
0x143: {  	_ = 	snop;
	(pc) =	sbr.rel @p1 .LBB2_11-.Ltmp8, $1  }
0x144: {  	_ =	sdelay $0x3  }
0x145: {  	s18 =	sshll.u32 s18, $0x7;
	s19 =	simm.s32 $0x4F00  }
0x146: {  	[tilespmem:s19], [sflag:$0x1] =	stream.indirect.gather [hbm4b:s3+s15], $0x80, s18, s15, $0xb8;
	[tilespmem:$0x1CF00] =	vst v63  }
0x147: {  	v3 =	vld [tilespmem:s18+$0x2780];
	_ =	sdelay $0x4  }
0x148: {  	v4 =	vshll.u32 v3, $0x1  }
0x149: {  	v3 =	vand.u32 $0x7, v3;
	v4 =	vand.u32 $0xFFFFFFF0, v4  }
0x14a: {  	v3 =	vor.u32 v3, v4  }
0x14b: {  	v4 =	vperm.xlane v3, v0;
	_ =	sdelay $0x1  }
0x14c: {  	v3 =	vperm.xlane v3, v2;
	v4 =	vadd.s32 v1, v4;
	_ =	sdelay $0x1  }
0x14d: {  	v3 =	vadd.s32 v1, v3;
	_ =	sdelay $0x2  }
0x14e: {  	[tilespmem:s17], [sflag:$0x1] =	stream.indirect_vreg.gather [hbm4b:s4+s2], $0x80, v4, vm0, $0xb8;
	[tilespmem:$0x1CF00] =	vst v63  }
0x14f: {  	s24 =	simm.s32 $0xD700  }
0x150: {  	[tilespmem:s24], [sflag:$0x1] =	stream.indirect_vreg.gather [hbm4b:s4+s2], $0x80, v3, vm0, $0xb8;
	[tilespmem:$0x1CF00] =	vst v63  }
0x151: {  	v3 =	vld [tilespmem:s18+$0x2790];
	_ =	sdelay $0x4  }
0x152: {  	v57 =	vshll.u32 v3, $0x1  }
0x153: {  	v3 =	vand.u32 $0x7, v3;
	v4 =	vand.u32 $0xFFFFFFF0, v57  }
0x154: {  	v3 =	vor.u32 v3, v4  }
0x155: {  	v4 =	vperm.xlane v3, v0;
	_ =	sdelay $0x1  }
0x156: {  	v3 =	vperm.xlane v3, v2;
	v4 =	vadd.s32 v1, v4;
	_ =	sdelay $0x1  }
0x157: {  	v3 =	vadd.s32 v1, v3;
	_ =	sdelay $0x1  }
0x158: {  	s25 =	simm.s32 $0xDF00  }
0x159: {  	[tilespmem:s25], [sflag:$0x1] =	stream.indirect_vreg.gather [hbm4b:s4+s2], $0x80, v4, vm0, $0xb8;
	[tilespmem:$0x1CF00] =	vst v63  }
0x15a: {  	s20 =	simm.s32 $0xE700  }
0x15b: {  	[tilespmem:s20], [sflag:$0x1] =	stream.indirect_vreg.gather [hbm4b:s4+s2], $0x80, v3, vm0, $0xb8;
	[tilespmem:$0x1CF00] =	vst v63  }
0x15c: {  	v3 =	vld [tilespmem:s18+$0x27A0];
	_ =	sdelay $0x4  }
0x15d: {  	v58 =	vshll.u32 v3, $0x1  }
0x15e: {  	v3 =	vand.u32 $0x7, v3;
	v4 =	vand.u32 $0xFFFFFFF0, v58  }
0x15f: {  	v3 =	vor.u32 v3, v4  }
0x160: {  	v4 =	vperm.xlane v3, v0;
	_ =	sdelay $0x1  }
0x161: {  	v3 =	vperm.xlane v3, v2;
	v4 =	vadd.s32 v1, v4;
	_ =	sdelay $0x1  }
0x162: {  	v3 =	vadd.s32 v1, v3;
	_ =	sdelay $0x1  }
0x163: {  	s21 =	simm.s32 $0xEF00  }
0x164: {  	[tilespmem:s21], [sflag:$0x1] =	stream.indirect_vreg.gather [hbm4b:s4+s2], $0x80, v4, vm0, $0xb8;
	[tilespmem:$0x1CF00] =	vst v63  }
0x165: {  	s22 =	simm.s32 $0xF700  }
0x166: {  	[tilespmem:s22], [sflag:$0x1] =	stream.indirect_vreg.gather [hbm4b:s4+s2], $0x80, v3, vm0, $0xb8;
	[tilespmem:$0x1CF00] =	vst v63  }
0x167: {  	v3 =	vld [tilespmem:s18+$0x27B0];
	_ =	sdelay $0x4  }
0x168: {  	v59 =	vshll.u32 v3, $0x1  }
0x169: {  	v3 =	vand.u32 $0x7, v3;
	v4 =	vand.u32 $0xFFFFFFF0, v59  }
0x16a: {  	v3 =	vor.u32 v3, v4  }
0x16b: {  	v4 =	vperm.xlane v3, v0;
	_ =	sdelay $0x1  }
0x16c: {  	v3 =	vperm.xlane v3, v2;
	v4 =	vadd.s32 v1, v4;
	_ =	sdelay $0x1  }
0x16d: {  	v3 =	vadd.s32 v1, v3;
	_ =	sdelay $0x1  }
0x16e: {  	s23 =	simm.s32 $0xFF00  }
0x16f: {  	[tilespmem:s23], [sflag:$0x1] =	stream.indirect_vreg.gather [hbm4b:s4+s2], $0x80, v4, vm0, $0xb8;
	[tilespmem:$0x1CF00] =	vst v63  }
0x170: {  	s24 =	simm.s32 $0x10700  }
0x171: {  	[tilespmem:s24], [sflag:$0x1] =	stream.indirect_vreg.gather [hbm4b:s4+s2], $0x80, v3, vm0, $0xb8;
	[tilespmem:$0x1CF00] =	vst v63  }
0x172: {  	v3 =	vld [tilespmem:s18+$0x27C0];
	_ =	sdelay $0x4  }
0x173: {  	v60 =	vshll.u32 v3, $0x1  }
0x174: {  	v3 =	vand.u32 $0x7, v3;
	v4 =	vand.u32 $0xFFFFFFF0, v60  }
0x175: {  	v3 =	vor.u32 v3, v4  }
0x176: {  	v4 =	vperm.xlane v3, v0;
	_ =	sdelay $0x1  }
0x177: {  	v3 =	vperm.xlane v3, v2;
	v4 =	vadd.s32 v1, v4;
	_ =	sdelay $0x1  }
0x178: {  	v3 =	vadd.s32 v1, v3;
	_ =	sdelay $0x1  }
0x179: {  	s25 =	simm.s32 $0x10F00  }
0x17a: {  	[tilespmem:s25], [sflag:$0x1] =	stream.indirect_vreg.gather [hbm4b:s4+s2], $0x80, v4, vm0, $0xb8;
	[tilespmem:$0x1CF00] =	vst v63  }
0x17b: {  	_ = 	snop  }
0x17c: {  	[tilespmem:s26], [sflag:$0x1] =	stream.indirect_vreg.gather [hbm4b:s4+s2], $0x80, v3, vm0, $0xb8;
	[tilespmem:$0x1CF00] =	vst v63  }
0x17d: {  	v3 =	vld [tilespmem:s18+$0x27D0];
	_ =	sdelay $0x4  }
0x17e: {  	v61 =	vshll.u32 v3, $0x1  }
0x17f: {  	v3 =	vand.u32 $0x7, v3;
	v4 =	vand.u32 $0xFFFFFFF0, v61  }
0x180: {  	v3 =	vor.u32 v3, v4  }
0x181: {  	v4 =	vperm.xlane v3, v0;
	_ =	sdelay $0x1  }
0x182: {  	v3 =	vperm.xlane v3, v2;
	v4 =	vadd.s32 v1, v4;
	_ =	sdelay $0x1  }
0x183: {  	v3 =	vadd.s32 v1, v3;
	_ =	sdelay $0x2  }
0x184: {  	[tilespmem:s28], [sflag:$0x1] =	stream.indirect_vreg.gather [hbm4b:s4+s2], $0x80, v4, vm0, $0xb8;
	[tilespmem:$0x1CF00] =	vst v63  }
0x185: {  	_ = 	snop  }
0x186: {  	[tilespmem:s29], [sflag:$0x1] =	stream.indirect_vreg.gather [hbm4b:s4+s2], $0x80, v3, vm0, $0xb8;
	[tilespmem:$0x1CF00] =	vst v63  }
0x187: {  	v3 =	vld [tilespmem:s18+$0x27E0];
	_ =	sdelay $0x4  }
0x188: {  	v62 =	vshll.u32 v3, $0x1  }
0x189: {  	v3 =	vand.u32 $0x7, v3;
	v4 =	vand.u32 $0xFFFFFFF0, v62  }
0x18a: {  	v3 =	vor.u32 v3, v4  }
0x18b: {  	v4 =	vperm.xlane v3, v0;
	_ =	sdelay $0x1  }
0x18c: {  	v3 =	vperm.xlane v3, v2;
	v4 =	vadd.s32 v1, v4;
	_ =	sdelay $0x1  }
0x18d: {  	v3 =	vadd.s32 v1, v3;
	_ =	sdelay $0x2  }
0x18e: {  	[tilespmem:s30], [sflag:$0x1] =	stream.indirect_vreg.gather [hbm4b:s4+s2], $0x80, v4, vm0, $0xb8;
	[tilespmem:$0x1CF00] =	vst v63  }
0x18f: {  	_ = 	snop  }
0x190: {  	[tilespmem:s31], [sflag:$0x1] =	stream.indirect_vreg.gather [hbm4b:s4+s2], $0x80, v3, vm0, $0xb8;
	[tilespmem:$0x1CF00] =	vst v63  }
0x191: {  	v3 =	vld [tilespmem:s18+$0x27F0];
	_ =	sdelay $0x4  }
0x192: {  	v63 =	vshll.u32 v3, $0x1  }
0x193: {  	v3 =	vand.u32 $0x7, v3;
	v4 =	vand.u32 $0xFFFFFFF0, v63  }
0x194: {  	v3 =	vor.u32 v3, v4  }
0x195: {  	v4 =	vperm.xlane v3, v0;
	_ =	sdelay $0x1  }
0x196: {  	v3 =	vperm.xlane v3, v2;
	v4 =	vadd.s32 v1, v4;
	_ =	sdelay $0x1  }
0x197: {  	v3 =	vadd.s32 v1, v3;
	_ =	sdelay $0x2  }
0x198: {  	[tilespmem:s0], [sflag:$0x1] =	stream.indirect_vreg.gather [hbm4b:s4+s2], $0x80, v4, vm0, $0xb8;
	[tilespmem:$0x1CF00] =	vst v63  }
0x199: {  	_ = 	snop  }
0x19a: {  	[tilespmem:s1], [sflag:$0x1] =	stream.indirect_vreg.gather [hbm4b:s4+s2], $0x80, v3, vm0, $0xb8;
	[tilespmem:$0x1CF00] =	vst v63  }
.LBB2_11:
0x19b: {  	_ =	swait.ge [sflag:s9], $0x4000  }
0x19c: {  	[sflag:s9] =	ssyncset.done $0x0  }
0x19d: {  	[sflag:s9] =	ssyncadd.s32 $0xFFFFC000  }
0x19e: {  	s18 =	simm.s32 $0x0;
	_ =	swait.ge [sflag:s9], $0x8000  }
0x19f: {  	s19 =	sand.u32 $0x7800, s18;
	s18 =	sand.u32 $0x380, s18;
	[sflag:s9] =	ssyncset.done $0x0  }
0x1a0: {  	s18 =	sor.u32 s18, s19;
	[sflag:s9] =	ssyncadd.s32 $0xFFFF8000  }
0x1a1: {  	s21 =	simm.s32 $0x8F40;
	v3 =	vld [tilespmem:s18+$0x14F00]  }
0x1a2: {  	v4 =	vld [tilespmem:s21+$0xFFFFFFC0];
	_ =	sdelay $0x4  }
0x1a3: {  	v3 =	vadd.f32 v4, v3;
	_ =	sdelay $0x1  }
0x1a4: {  	[tilespmem:s18+$0x14F00] =	vst v3  }
0x1a5: {  	s19 =	sadd.s32 $0x14F00, s18;
	v3 =	vld [tilespmem:s21+$0xFFFFFFD0]  }
0x1a6: {  	v4 =	vld [tilespmem:s19+$0x10];
	_ =	sdelay $0x4  }
0x1a7: {  	v3 =	vadd.f32 v3, v4;
	_ =	sdelay $0x1  }
0x1a8: {  	[tilespmem:s19+$0x10] =	vst v3;
	v3 =	vld [tilespmem:s19+$0x20]  }
0x1a9: {  	v4 =	vld [tilespmem:s21+$0xFFFFFFE0];
	_ =	sdelay $0x4  }
0x1aa: {  	v3 =	vadd.f32 v4, v3;
	_ =	sdelay $0x1  }
0x1ab: {  	v4 =	vld [tilespmem:s19+$0x30];
	[tilespmem:s19+$0x20] =	vst v3  }
0x1ac: {  	v3 =	vld [tilespmem:s21+$0xFFFFFFF0];
	_ =	sdelay $0x4  }
0x1ad: {  	v3 =	vadd.f32 v3, v4;
	_ =	sdelay $0x1  }
0x1ae: {  	v4 =	vld [tilespmem:s19+$0x40];
	[tilespmem:s19+$0x30] =	vst v3  }
0x1af: {  	v3 =	vld [tilespmem:s21+$0x0];
	_ =	sdelay $0x4  }
0x1b0: {  	v3 =	vadd.f32 v3, v4;
	_ =	sdelay $0x1  }
0x1b1: {  	v4 =	vld [tilespmem:s19+$0x50];
	[tilespmem:s19+$0x40] =	vst v3  }
0x1b2: {  	v3 =	vld [tilespmem:s21+$0x10];
	_ =	sdelay $0x4  }
0x1b3: {  	v3 =	vadd.f32 v3, v4;
	_ =	sdelay $0x1  }
0x1b4: {  	v4 =	vld [tilespmem:s19+$0x60];
	[tilespmem:s19+$0x50] =	vst v3  }
0x1b5: {  	v3 =	vld [tilespmem:s21+$0x20];
	_ =	sdelay $0x4  }
0x1b6: {  	v4 =	vadd.f32 v3, v4;
	_ =	sdelay $0x1  }
0x1b7: {  	v3 =	vld [tilespmem:s19+$0x70];
	[tilespmem:s19+$0x60] =	vst v4  }
0x1b8: {  	v4 =	vld [tilespmem:s21+$0x30];
	_ =	sdelay $0x1  }
0x1b9: {  	s25 =	simm.s32 $0x100;
	s23 =	simm.s32 $0x200  }
0x1ba: {  	s20 =	sand.u32 $0x7800, s25;
	s18 =	simm.s32 $0x8FC0;
	s21 =	simm.s32 $0x80  }
.LBB2_12:
0x1bb: {  	s22 =	smov.u32 s23  }
0x1bc: {  	s24 =	sand.u32 $0x7800, s23;
	s25 =	sand.u32 $0x380, s21;
	v3 =	vadd.f32 v4, v3;
	s22 =	sadd.s32 $0x100, s23  }
0x1bd: {  	p1 =	sne.s32 s23, $0x7F00;
	s23 =	sor.u32 s25, s20;
	s20 =	smov.u32 s24  }
0x1be: {  	v4 =	vld [tilespmem:s23+$0x14F00];
	[tilespmem:s19+$0x70] =	vst v3  }
0x1bf: {  	v3 =	vld [tilespmem:s18+$0xFFFFFFC0];
	_ =	sdelay $0x4  }
0x1c0: {  	v3 =	vadd.f32 v3, v4  }
0x1c1: {  	s19 =	sadd.s32 $0x14F00, s23  }
0x1c2: {  	[tilespmem:s23+$0x14F00] =	vst v3  }
0x1c3: {  	v3 =	vld [tilespmem:s18+$0xFFFFFFD0]  }
0x1c4: {  	v4 =	vld [tilespmem:s19+$0x10];
	_ =	sdelay $0x4  }
0x1c5: {  	v3 =	vadd.f32 v3, v4;
	_ =	sdelay $0x1  }
0x1c6: {  	[tilespmem:s19+$0x10] =	vst v3;
	v3 =	vld [tilespmem:s19+$0x20]  }
0x1c7: {  	v4 =	vld [tilespmem:s18+$0xFFFFFFE0];
	_ =	sdelay $0x4  }
0x1c8: {  	v3 =	vadd.f32 v4, v3  }
0x1c9: {  	v4 =	vld [tilespmem:s19+$0x30]  }
0x1ca: {  	[tilespmem:s19+$0x20] =	vst v3  }
0x1cb: {  	v3 =	vld [tilespmem:s18+$0xFFFFFFF0];
	_ =	sdelay $0x4  }
0x1cc: {  	v3 =	vadd.f32 v3, v4;
	v4 =	vld [tilespmem:s19+$0x40];
	_ =	sdelay $0x1  }
0x1cd: {  	[tilespmem:s19+$0x30] =	vst v3  }
0x1ce: {  	v3 =	vld [tilespmem:s18+$0x0];
	_ =	sdelay $0x4  }
0x1cf: {  	v3 =	vadd.f32 v3, v4;
	v4 =	vld [tilespmem:s19+$0x50];
	_ =	sdelay $0x1  }
0x1d0: {  	[tilespmem:s19+$0x40] =	vst v3  }
0x1d1: {  	v3 =	vld [tilespmem:s18+$0x10];
	_ =	sdelay $0x4  }
0x1d2: {  	v3 =	vadd.f32 v3, v4;
	v4 =	vld [tilespmem:s19+$0x60];
	_ =	sdelay $0x1  }
0x1d3: {  	[tilespmem:s19+$0x50] =	vst v3  }
0x1d4: {  	v3 =	vld [tilespmem:s18+$0x20];
	_ =	sdelay $0x4  }
0x1d5: {  	v4 =	vadd.f32 v3, v4;
	v3 =	vld [tilespmem:s19+$0x70];
	_ =	sdelay $0x1  }
0x1d6: {  	[tilespmem:s19+$0x60] =	vst v4  }
.Ltmp9:
0x1d7: {  	v4 =	vld [tilespmem:s18+$0x30];
	(pc) =	sbr.rel @p1 .LBB2_12-.Ltmp9, $2  }
0x1d8: {  	_ =	sdelay $0x2  }
0x1d9: {  	s21 =	sadd.s32 $0x80, s21;
	s23 =	smov.u32 s22;
	s18 =	sadd.s32 $0x80, s18  }
0x1da: {  	s21 =	sand.u32 $0x380, s21;
	v3 =	vadd.f32 v4, v3  }
0x1db: {  	s20 =	sor.u32 s21, s20  }
0x1dc: {  	v56 =	vld [tilespmem:s20+$0x14F00];
	[tilespmem:s19+$0x70] =	vst v3  }
0x1dd: {  	v3 =	vld [tilespmem:s18+$0xFFFFFFC0];
	_ =	sdelay $0x4  }
0x1de: {  	v3 =	vadd.f32 v3, v56;
	_ =	sdelay $0x1  }
0x1df: {  	[tilespmem:s20+$0x14F00] =	vst v3  }
0x1e0: {  	s25 =	sadd.s32 $0x14F00, s20;
	v3 =	vld [tilespmem:s18+$0xFFFFFFD0]  }
0x1e1: {  	v57 =	vld [tilespmem:s25+$0x10];
	_ =	sdelay $0x4  }
0x1e2: {  	v3 =	vadd.f32 v3, v57;
	_ =	sdelay $0x1  }
0x1e3: {  	[tilespmem:s25+$0x10] =	vst v3;
	v3 =	vld [tilespmem:s25+$0x20]  }
0x1e4: {  	v58 =	vld [tilespmem:s18+$0xFFFFFFE0];
	_ =	sdelay $0x4  }
0x1e5: {  	v3 =	vadd.f32 v58, v3;
	_ =	sdelay $0x1  }
0x1e6: {  	v59 =	vld [tilespmem:s25+$0x30];
	[tilespmem:s25+$0x20] =	vst v3  }
0x1e7: {  	v3 =	vld [tilespmem:s18+$0xFFFFFFF0];
	_ =	sdelay $0x4  }
0x1e8: {  	v3 =	vadd.f32 v3, v59;
	_ =	sdelay $0x1  }
0x1e9: {  	v60 =	vld [tilespmem:s25+$0x40];
	[tilespmem:s25+$0x30] =	vst v3  }
0x1ea: {  	v3 =	vld [tilespmem:s18+$0x0];
	_ =	sdelay $0x4  }
0x1eb: {  	v3 =	vadd.f32 v3, v60;
	_ =	sdelay $0x1  }
0x1ec: {  	v61 =	vld [tilespmem:s25+$0x50];
	[tilespmem:s25+$0x40] =	vst v3  }
0x1ed: {  	v3 =	vld [tilespmem:s18+$0x10];
	_ =	sdelay $0x4  }
0x1ee: {  	v3 =	vadd.f32 v3, v61;
	_ =	sdelay $0x1  }
0x1ef: {  	v62 =	vld [tilespmem:s25+$0x60];
	[tilespmem:s25+$0x50] =	vst v3  }
0x1f0: {  	v3 =	vld [tilespmem:s18+$0x20];
	_ =	sdelay $0x4  }
0x1f1: {  	v3 =	vadd.f32 v3, v62;
	_ =	sdelay $0x1  }
0x1f2: {  	v63 =	vld [tilespmem:s25+$0x70];
	[tilespmem:s25+$0x60] =	vst v3  }
0x1f3: {  	v3 =	vld [tilespmem:s18+$0x30];
	_ =	sdelay $0x3  }
0x1f4: {  	s16 =	sadd.s32 s6, s16  }
0x1f5: {  	s16 =	sshll.u32 s16, $0xC;
	v3 =	vadd.f32 v3, v63  }
0x1f6: {  	s16 =	sand.u32 $0x1FFFF000, s16  }
.Ltmp10:
0x1f7: {  	s16 =	sadd.s32 s5, s16;
	[tilespmem:s25+$0x70] =	vst v3;
	(pc) =	sbr.rel .LBB2_14-.Ltmp10, $4  }
0x1f8: {  	[hbm4b:s16+s2] =	stream.linear.scatter [tilespmem:s8], [sflag:$0x2], $0x8000, $0x38;
	[tilespmem:$0x1CF00] =	vst v63  }
0x1f9: {  	_ =	swait.ge [sflag:s13], $0x8000  }
0x1fa: {  	[sflag:s13] =	ssyncset.done $0x0  }
0x1fb: {  	[sflag:s13] =	ssyncadd.s32 $0xFFFF8000  }
.LBB2_16:
0x1fc: {  	_ =	sfence.sel $0x180000  }
0x1fd: {  	[bflag:$0x0] =	sbarrier.arrive $0xFFFF  }
0x1fe: {  	_ =	strace $0x9000004A  }
0x1ff: {  	s0 =	stileid.u32;
	[bflag:$0x2] =	sbarrier.arrive $0xFFFF  }
0x200: {  	p0 =	sne.s32 s0, $0x0;
	s0 =	rddreg [dreg:$0x1]  }
0x201: {  	s0 =	sadd.s32 @!p0 $0x100000, s0  }
0x202: {  	[sflag:s0] =	ssyncadd.tile.s32 @!p0 $0x1;
	_ =	shalt  }
.Lfunc_end2:
_tile_overlayer_lowered:
.L_overlay_start_2:
0x203: {  	(tag) =	ssettag $0x2  }
0x204: {  	s0 =	rddreg [dreg:$0x0];
	s2 =	stileid.u32  }
0x205: {  	s1 =	rddreg [dreg:$0x1];
	p0 =	sne.s32 s2, $0x0  }
0x206: {  	s3 =	rddreg [dreg:$0x2];
	[bflag:$0x3] =	sbarrier.arrive $0xFFFF;
	s2 =	simm.s32 @!p0 $0x1C02  }
0x207: {  	[timem:s3], [sflag:s2] =	dma.local @!p0 [hbm:s0], s1  }
0x208: {  	s0 =	simm.s32 @!p0 $0x2  }
0x209: {  	_ =	swait.ge @!p0 [sflag:s0], s1  }
0x20a: {  	s1 =	ssub.s32 @!p0 $0x0, s1;
	[sflag:s0] =	ssyncset.done @!p0 $0x0  }
0x20b: {  	[sflag:s0] =	ssyncadd.s32 @!p0 s1  }
0x20c: {  	[bflag:$0x3] =	sbarrier.arrive $0xFFFF  }
0x20d: {  	_ =	shalt  }

// kernel: kernel.13.cloned.1.call-start
scs
__scs_entry_jumppad:
0x0: {  	(pc) =	sbr.rel $0x88, $3  }
0x1: {  	(tag) =	ssettag $0x0;
	lr =	simm.s32 $0x1  }
0x2: {  	[smem:$0x3F8A] =	sst lr;
	_ =	strace $0xD0000000  }
0x3: {  	_ = 	snop  }
0x4: {  	_ = 	snop  }
0x5: {  	_ = 	snop  }
0x6: {  	_ = 	snop  }
0x7: {  	_ = 	snop  }
__scs_overlays_trampoline_lowered:
0x8: {  	[smem:$0x3F99] =	sst s0  }
0x9: {  	[smem:$0x3F9A] =	sst s1  }
0xa: {  	[smem:$0x3F9B] =	sst s2  }
0xb: {  	[smem:$0x3F9C] =	sst s3  }
0xc: {  	[smem:$0x3F9D] =	sst s4  }
0xd: {  	[smem:$0x3F9E] =	sst s5  }
0xe: {  	[smem:$0x3F9F] =	sst s6  }
0xf: {  	[smem:$0x3FA0] =	sst s7  }
0x10: {  	[smem:$0x3FA1] =	sst s8  }
0x11: {  	[smem:$0x3FA2] =	sst s9;
	s0 =	simm.s32 @!p0 $0x0  }
0x12: {  	s1 =	sld [smem:$0x3F88];
	s0 =	simm.s32 @p0 $0x1  }
0x13: {  	[smem:$0x3FA3] =	sst s0;
	s0 =	simm.s32 @!p1 $0x0  }
0x14: {  	s2 =	sld [smem:$0x3F87];
	s0 =	simm.s32 @p1 $0x1  }
0x15: {  	[smem:$0x3FA4] =	sst s0;
	s0 =	simm.s32 @!p2 $0x0  }
0x16: {  	s3 =	sld [smem:$0x3FDB];
	s0 =	simm.s32 @p2 $0x1  }
0x17: {  	s4 =	simm.s32 $0x1BF5;
	[smem:$0x3FA6] =	sst s0  }
0x18: {  	s0 =	sld [smem:$0x3F89];
	_ =	swait.ge [sflag:s4], $0x0  }
0x19: {  	s7 =	sld [smem:$0x3F8A]  }
0x1a: {  	s8 =	sadd.s32 $0xFFFFE003, lr  }
0x1b: {  	s9 =	sadd.s32 $0xFFFFFEF7, lr;
	s5 =	simm.s32 $0xFFFFFFFF;
	p2 =	slt.u32 s8, $0xFFFFF086  }
0x1c: {  	p1 =	slt.u32 s9, $0xF7A;
	s5 =	simm.s32 @!p2 $0x0  }
0x1d: {  	s5 =	simm.s32 @p1 $0x1;
	p0 =	seq.s32 s7, s2  }
0x1e: {  	s7 =	smul.u32 @!p0 $0xF7A, s2;
	p2 =	seq.s32 @!p0 s5, $0x0  }
0x1f: {  	s9 =	smul.u32 $0xF7A, s1;
	s8 =	simm.s32 @!p0 $0x1BF5;
	p2 =	por !p2, p0  }
0x20: {  	[sflag:s8] =	ssyncset.s32 @!p0 $0xFFFFF086;
	s6 =	sadd.s32 @!p0 s3, s7;
	s7 =	simm.s32 @!p0 $0x108  }
0x21: {  	s3 =	sadd.s32 s3, s9;
	s6 =	sadd.s32 @!p0 $0x88, s6;
	s7 =	simm.s32 @p2 $0x1082  }
0x22: {  	[simem:s7], [sflag:s8] =	dma.local @!p0 [hbm:s6], $0xF7A  }
0x23: {  	s9 =	sor.u32 $0xD0000000, s2;
	s6 =	simm.s32 $0x108;
	_ =	swait.ge @!p0 [sflag:s8], $0x0  }
0x24: {  	s3 =	sadd.s32 $0x88, s3;
	s6 =	simm.s32 @!p1 $0x1082;
	[sflag:s4] =	ssyncset.s32 $0xFFFFF086  }
0x25: {  	[simem:s6], [sflag:s4] =	dma.local [hbm:s3], $0xF7A  }
0x26: {  	[smem:$0x3F8A] =	sst s1;
	(tag) =	ssettag s2;
	_ =	strace s9  }
0x27: {  	s1 =	sld [smem:$0x3F9A]  }
0x28: {  	s2 =	sld [smem:$0x3F9B]  }
0x29: {  	s4 =	sld [smem:$0x3F9D]  }
0x2a: {  	p0 =	seq.s32 s5, $0x0;
	s5 =	sld [smem:$0x3F9E]  }
0x2b: {  	s6 =	sld [smem:$0x3F9F]  }
0x2c: {  	s7 =	sld [smem:$0x3FA0]  }
0x2d: {  	s3 =	simm.s32 $0x108;
	s8 =	sld [smem:$0x3FA1]  }
0x2e: {  	s3 =	simm.s32 @!p0 $0x1082;
	s9 =	sld [smem:$0x3FA2]  }
0x2f: {  	lr =	sadd.s32 s0, s3;
	s0 =	sld [smem:$0x3F99]  }
0x30: {  	s3 =	sld [smem:$0x3F9C]  }
0x31: {  	[smem:$0x3FA5] =	sst s10  }
0x32: {  	s10 =	sld [smem:$0x3FA3];
	_ =	sdelay $0x3  }
0x33: {  	p0 =	seq.s32 s10, $0x1;
	s10 =	sld [smem:$0x3FA5];
	_ =	sdelay $0x3  }
0x34: {  	[smem:$0x3FA5] =	sst s10  }
0x35: {  	s10 =	sld [smem:$0x3FA4];
	_ =	sdelay $0x3  }
0x36: {  	p1 =	seq.s32 s10, $0x1;
	s10 =	sld [smem:$0x3FA5];
	_ =	sdelay $0x3  }
0x37: {  	[smem:$0x3FA5] =	sst s10  }
0x38: {  	s10 =	sld [smem:$0x3FA6]  }
0x39: {  	_ = 	snop;
	(pc) =	sbr.ind lr, $3  }
0x3a: {  	_ = 	snop  }
0x3b: {  	_ = 	snop  }
0x3c: {  	p2 =	seq.s32 s10, $0x1;
	s10 =	sld [smem:$0x3FA5]  }
0x3d: {  	_ =	shalt  }
0x3e: {  	_ =	shalt  }
0x3f: {  	_ =	shalt  }
0x40: {  	_ =	shalt  }
0x41: {  	_ =	shalt  }
0x42: {  	_ =	shalt  }
0x43: {  	_ =	shalt  }
0x44: {  	_ =	shalt  }
0x45: {  	_ =	shalt  }
0x46: {  	_ =	shalt  }
0x47: {  	_ =	shalt  }
0x48: {  	_ =	shalt  }
0x49: {  	_ =	shalt  }
0x4a: {  	_ =	shalt  }
0x4b: {  	_ =	shalt  }
0x4c: {  	_ =	shalt  }
0x4d: {  	_ =	shalt  }
0x4e: {  	_ =	shalt  }
0x4f: {  	_ =	shalt  }
0x50: {  	_ =	shalt  }
0x51: {  	_ =	shalt  }
0x52: {  	_ =	shalt  }
0x53: {  	_ =	shalt  }
0x54: {  	_ =	shalt  }
0x55: {  	_ =	shalt  }
0x56: {  	_ =	shalt  }
0x57: {  	_ =	shalt  }
0x58: {  	_ =	shalt  }
0x59: {  	_ =	shalt  }
0x5a: {  	_ =	shalt  }
0x5b: {  	_ =	shalt  }
0x5c: {  	_ =	shalt  }
0x5d: {  	_ =	shalt  }
0x5e: {  	_ =	shalt  }
0x5f: {  	_ =	shalt  }
0x60: {  	_ =	shalt  }
0x61: {  	_ =	shalt  }
0x62: {  	_ =	shalt  }
0x63: {  	_ =	shalt  }
0x64: {  	_ =	shalt  }
0x65: {  	_ =	shalt  }
0x66: {  	_ =	shalt  }
0x67: {  	_ =	shalt  }
0x68: {  	_ =	shalt  }
0x69: {  	_ =	shalt  }
0x6a: {  	_ =	shalt  }
0x6b: {  	_ =	shalt  }
0x6c: {  	_ =	shalt  }
0x6d: {  	_ =	shalt  }
0x6e: {  	_ =	shalt  }
0x6f: {  	_ =	shalt  }
0x70: {  	_ =	shalt  }
0x71: {  	_ =	shalt  }
0x72: {  	_ =	shalt  }
0x73: {  	_ =	shalt  }
0x74: {  	_ =	shalt  }
0x75: {  	_ =	shalt  }
0x76: {  	_ =	shalt  }
0x77: {  	_ =	shalt  }
0x78: {  	_ =	shalt  }
0x79: {  	_ =	shalt  }
0x7a: {  	_ =	shalt  }
0x7b: {  	_ =	shalt  }
0x7c: {  	_ =	shalt  }
0x7d: {  	_ =	shalt  }
0x7e: {  	_ =	shalt  }
0x7f: {  	_ =	shalt  }
0x80: {  	_ =	shalt  }
0x81: {  	_ =	shalt  }
0x82: {  	_ =	shalt  }
0x83: {  	_ =	shalt  }
0x84: {  	_ =	shalt  }
0x85: {  	_ =	shalt  }
0x86: {  	_ =	shalt  }
0x87: {  	_ =	shalt  }
.Lfunc_end0:
.L_simem_size_0:
called_computation.1_lowered:
.L_overlay_start_0:
0x88: {  	s2 =	sld [smem:$0x3FD9]  }
0x89: {  	s3 =	sld [smem:$0x3FFE];
	_ =	sdelay $0x1  }
0x8a: {  	s1 =	srdreg.scid  }
0x8b: {  	s0 =	sand.u32 $0x1, s1  }
0x8c: {  	s16 =	sshll.u32 s0, $0xA;
	s2 =	sadd.s32 s3, s2  }
0x8d: {  	s2 =	sadd.s32 s2, s16  }
0x8e: {  	[smem:$0x3FB1] =	sst s2  }
0x8f: {  	_ = 	snop  }
0x90: {  	(tm) =	ssettm $0x1  }
0x91: {  	s17 =	sld [smem:$0x3FFB];
	_ =	sdelay $0x3  }
0x92: {  	_ =	strace s17  }
0x93: {  	s2 =	sld [smem:$0x3FFC];
	_ =	sdelay $0x3  }
0x94: {  	_ =	strace s2  }
0x95: {  	s2 =	sld [smem:$0x3FFD];
	_ =	sdelay $0x3  }
0x96: {  	_ =	strace s2  }
0x97: {  	_ =	strace $0x8FFFFFFF  }
0x98: {  	s18 =	sld [smem:$0x3FDB];
	_ =	sdelay $0x1  }
0x99: {  	s19 =	simm.s32 $_scs_section_size  }
0x9a: {  	s4 =	simm.s32 $_size__tile_overlayer_lowered;
	s5 =	simm.s32 $_tile_overlayer_lowered  }
0x9b: {  	s22 =	simm.s32 $0x1BFF;
	s21 =	sshll.u32 s5, $0x1;
	s2 =	sadd.s32 s19, s18  }
0x9c: {  	s6 =	simm.s32 $0x0;
	s20 =	sshll.u32 s4, $0x1;
	s4 =	sadd.s32 s21, s2  }
0x9d: {  	[timem:s6], [sflag:s22] =	dma.local [hbm:s4], s20  }
0x9e: {  	_ =	swait.ge [sflag:s22], s20  }
0x9f: {  	s3 =	ssub.s32 $0x0, s20;
	[sflag:s22] =	ssyncset.done $0x0  }
0xa0: {  	[sflag:s22] =	ssyncadd.s32 s3;
	_ =	sdelay $0x1  }
0xa1: {  	s23 =	simm.s32 $0x1B8B  }
0xa2: {  	_ =	swait.ge [sflag:s23], $0x1  }
0xa3: {  	[sflag:s23] =	ssyncset.done $0x0  }
0xa4: {  	s25 =	simm.s32 $0x1B8E;
	s24 =	sld [smem:$0x3FFE];
	[sflag:s23] =	ssyncadd.s32 $0xFFFFFFFF  }
0xa5: {  	s26 =	simm.s32 $execute0_lowered;
	[smem:$0x3FD2] =	sst s25  }
0xa6: {  	s4 =	sshll.u32 s26, $0x1;
	_ =	strace $0x80000046;
	[dreg:$0x1] =	wrdreg $0xFFFFFFFF  }
0xa7: {  	s28 =	simm.s32 $_size_execute0_lowered;
	s2 =	sadd.s32 s2, s4;
	[dreg:$0x0] =	wrdreg $0x0  }
0xa8: {  	s4 =	sshll.u32 s28, $0x1;
	[dreg:$0x2] =	wrdreg s2  }
0xa9: {  	[dreg:$0x3] =	wrdreg s4  }
0xaa: {  	[dreg:$0x4] =	wrdreg $0xC0  }
0xab: {  	_ =	task [dreg:s6], $0x5FFFF  }
0xac: {  	[dreg:$0x1] =	wrdreg $0xFFFFFFFF  }
0xad: {  	[dreg:$0x0] =	wrdreg $0x60  }
0xae: {  	[dreg:$0x2] =	wrdreg s24  }
0xaf: {  	[dreg:$0x3] =	wrdreg $0xA  }
0xb0: {  	_ =	task.clear_ibuf [dreg:s6], $0x4FFFF;
	_ =	strace $0x90000046  }
0xb1: {  	s29 =	simm.s32 $0xA;
	_ =	strace $0x80000048  }
0xb2: {  	_ =	swait.ge [sflag:s29], $0x1  }
0xb3: {  	[sflag:s29] =	ssyncadd.s32 $0xFFFFFFFF  }
0xb4: {  	_ =	strace $0x90000048  }
0xb5: {  	_ =	sfence  }
0xb6: {  	s30 =	sld [smem:$0x0];
	_ =	sdelay $0x2  }
0xb7: {  	s31 =	sshll.u32 s1, $0xD;
	s1 =	sshrl.u32 s1, $0x2  }
0xb8: {  	s3 =	sand.u32 $0x4000, s31;
	s1 =	sadd.s32 s1, s30  }
0xb9: {  	s0 =	sor.u32 s3, s0;
	s1 =	sshll.u32 s1, $0x11  }
0xba: {  	s0 =	sor.u32 s1, s0  }
0xbb: {  	s0 =	sadd.s32 $0x8F2B, s0  }
0xbc: {  	[sflag:s0] =	ssyncadd.remote.s32 $0x1  }
0xbd: {  	_ =	sfence.sel $0xFFFF  }
0xbe: {  	[dreg:$0x0] =	wrdreg $0xFFFFFFFF;
	(pc) =	sbr.abs _section_cstart, $3  }
0xbf: {  	[dreg:$0x1] =	wrdreg $0xFFFFFFFF  }
0xc0: {  	_ =	task.clear_ibuf [dreg:s6], $0x2FFFF;
	_ =	strace $0x9FFFFFFF  }
0xc1: {  	(tm) =	ssettm $0x7FFFFFFF  }
tec
execute0_lowered:
.L_overlay_start_1:
0x0: {  	(tag) =	ssettag $0x1  }
0x1: {  	s1 =	srdreg.scid  }
0x2: {  	s0 =	stileid.u32;
	s5 =	rddreg [dreg:$0x0]  }
0x3: {  	s2 =	simm.s32 $0x0;
	s6 =	sand.u32 $0x1, s1;
	s1 =	rddreg [dreg:$0x1]  }
0x4: {  	s14 =	simm.s32 $0x0;
	s3 =	sshll.u32 s0, $0x1;
	[smem:$0x7FF] =	sst s2  }
0x5: {  	s9 =	smul.u32 $0x9C, s0;
	s11 =	sadd.s32 $0x1A800, s5;
	s12 =	sadd.s32 $0x24600, s5  }
0x6: {  	p0 =	slt.u32 s0, $0x2;
	s3 =	sor.u32 s6, s3;
	s10 =	smul.u32 $0x4E, s6  }
0x7: {  	_ =	strace $0x80000047;
	s6 =	ssub.s32 $0x2, s6;
	s4 =	smul.u32 $0x4E, s3  }
0x8: {  	s7 =	smin.u32 s3, $0x4;
	s3 =	sadd.s32 $0x19600, s5;
	s13 =	sshrl.u32 s6, $0x1  }
0x9: {  	s9 =	sadd.s32 s10, s9;
	s28 =	ssub.s32 s6, s13;
	s8 =	sadd.s32 s7, s4  }
0xa: {  	s13 =	simm.s32 $0x2880;
	s7 =	sadd.s32 s7, s9;
	s8 =	sshll.u32 s8, $0x4  }
0xb: {  	s4 =	sadd.s32 $0x1A200, s5;
	s29 =	sshll.u32 s7, $0x4;
	s8 =	sadd.s32 s8, s5  }
0xc: {  	s5 =	simm.s32 $0x4F;
	s30 =	sadd.s32 $0x10, s29;
	s31 =	sadd.s32 s29, s12  }
0xd: {  	s5 =	simm.s32 @!p0 $0x4E;
	s6 =	sadd.s32 $0xF800, s8;
	s7 =	sadd.s32 $0xFCE0, s8  }
0xe: {  	s8 =	smax.u32 s28, $0x1;
	s9 =	sadd.s32 s30, s11;
	s11 =	sadd.s32 s29, s11  }
0xf: {  	s10 =	sadd.s32 s30, s12;
	[dreg:$0x3] =	wrdreg s31;
	p0 =	sgt.u32 s0, $0x1  }
0x10: {  	s12 =	simm.s32 $0x2780;
	[dreg:$0x2] =	wrdreg s11;
	s11 =	simm.s32 $0x2  }
.LBB2_1:
0x11: {  	[tilespmem:s2], [sflag:$0x2] =	stream.linear.gather [hbm4b:s6+s2], $0x2700, $0x38;
	[tilespmem:$0x2980] =	vst v63  }
0x12: {  	_ =	swait.ge [sflag:s11], $0x2700  }
0x13: {  	[sflag:s11] =	ssyncset.done $0x0  }
0x14: {  	s15 =	simm.s32 @!p0 $0x0;
	s16 =	simm.s32 @!p0 $0x2700;
	[sflag:s11] =	ssyncadd.s32 $0xFFFFD900  }
0x15: {  	[tilespmem:s16], [sflag:$0x2] =	stream.linear.gather @!p0 [hbm4b:s7+s15], $0x80, $0x38;
	[tilespmem:$0x2980] =	vst v63  }
0x16: {  	s15 =	simm.s32 @!p0 $0x2  }
0x17: {  	_ =	swait.ge @!p0 [sflag:s15], $0x80  }
0x18: {  	[sflag:s15] =	ssyncset.done @!p0 $0x0  }
0x19: {  	[sflag:s15] =	ssyncadd.s32 @!p0 $0xFFFFFF80;
	s15 =	simm.s32 @!p0 $0x28  }
0x1a: {  	s15 =	simm.s32 @p0 $0x27  }
0x1b: {  	s16 =	sshll.u32 s15, $0x5  }
0x1c: {  	p3 =	sne.s32 s16, $0x20  }
.Ltmp0:
0x1d: {  	_ = 	snop;
	(pc) =	sbr.rel @!p3 .LBB2_2-.Ltmp0, $4  }
0x1e: {  	s17 =	simm.s32 $0x80;
	s18 =	simm.s32 $0x1;
	p1 =	sle.u32 s5, $0x0  }
0x1f: {  	[tilespmem:s12], [sflag:$0x1] =	stream.indirect.gather [hbm4b:s3+s17], $0x1, s2, s17, $0xb8;
	[tilespmem:$0x2980] =	vst v63  }
0x20: {  	p2 =	por $0x0, $0x0;
	p5 =	sle.u32 @!p1 s5, $0x1;
	s15 =	simm.s32 $0x20  }
0x21: {  	[tilespmem:s13], [sflag:$0x1] =	stream.indirect.gather [hbm4b:s4+s17], $0x1, s2, s17, $0xb8;
	[tilespmem:$0x2980] =	vst v63  }
0x22: {  	p2 =	por p5, p1  }
0x23: {  	s18 =	simm.s32 @!p2 $0x80;
	s19 =	simm.s32 @!p2 $0x2800  }
0x24: {  	[tilespmem:s19], [sflag:$0x1] =	stream.indirect.gather @!p2 [hbm4b:s3+s18], $0x1, s17, s18, $0xb8;
	[tilespmem:$0x2980] =	vst v63  }
0x25: {  	s20 =	simm.s32 @!p1 $0x1;
	s19 =	simm.s32 @!p2 $0x2900  }
0x26: {  	[tilespmem:s19], [sflag:$0x1] =	stream.indirect.gather @!p2 [hbm4b:s4+s18], $0x1, s17, s18, $0xb8;
	[tilespmem:$0x2980] =	vst v63  }
0x27: {  	_ =	swait.ge @!p1 [sflag:s20], $0x80  }
0x28: {  	[sflag:s20] =	ssyncset.done @!p1 $0x0  }
0x29: {  	[sflag:s20] =	ssyncadd.s32 @!p1 $0xFFFFFF80  }
0x2a: {  	s18 =	simm.s32 @!p1 $0x3;
	_ =	swait.ge @!p1 [sflag:s20], $0x80  }
0x2b: {  	s19 =	simm.s32 @!p1 $0x0;
	s17 =	rddreg [dreg:$0x2];
	[sflag:s20] =	ssyncset.done @!p1 $0x0  }
0x2c: {  	[sflag:s20] =	ssyncadd.s32 @!p1 $0xFFFFFF80;
	s17 =	sadd.s32 @!p1 $0x0, s17;
	s20 =	simm.s32 @!p1 $0x2780  }
0x2d: {  	[hbm4b:s17+s19] =	stream.linear.scatter @!p1 [tilespmem:s20], [sflag:$0x3], $0x80, $0x38;
	[tilespmem:$0x2980] =	vst v63  }
0x2e: {  	_ =	swait.ge @!p1 [sflag:s18], $0x80  }
0x2f: {  	s17 =	rddreg [dreg:$0x3];
	[sflag:s18] =	ssyncset.done @!p1 $0x0  }
0x30: {  	s20 =	simm.s32 @!p1 $0x2880;
	[sflag:s18] =	ssyncadd.s32 @!p1 $0xFFFFFF80;
	s17 =	sadd.s32 @!p1 $0x0, s17  }
0x31: {  	[hbm4b:s17+s19] =	stream.linear.scatter @!p1 [tilespmem:s20], [sflag:$0x3], $0x80, $0x38;
	[tilespmem:$0x2980] =	vst v63  }
0x32: {  	p3 =	sle.u32 s5, $0x1;
	_ =	swait.ge @!p1 [sflag:s18], $0x80  }
0x33: {  	p2 =	sle.u32 @!p3 s5, $0x2;
	[sflag:s18] =	ssyncset.done @!p1 $0x0  }
0x34: {  	[sflag:s18] =	ssyncadd.s32 @!p1 $0xFFFFFF80;
	p1 =	por p2, p3  }
0x35: {  	s17 =	simm.s32 @!p1 $0x100;
	s18 =	simm.s32 @!p1 $0x80;
	s19 =	simm.s32 @!p1 $0x2780  }
0x36: {  	[tilespmem:s19], [sflag:$0x1] =	stream.indirect.gather @!p1 [hbm4b:s3+s18], $0x1, s17, s18, $0xb8;
	[tilespmem:$0x2980] =	vst v63  }
0x37: {  	s20 =	simm.s32 @!p3 $0x1;
	s19 =	simm.s32 @!p1 $0x2880  }
0x38: {  	[tilespmem:s19], [sflag:$0x1] =	stream.indirect.gather @!p1 [hbm4b:s4+s18], $0x1, s17, s18, $0xb8;
	[tilespmem:$0x2980] =	vst v63  }
0x39: {  	_ =	swait.ge @!p3 [sflag:s20], $0x80  }
0x3a: {  	[sflag:s20] =	ssyncset.done @!p3 $0x0  }
0x3b: {  	[sflag:s20] =	ssyncadd.s32 @!p3 $0xFFFFFF80  }
0x3c: {  	_ =	swait.ge @!p3 [sflag:s20], $0x80  }
0x3d: {  	s21 =	simm.s32 @!p3 $0x0;
	s17 =	simm.s32 @!p3 $0x2800;
	[sflag:s20] =	ssyncset.done @!p3 $0x0  }
0x3e: {  	s18 =	sadd.s32 @!p3 $0x0, s9;
	[sflag:s20] =	ssyncadd.s32 @!p3 $0xFFFFFF80;
	s20 =	simm.s32 @!p3 $0x3  }
0x3f: {  	[hbm4b:s18+s21] =	stream.linear.scatter @!p3 [tilespmem:s17], [sflag:$0x3], $0x80, $0x38;
	[tilespmem:$0x2980] =	vst v63  }
0x40: {  	p4 =	sne.s32 s16, $0x40;
	p2 =	por $0x1, $0x1;
	_ =	swait.ge @!p3 [sflag:s20], $0x80  }
.Ltmp1:
0x41: {  	p1 =	sle.u32 s5, $0x2;
	[sflag:s20] =	ssyncset.done @!p3 $0x0;
	(pc) =	sbr.rel @!p4 .LBB2_5-.Ltmp1, $4  }
0x42: {  	s17 =	simm.s32 @!p3 $0x2900;
	s18 =	sadd.s32 @!p3 $0x0, s10;
	[sflag:s20] =	ssyncadd.s32 @!p3 $0xFFFFFF80  }
0x43: {  	[hbm4b:s18+s21] =	stream.linear.scatter @!p3 [tilespmem:s17], [sflag:$0x2], $0x80, $0x38;
	[tilespmem:$0x2980] =	vst v63  }
0x44: {  	s19 =	simm.s32 $0x40;
	p5 =	sle.u32 @!p1 s5, $0x3;
	s21 =	simm.s32 @!p3 $0x2  }
0x45: {  	s18 =	simm.s32 $0x3;
	s17 =	simm.s32 $0x180;
	_ =	swait.ge @!p3 [sflag:s21], $0x80  }
.LBB2_4:
0x46: {  	p5 =	por p5, p1;
	[sflag:s21] =	ssyncset.done @!p3 $0x0  }
0x47: {  	s22 =	simm.s32 @!p5 $0x80;
	s23 =	simm.s32 @!p5 $0x2800;
	[sflag:s21] =	ssyncadd.s32 @!p3 $0xFFFFFF80  }
0x48: {  	[tilespmem:s23], [sflag:$0x1] =	stream.indirect.gather @!p5 [hbm4b:s3+s22], $0x1, s17, s22, $0xb8;
	[tilespmem:$0x2980] =	vst v63  }
0x49: {  	s21 =	simm.s32 @!p5 $0x2900;
	s23 =	simm.s32 @!p1 $0x1  }
0x4a: {  	[tilespmem:s21], [sflag:$0x1] =	stream.indirect.gather @!p5 [hbm4b:s4+s22], $0x1, s17, s22, $0xb8;
	[tilespmem:$0x2980] =	vst v63  }
0x4b: {  	_ =	swait.ge @!p1 [sflag:s23], $0x80  }
0x4c: {  	[sflag:s23] =	ssyncset.done @!p1 $0x0  }
0x4d: {  	[sflag:s23] =	ssyncadd.s32 @!p1 $0xFFFFFF80  }
0x4e: {  	s20 =	smov.u32 s15;
	s24 =	simm.s32 @!p1 $0x2780;
	_ =	swait.ge @!p1 [sflag:s23], $0x80  }
0x4f: {  	s22 =	simm.s32 @!p1 $0x3;
	[sflag:s23] =	ssyncset.done @!p1 $0x0;
	s21 =	rddreg [dreg:$0x2]  }
0x50: {  	[sflag:s23] =	ssyncadd.s32 @!p1 $0xFFFFFF80;
	s21 =	sadd.s32 @!p1 s20, s21;
	s23 =	simm.s32 @!p1 $0x0  }
0x51: {  	[hbm4b:s21+s23] =	stream.linear.scatter @!p1 [tilespmem:s24], [sflag:$0x3], $0x80, $0x38;
	[tilespmem:$0x2980] =	vst v63  }
0x52: {  	_ =	swait.ge @!p1 [sflag:s22], $0x80  }
0x53: {  	p3 =	sge.u32 s18, s5;
	[sflag:s22] =	ssyncset.done @!p1 $0x0;
	s21 =	rddreg [dreg:$0x3]  }
0x54: {  	s24 =	simm.s32 @!p1 $0x2880;
	[sflag:s22] =	ssyncadd.s32 @!p1 $0xFFFFFF80;
	s21 =	sadd.s32 @!p1 s20, s21  }
0x55: {  	[hbm4b:s21+s23] =	stream.linear.scatter @!p1 [tilespmem:s24], [sflag:$0x3], $0x80, $0x38;
	[tilespmem:$0x2980] =	vst v63  }
0x56: {  	s21 =	sadd.s32 @!p3 $0x1, s18;
	_ =	swait.ge @!p1 [sflag:s22], $0x80  }
0x57: {  	p5 =	sge.u32 @!p3 s21, s5;
	[sflag:s22] =	ssyncset.done @!p1 $0x0  }
0x58: {  	[sflag:s22] =	ssyncadd.s32 @!p1 $0xFFFFFF80;
	p1 =	por p5, p3  }
0x59: {  	s21 =	sadd.s32 @!p1 $0x80, s17;
	s22 =	simm.s32 @!p1 $0x80;
	s23 =	simm.s32 @!p1 $0x2780  }
0x5a: {  	[tilespmem:s23], [sflag:$0x1] =	stream.indirect.gather @!p1 [hbm4b:s3+s22], $0x1, s21, s22, $0xb8;
	[tilespmem:$0x2980] =	vst v63  }
0x5b: {  	s24 =	simm.s32 @!p3 $0x1;
	s23 =	simm.s32 @!p1 $0x2880  }
0x5c: {  	[tilespmem:s23], [sflag:$0x1] =	stream.indirect.gather @!p1 [hbm4b:s4+s22], $0x1, s21, s22, $0xb8;
	[tilespmem:$0x2980] =	vst v63  }
0x5d: {  	_ =	swait.ge @!p3 [sflag:s24], $0x80  }
0x5e: {  	[sflag:s24] =	ssyncset.done @!p3 $0x0  }
0x5f: {  	s15 =	smov.u32 s19;
	s19 =	sadd.s32 $0x20, s19;
	[sflag:s24] =	ssyncadd.s32 @!p3 $0xFFFFFF80  }
0x60: {  	p4 =	sne.s32 s16, s19;
	s18 =	sadd.s32 $0x2, s18;
	_ =	swait.ge @!p3 [sflag:s24], $0x80  }
0x61: {  	s21 =	simm.s32 @!p3 $0x2800;
	s22 =	sadd.s32 @!p3 s20, s9;
	[sflag:s24] =	ssyncset.done @!p3 $0x0  }
0x62: {  	s23 =	simm.s32 @!p3 $0x0;
	[sflag:s24] =	ssyncadd.s32 @!p3 $0xFFFFFF80;
	s24 =	simm.s32 @!p3 $0x3  }
0x63: {  	[hbm4b:s22+s23] =	stream.linear.scatter @!p3 [tilespmem:s21], [sflag:$0x3], $0x80, $0x38;
	[tilespmem:$0x2980] =	vst v63  }
.Ltmp2:
0x64: {  	s31 =	sadd.s32 $0xFFFFFFFF, s18;
	_ =	swait.ge @!p3 [sflag:s24], $0x80;
	(pc) =	sbr.rel @p4 .LBB2_4-.Ltmp2, $4  }
0x65: {  	s20 =	sadd.s32 @!p3 s20, s10;
	p1 =	sge.u32 s31, s5;
	[sflag:s24] =	ssyncset.done @!p3 $0x0  }
0x66: {  	s22 =	simm.s32 @!p3 $0x2900;
	s21 =	simm.s32 @!p3 $0x2;
	[sflag:s24] =	ssyncadd.s32 @!p3 $0xFFFFFF80  }
0x67: {  	[hbm4b:s20+s23] =	stream.linear.scatter @!p3 [tilespmem:s22], [sflag:$0x2], $0x80, $0x38;
	[tilespmem:$0x2980] =	vst v63  }
0x68: {  	s17 =	sadd.s32 $0x100, s17;
	p5 =	sge.u32 @!p1 s18, s5;
	_ =	swait.ge @!p3 [sflag:s21], $0x80  }
.LBB2_5:
0x69: {  	p2 =	por p3, !p2  }
0x6a: {  	p3 =	por p5, p1;
	[sflag:s21] =	ssyncset.done @!p2 $0x0  }
0x6b: {  	s16 =	simm.s32 @!p3 $0x80;
	s19 =	simm.s32 @!p3 $0x2800;
	[sflag:s21] =	ssyncadd.s32 @!p2 $0xFFFFFF80  }
0x6c: {  	[tilespmem:s19], [sflag:$0x1] =	stream.indirect.gather @!p3 [hbm4b:s3+s16], $0x1, s17, s16, $0xb8;
	[tilespmem:$0x2980] =	vst v63  }
0x6d: {  	s20 =	simm.s32 @!p1 $0x1;
	s19 =	simm.s32 @!p3 $0x2900  }
0x6e: {  	[tilespmem:s19], [sflag:$0x1] =	stream.indirect.gather @!p3 [hbm4b:s4+s16], $0x1, s17, s16, $0xb8;
	[tilespmem:$0x2980] =	vst v63  }
0x6f: {  	_ =	swait.ge @!p1 [sflag:s20], $0x80  }
0x70: {  	[sflag:s20] =	ssyncset.done @!p1 $0x0  }
0x71: {  	[sflag:s20] =	ssyncadd.s32 @!p1 $0xFFFFFF80  }
0x72: {  	s21 =	simm.s32 @!p1 $0x2780;
	_ =	swait.ge @!p1 [sflag:s20], $0x80  }
0x73: {  	s19 =	simm.s32 @!p1 $0x3;
	s16 =	rddreg [dreg:$0x2];
	[sflag:s20] =	ssyncset.done @!p1 $0x0  }
0x74: {  	[sflag:s20] =	ssyncadd.s32 @!p1 $0xFFFFFF80;
	s16 =	sadd.s32 @!p1 s15, s16;
	s20 =	simm.s32 @!p1 $0x0  }
0x75: {  	[hbm4b:s16+s20] =	stream.linear.scatter @!p1 [tilespmem:s21], [sflag:$0x3], $0x80, $0x38;
	[tilespmem:$0x2980] =	vst v63  }
0x76: {  	_ =	swait.ge @!p1 [sflag:s19], $0x80  }
0x77: {  	p2 =	sge.u32 s18, s5;
	s16 =	rddreg [dreg:$0x3];
	[sflag:s19] =	ssyncset.done @!p1 $0x0  }
0x78: {  	s21 =	simm.s32 @!p1 $0x2880;
	[sflag:s19] =	ssyncadd.s32 @!p1 $0xFFFFFF80;
	s16 =	sadd.s32 @!p1 s15, s16  }
0x79: {  	[hbm4b:s16+s20] =	stream.linear.scatter @!p1 [tilespmem:s21], [sflag:$0x3], $0x80, $0x38;
	[tilespmem:$0x2980] =	vst v63  }
0x7a: {  	s16 =	sadd.s32 @!p2 $0x1, s18;
	_ =	swait.ge @!p1 [sflag:s19], $0x80  }
0x7b: {  	p3 =	sge.u32 @!p2 s16, s5;
	[sflag:s19] =	ssyncset.done @!p1 $0x0  }
0x7c: {  	[sflag:s19] =	ssyncadd.s32 @!p1 $0xFFFFFF80;
	p1 =	por p3, p2  }
0x7d: {  	s16 =	sadd.s32 @!p1 $0x80, s17;
	s17 =	simm.s32 @!p1 $0x80;
	s18 =	simm.s32 @!p1 $0x2780  }
0x7e: {  	[tilespmem:s18], [sflag:$0x1] =	stream.indirect.gather @!p1 [hbm4b:s3+s17], $0x1, s16, s17, $0xb8;
	[tilespmem:$0x2980] =	vst v63  }
0x7f: {  	s19 =	simm.s32 @!p2 $0x1;
	s18 =	simm.s32 @!p1 $0x2880  }
0x80: {  	[tilespmem:s18], [sflag:$0x1] =	stream.indirect.gather @!p1 [hbm4b:s4+s17], $0x1, s16, s17, $0xb8;
	[tilespmem:$0x2980] =	vst v63  }
0x81: {  	_ =	swait.ge @!p2 [sflag:s19], $0x80  }
0x82: {  	[sflag:s19] =	ssyncset.done @!p2 $0x0  }
0x83: {  	[sflag:s19] =	ssyncadd.s32 @!p2 $0xFFFFFF80  }
0x84: {  	_ =	swait.ge @!p2 [sflag:s19], $0x80  }
0x85: {  	s16 =	simm.s32 @!p2 $0x2800;
	s17 =	sadd.s32 @!p2 s15, s9;
	[sflag:s19] =	ssyncset.done @!p2 $0x0  }
0x86: {  	s18 =	simm.s32 @!p2 $0x0;
	[sflag:s19] =	ssyncadd.s32 @!p2 $0xFFFFFF80;
	s19 =	simm.s32 @!p2 $0x3  }
0x87: {  	[hbm4b:s17+s18] =	stream.linear.scatter @!p2 [tilespmem:s16], [sflag:$0x3], $0x80, $0x38;
	[tilespmem:$0x2980] =	vst v63  }
0x88: {  	_ =	swait.ge @!p2 [sflag:s19], $0x80  }
0x89: {  	s14 =	sadd.s32 $0x1, s14;
	s15 =	sadd.s32 @!p2 s15, s10;
	[sflag:s19] =	ssyncset.done @!p2 $0x0  }
0x8a: {  	p1 =	sne.s32 s14, s8;
	s16 =	simm.s32 @!p2 $0x2900;
	[sflag:s19] =	ssyncadd.s32 @!p2 $0xFFFFFF80  }
0x8b: {  	[hbm4b:s15+s18] =	stream.linear.scatter @!p2 [tilespmem:s16], [sflag:$0x2], $0x80, $0x38;
	[tilespmem:$0x2980] =	vst v63  }
.Ltmp3:
0x8c: {  	_ = 	snop;
	(pc) =	sbr.rel @p1 .LBB2_1-.Ltmp3, $4  }
.Ltmp4:
0x8d: {  	s17 =	simm.s32 @!p2 $0x2;
	(pc) =	sbr.rel @!p1 .LBB2_6-.Ltmp4, $4  }
0x8e: {  	_ =	swait.ge @!p2 [sflag:s17], $0x80  }
0x8f: {  	[sflag:s17] =	ssyncset.done @!p2 $0x0  }
0x90: {  	[sflag:s17] =	ssyncadd.s32 @!p2 $0xFFFFFF80  }
0x91: {  	_ = 	snop  }
.LBB2_2:
.Ltmp5:
0x92: {  	(pc) =	sbr.rel .LBB2_5-.Ltmp5, $2  }
0x93: {  	_ =	sdelay $0x2  }
0x94: {  	s15 =	simm.s32 $0x0  }
.LBB2_6:
0x95: {  	_ =	sfence.sel $0x180000  }
0x96: {  	[bflag:$0x0] =	sbarrier.arrive $0xFFFF  }
0x97: {  	p0 =	sne.s32 s0, $0x0;
	_ =	strace $0x90000047  }
0x98: {  	s0 =	sadd.s32 @!p0 $0x100000, s1;
	[bflag:$0x2] =	sbarrier.arrive $0xFFFF  }
0x99: {  	[sflag:s0] =	ssyncadd.tile.s32 @!p0 $0x1;
	_ =	shalt  }
.Lfunc_end2:
_tile_overlayer_lowered:
.L_overlay_start_2:
0x9a: {  	(tag) =	ssettag $0x2  }
0x9b: {  	s0 =	rddreg [dreg:$0x0];
	s2 =	stileid.u32  }
0x9c: {  	s1 =	rddreg [dreg:$0x1];
	p0 =	sne.s32 s2, $0x0  }
0x9d: {  	s3 =	rddreg [dreg:$0x2];
	[bflag:$0x3] =	sbarrier.arrive $0xFFFF;
	s2 =	simm.s32 @!p0 $0x1C02  }
0x9e: {  	[timem:s3], [sflag:s2] =	dma.local @!p0 [hbm:s0], s1  }
0x9f: {  	s0 =	simm.s32 @!p0 $0x2  }
0xa0: {  	_ =	swait.ge @!p0 [sflag:s0], s1  }
0xa1: {  	s1 =	ssub.s32 @!p0 $0x0, s1;
	[sflag:s0] =	ssyncset.done @!p0 $0x0  }
0xa2: {  	[sflag:s0] =	ssyncadd.s32 @!p0 s1  }
0xa3: {  	[bflag:$0x3] =	sbarrier.arrive $0xFFFF  }
0xa4: {  	_ =	shalt  }

</sc_bundles>
